<compile_context>
chip_gen: v7x
topology: tpu7x:2x2x1
jax: 0.10.2.dev20260603
libtpu: 0.0.44.dev20260713+nightly
codegen_flags: <defaults>
</compile_context>

<pallas_src>
import jax
import jax.numpy as jnp
from jax import lax
from jax.experimental import pallas as pl
from jax.experimental.pallas import tpu as pltpu
from jax.experimental.pallas import tpu_sc as plsc

N = 10000
E = 320000
D = 128
H = 128
OUT = 32
G = 64

try:
    _info = plsc.get_sparse_core_info()
    NC = _info.num_cores
    NS = _info.num_subcores
except ValueError:
    NC = 2
    NS = 16
NW = NC * NS

HD = D // NC
CH = 128
CHA = 100
EPT = E // NS
NCHUNK = 200
PAD_E = NCHUNK * CHA - EPT
NBUF = 5
ACC_ROWS = N + 8
ROWS_PER_TILE = 640
TAIL_ROWS = N - (NS - 1) * ROWS_PER_TILE

_mesh = plsc.VectorSubcoreMesh(
    core_axis_name="c", subcore_axis_name="s", num_cores=NC, num_subcores=NS
)


EPW = E // NW
NCHUNK_A = 79
PAD_A = NCHUNK_A * CH - EPW
DW = 16


def _deg_body(dst_r, zcol, onescol, pdeg, dstbuf, onesbuf, acc, sem0, sem1):
    c = lax.axis_index("c")
    s = lax.axis_index("s")
    w = c * NS + s

    @pl.when(s == 0)
    def _():
        pltpu.sync_copy(zcol, acc.at[pl.ds(0, N)])

    pltpu.sync_copy(dst_r.at[w], dstbuf)
    pltpu.sync_copy(onescol, onesbuf)
    plsc.subcore_barrier()

    sems = [sem0, sem1]

    def fire(g, b):
        pltpu.async_copy(onesbuf, acc.at[dstbuf.at[g]], sems[b], add=True)

    def drain(b):
        pltpu.make_async_copy(onesbuf, acc.at[dstbuf.at[0]], sems[b]).wait()

    fire(0, 0)
    fire(1, 1)

    def loop(gi, carry):
        for b in range(2):
            g = 2 + gi * 2 + b
            drain(b)
            fire(g, b)
        return carry

    lax.fori_loop(0, (NCHUNK_A - 2) // 2, loop, 0)
    for r in range((NCHUNK_A - 2) % 2):
        drain(r)
        fire(NCHUNK_A - 1, r)
    drain(0)
    drain(1)

    plsc.subcore_barrier()

    @pl.when(s == 0)
    def _():
        pltpu.sync_copy(acc.at[pl.ds(0, N)], pdeg.at[c])


_deg_call = pl.kernel(
    _deg_body,
    out_type=jax.ShapeDtypeStruct((NC, N, DW), jnp.float32),
    mesh=_mesh,
    scratch_types=[
        pltpu.VMEM((NCHUNK_A, CH), jnp.int32),
        pltpu.VMEM((CH, DW), jnp.float32),
        pltpu.VMEM_SHARED((ACC_ROWS, DW), jnp.float32),
        pltpu.SemaphoreType.DMA,
        pltpu.SemaphoreType.DMA,
    ],
    compiler_params=pltpu.CompilerParams(use_tc_tiling_on_sc=False),
)


def _agg_body(uh, src_r, dst_r, zrows, parts, srcbuf, dstbuf, rows, acc,
              g0, g1, g2, g3, g4):
    c = lax.axis_index("c")
    s = lax.axis_index("s")

    tab = uh.at[c]

    @pl.when(s < NS - 1)
    def _():
        pltpu.sync_copy(zrows,
                        acc.at[pl.ds(s * ROWS_PER_TILE, ROWS_PER_TILE)])

    @pl.when(s == NS - 1)
    def _():
        pltpu.sync_copy(
            zrows.at[pl.ds(0, TAIL_ROWS)],
            acc.at[pl.ds((NS - 1) * ROWS_PER_TILE, TAIL_ROWS)],
        )

    pltpu.sync_copy(src_r.at[s], srcbuf)
    pltpu.sync_copy(dst_r.at[s], dstbuf)
    plsc.subcore_barrier()

    gsems = [g0, g1, g2, g3, g4]

    def fire(g, b):
        pltpu.async_copy(tab.at[srcbuf.at[g]], rows.at[b], gsems[b])

    def wait_gather(b):
        pltpu.make_async_copy(tab.at[pl.ds(0, CHA)], rows.at[b],
                              gsems[b]).wait()

    def sync_scatter(g, b):
        pltpu.sync_copy(rows.at[b], acc.at[dstbuf.at[g]], add=True)

    for b in range(NBUF):
        fire(b, b)

    def loop(gi, carry):
        for b in range(NBUF):
            g = gi * NBUF + b
            wait_gather(b)
            sync_scatter(g, b)
            fire(g + NBUF, b)
        return carry

    lax.fori_loop(0, NCHUNK // NBUF - 1, loop, 0)
    for b in range(NBUF):
        g = NCHUNK - NBUF + b
        wait_gather(b)
        sync_scatter(g, b)

    plsc.subcore_barrier()
    tail = N - (NS - 1) * ROWS_PER_TILE

    @pl.when(s < NS - 1)
    def _():
        pltpu.sync_copy(
            acc.at[pl.ds(s * ROWS_PER_TILE, ROWS_PER_TILE)],
            parts.at[c, pl.ds(s * ROWS_PER_TILE, ROWS_PER_TILE), :],
        )

    @pl.when(s == NS - 1)
    def _():
        pltpu.sync_copy(
            acc.at[pl.ds((NS - 1) * ROWS_PER_TILE, tail)],
            parts.at[c, pl.ds((NS - 1) * ROWS_PER_TILE, tail), :],
        )


_agg_call = pl.kernel(
    _agg_body,
    out_type=jax.ShapeDtypeStruct((NC, N, HD), jnp.float32),
    mesh=_mesh,
    scratch_types=[
        pltpu.VMEM((NCHUNK, CHA), jnp.int32),
        pltpu.VMEM((NCHUNK, CHA), jnp.int32),
        pltpu.VMEM((NBUF, CHA, HD), jnp.float32),
        pltpu.VMEM_SHARED((ACC_ROWS, HD), jnp.float32),
    ] + [pltpu.SemaphoreType.DMA] * 5,
    compiler_params=pltpu.CompilerParams(use_tc_tiling_on_sc=False),
)


RB = 2000


def _b_body(pd_ref, x_ref, w_ref, u_ref, dinv_ref):
    deg = pd_ref[0][:, 0:1] + pd_ref[1][:, 0:1] + 1.0
    dinv = lax.rsqrt(deg)
    res = (
        jnp.dot(x_ref[...], w_ref[...], preferred_element_type=jnp.float32)
        * dinv
    )
    u_ref[0] = res[:, :HD]
    u_ref[1] = res[:, HD:]
    dinv_ref[...] = dinv


def _call_b(pdeg, x, W1):
    grid = (N // RB,)
    return pl.pallas_call(
        _b_body,
        grid=grid,
        in_specs=[
            pl.BlockSpec((NC, RB, DW), lambda i: (0, i, 0)),
            pl.BlockSpec((RB, D), lambda i: (i, 0)),
            pl.BlockSpec((D, H), lambda i: (0, 0)),
        ],
        out_specs=[
            pl.BlockSpec((NC, RB, HD), lambda i: (0, i, 0)),
            pl.BlockSpec((RB, 1), lambda i: (i, 0)),
        ],
        out_shape=[
            jax.ShapeDtypeStruct((NC, N, HD), jnp.float32),
            jax.ShapeDtypeStruct((N, 1), jnp.float32),
        ],
    )(pdeg, x, W1)


def _d_body(p_ref, u_ref, dinv_ref, b1_ref, w2_ref, u2_ref):
    pres = jnp.concatenate(
        [p_ref[0] + u_ref[0], p_ref[1] + u_ref[1]], axis=1
    )
    h1 = jnp.maximum(dinv_ref[...] * pres + b1_ref[...], 0.0)
    res = (
        jnp.dot(h1, w2_ref[...], preferred_element_type=jnp.float32)
        * dinv_ref[...]
    )
    u2_ref[0] = res[:, :HD]
    u2_ref[1] = res[:, HD:]


def _call_d(parts, u1, dinv, b1, W2):
    grid = (N // RB,)
    return pl.pallas_call(
        _d_body,
        grid=grid,
        in_specs=[
            pl.BlockSpec((NC, RB, HD), lambda i: (0, i, 0)),
            pl.BlockSpec((NC, RB, HD), lambda i: (0, i, 0)),
            pl.BlockSpec((RB, 1), lambda i: (i, 0)),
            pl.BlockSpec((1, H), lambda i: (0, 0)),
            pl.BlockSpec((H, H), lambda i: (0, 0)),
        ],
        out_specs=pl.BlockSpec((NC, RB, HD), lambda i: (0, i, 0)),
        out_shape=jax.ShapeDtypeStruct((NC, N, HD), jnp.float32),
    )(parts, u1, dinv, b1, W2)


def _e_body(p_ref, u2_ref, dinv_ref, b2_ref, batch_ref, l1w_ref, l1b_ref,
            l2w_ref, l2b_ref, out_ref, psum, cnt):
    i = pl.program_id(0)
    pres = jnp.concatenate(
        [p_ref[0] + u2_ref[0], p_ref[1] + u2_ref[1]], axis=1
    )
    h2 = jnp.maximum(dinv_ref[...] * pres + b2_ref[...], 0.0)
    bt = batch_ref[0]
    oh = (lax.broadcasted_iota(jnp.int32, (G, RB), 0) == bt).astype(
        jnp.float32
    )
    ps = jnp.dot(oh, h2, preferred_element_type=jnp.float32)
    cn = jnp.sum(oh, axis=1, keepdims=True)

    @pl.when(i == 0)
    def _():
        psum[...] = ps
        cnt[...] = cn

    @pl.when(i > 0)
    def _():
        psum[...] += ps
        cnt[...] += cn

    @pl.when(i == (N // RB) - 1)
    def _():
        pooled = psum[...] / jnp.maximum(cnt[...], 1.0)
        xf = (
            jnp.dot(pooled, l1w_ref[...], preferred_element_type=jnp.float32)
            + l1b_ref[...]
        )
        out_ref[...] = (
            jnp.dot(
                jnp.maximum(xf, 0.0),
                l2w_ref[...],
                preferred_element_type=jnp.float32,
            )
            + l2b_ref[...]
        )


def _call_e(parts, u2, dinv, b2, batch3, lin1_W, lin1_b, lin2_W, lin2_b):
    grid = (N // RB,)
    return pl.pallas_call(
        _e_body,
        grid=grid,
        in_specs=[
            pl.BlockSpec((NC, RB, HD), lambda i: (0, i, 0)),
            pl.BlockSpec((NC, RB, HD), lambda i: (0, i, 0)),
            pl.BlockSpec((RB, 1), lambda i: (i, 0)),
            pl.BlockSpec((1, H), lambda i: (0, 0)),
            pl.BlockSpec((1, 1, RB), lambda i: (i, 0, 0)),
            pl.BlockSpec((H, D), lambda i: (0, 0)),
            pl.BlockSpec((1, D), lambda i: (0, 0)),
            pl.BlockSpec((D, OUT), lambda i: (0, 0)),
            pl.BlockSpec((1, OUT), lambda i: (0, 0)),
        ],
        out_specs=pl.BlockSpec((G, OUT), lambda i: (0, 0)),
        out_shape=jax.ShapeDtypeStruct((G, OUT), jnp.float32),
        scratch_shapes=[
            pltpu.VMEM((G, H), jnp.float32),
            pltpu.VMEM((G, 1), jnp.float32),
        ],
    )(parts, u2, dinv, b2, batch3, lin1_W, lin1_b, lin2_W, lin2_b)


def kernel(x, edge_index, batch, W1, b1, W2, b2, lin1_W, lin1_b, lin2_W,
           lin2_b):
    src = edge_index[0].astype(jnp.int32)
    dst = edge_index[1].astype(jnp.int32)
    src_r = src.reshape(NS, NCHUNK, CHA)
    dst_r = dst.reshape(NS, NCHUNK, CHA)
    dst_a = jnp.concatenate(
        [dst.reshape(NW, EPW), jnp.full((NW, PAD_A), N, jnp.int32)], axis=1
    ).reshape(NW, NCHUNK_A, CH)

    zcol = jnp.zeros((N, DW), jnp.float32)
    onescol = jnp.ones((CH, DW), jnp.float32)
    zrows = jnp.zeros((ROWS_PER_TILE, HD), jnp.float32)

    pdeg = _deg_call(dst_a, zcol, onescol)
    u1, dinv = _call_b(pdeg, x, W1)
    p1 = _agg_call(u1, src_r, dst_r, zrows)
    u2 = _call_d(p1, u1, dinv, b1.reshape(1, H), W2)
    p2 = _agg_call(u2, src_r, dst_r, zrows)
    out = _call_e(
        p2, u2, dinv, b2.reshape(1, H),
        batch.reshape(N // RB, 1, RB).astype(jnp.int32),
        lin1_W, lin1_b.reshape(1, D), lin2_W, lin2_b.reshape(1, OUT),
    )
    return out

# --- scband reference (transcript-rebuilt; emitter-appended) ---
"""Pipeline reference for scband-baseline-gcn-64811056497274 (READ-ONLY COPY).

The authoritative reference and input builder live on the scoring server;
editing this copy changes nothing except your own understanding.
"""

import jax, jax.numpy as jnp
import numpy as np

N = 10000
E = 320000
D = 128
H = 128
OUT = 32
G = 64


def setup_inputs(seed: int = 0) -> dict:
    key = jax.random.key(seed)
    ks = jax.random.split(key, 12)
    x = jax.random.normal(ks[0], (N, D), dtype=jnp.float32)
    edge_index = jax.random.randint(ks[1], (2, E), 0, N)
    batch = jnp.sort(jax.random.randint(ks[2], (N,), 0, G))
    def glorot(k, fan_in, fan_out):
        s = float(np.sqrt(6.0 / (fan_in + fan_out)))
        return jax.random.uniform(k, (fan_in, fan_out), dtype=jnp.float32, minval=-s, maxval=s)
    W1 = glorot(ks[3], D, H)
    b1 = jnp.zeros((H,), dtype=jnp.float32)
    W2 = glorot(ks[4], H, H)
    b2 = jnp.zeros((H,), dtype=jnp.float32)
    lin1_W = glorot(ks[5], H, D)
    lin1_b = jnp.zeros((D,), dtype=jnp.float32)
    lin2_W = glorot(ks[6], D, OUT)
    lin2_b = jnp.zeros((OUT,), dtype=jnp.float32)
    return {"x": x, "edge_index": edge_index, "batch": batch,
            "W1": W1, "b1": b1, "W2": W2, "b2": b2,
            "lin1_W": lin1_W, "lin1_b": lin1_b, "lin2_W": lin2_W, "lin2_b": lin2_b}


def reference(x, edge_index, batch, W1, b1, W2, b2, lin1_W, lin1_b, lin2_W, lin2_b):
    # GCNConv with self-loops and symmetric normalization (PyG gcn_norm)
    src = edge_index[0]
    dst = edge_index[1]
    loops = jnp.arange(N)
    src_f = jnp.concatenate([src, loops])
    dst_f = jnp.concatenate([dst, loops])
    deg = jnp.zeros((N,), x.dtype).at[dst_f].add(1.0)
    dinv = jnp.where(deg > 0, 1.0 / jnp.sqrt(deg), 0.0)
    norm = dinv[src_f] * dinv[dst_f]

    def conv(h, W, b):
        hw = h @ W
        msg = hw[src_f] * norm[:, None]
        out = jnp.zeros((N, W.shape[1]), h.dtype).at[dst_f].add(msg)
        return out + b

    h = jax.nn.relu(conv(x, W1, b1))
    # dropout is identity in eval mode
    h = jax.nn.relu(conv(h, W2, b2))

    # global_mean_pool over batch segment ids
    sums = jnp.zeros((G, h.shape[1]), h.dtype).at[batch].add(h)
    cnt = jnp.zeros((G,), h.dtype).at[batch].add(1.0)
    pooled = sums / jnp.maximum(cnt, 1.0)[:, None]

    x_fea = pooled @ lin1_W + lin1_b
    out = jax.nn.relu(x_fea) @ lin2_W + lin2_b
    return out

if __name__ == "__main__":
    import jax
    _d = setup_inputs()
    print(jax.jit(kernel)(*tuple(_d.values())))

</pallas_src>

<mosaic_0001>
#map = affine_map<(d0, d1) -> (0, 0, 0)>
#map1 = affine_map<(d0, d1) -> (0, 0)>
module attributes {stable_mosaic.version = 14 : i64} {
  func.func @_agg_body(%arg0: i32, %arg1: i32, %arg2: memref<2x10000x64xf32, #tpu.memory_space<hbm>>, %arg3: memref<16x200x100xi32, #tpu.memory_space<hbm>>, %arg4: memref<16x200x100xi32, #tpu.memory_space<hbm>>, %arg5: memref<640x64xf32, #tpu.memory_space<hbm>>, %arg6: memref<2x10000x64xf32, #tpu.memory_space<hbm>>, %arg7: memref<200x100xi32, #tpu.memory_space<vmem>>, %arg8: memref<200x100xi32, #tpu.memory_space<vmem>>, %arg9: memref<5x100x64xf32, #tpu.memory_space<vmem>>, %arg10: memref<10008x64xf32, #tpu.memory_space<vmem_shared>>, %arg11: memref<!tpu.dma_semaphore, #tpu.memory_space<semaphore_mem>>, %arg12: memref<!tpu.dma_semaphore, #tpu.memory_space<semaphore_mem>>, %arg13: memref<!tpu.dma_semaphore, #tpu.memory_space<semaphore_mem>>, %arg14: memref<!tpu.dma_semaphore, #tpu.memory_space<semaphore_mem>>, %arg15: memref<!tpu.dma_semaphore, #tpu.memory_space<semaphore_mem>>) attributes {dimension_semantics = [#tpu.dimension_semantics<core_parallel>, #tpu.dimension_semantics<subcore_parallel>], iteration_bounds = array<i64: 2, 16>, scalar_prefetch = 0 : i64, scratch_operands = 9 : i64, tpu.core_type = #tpu.core_type<sc_vector_subcore>, window_params = [{transform_indices = #map}, {transform_indices = #map}, {transform_indices = #map}, {transform_indices = #map1}, {transform_indices = #map}]} {
    %lt3A = arith.constant 15 : i32
    %lt3A_0 = arith.cmpi slt, %arg1, %lt3A : i32
    %convert_element_type3A = arith.extui %lt3A_0 : i1 to i32
    %cond3A = arith.constant 0 : i32
    %cond3A_1 = arith.cmpi ne, %convert_element_type3A, %cond3A : i32
    scf.if %cond3A_1 {
      %mul3A = arith.constant 640 : i32
      %mul3A_224 = arith.muli %arg1, %mul3A : i32
      "tpu.region"() ({
        %run_scoped3A_225 = tpu.sem_alloc : memref<!tpu.dma_semaphore, #tpu.memory_space<semaphore_mem>>
        %dma_start3A_226 = arith.constant 0 : i32
        %dma_start3A_227 = tpu.memref_slice %arg10[%mul3A_224, %dma_start3A_226] : memref<10008x64xf32, #tpu.memory_space<vmem_shared>> -> memref<640x64xf32, #tpu.memory_space<vmem_shared>>
        tpu.enqueue_dma source(%arg5 : memref<640x64xf32, #tpu.memory_space<hbm>>) target(%dma_start3A_227 : memref<640x64xf32, #tpu.memory_space<vmem_shared>>) target_semaphore(%run_scoped3A_225 : memref<!tpu.dma_semaphore, #tpu.memory_space<semaphore_mem>>)
        %dma_wait3A_228 = arith.constant 0 : i32
        %dma_wait3A_229 = tpu.memref_slice %arg10[%mul3A_224, %dma_wait3A_228] : memref<10008x64xf32, #tpu.memory_space<vmem_shared>> -> memref<640x64xf32, #tpu.memory_space<vmem_shared>>
        tpu.wait_dma2 semaphore(%run_scoped3A_225 : memref<!tpu.dma_semaphore, #tpu.memory_space<semaphore_mem>>) src(%arg5 : memref<640x64xf32, #tpu.memory_space<hbm>>) dst(%dma_wait3A_229 : memref<640x64xf32, #tpu.memory_space<vmem_shared>>)
        tpu.yield
      }) : () -> ()
    } else {
    }
    %eq3A = arith.constant 15 : i32
    %eq3A_2 = arith.cmpi eq, %arg1, %eq3A : i32
    %convert_element_type3A_3 = arith.extui %eq3A_2 : i1 to i32
    %cond3A_4 = arith.constant 0 : i32
    %cond3A_5 = arith.cmpi ne, %convert_element_type3A_3, %cond3A_4 : i32
    scf.if %cond3A_5 {
      "tpu.region"() ({
        %run_scoped3A_224 = tpu.sem_alloc : memref<!tpu.dma_semaphore, #tpu.memory_space<semaphore_mem>>
        %dma_start3A_225 = arith.constant 9600 : i32
        %dma_start3A_226 = arith.constant 0 : i32
        %dma_start3A_227 = tpu.memref_slice %arg10[%dma_start3A_225, %dma_start3A_226] : memref<10008x64xf32, #tpu.memory_space<vmem_shared>> -> memref<400x64xf32, #tpu.memory_space<vmem_shared>>
        %dma_start3A_228 = arith.constant 0 : i32
        %dma_start3A_229 = arith.constant 0 : i32
        %dma_start3A_230 = tpu.memref_slice %arg5[%dma_start3A_228, %dma_start3A_229] : memref<640x64xf32, #tpu.memory_space<hbm>> -> memref<400x64xf32, #tpu.memory_space<hbm>>
        tpu.enqueue_dma source(%dma_start3A_230 : memref<400x64xf32, #tpu.memory_space<hbm>>) target(%dma_start3A_227 : memref<400x64xf32, #tpu.memory_space<vmem_shared>>) target_semaphore(%run_scoped3A_224 : memref<!tpu.dma_semaphore, #tpu.memory_space<semaphore_mem>>)
        %dma_wait3A_231 = arith.constant 9600 : i32
        %dma_wait3A_232 = arith.constant 0 : i32
        %dma_wait3A_233 = tpu.memref_slice %arg10[%dma_wait3A_231, %dma_wait3A_232] : memref<10008x64xf32, #tpu.memory_space<vmem_shared>> -> memref<400x64xf32, #tpu.memory_space<vmem_shared>>
        %dma_wait3A_234 = arith.constant 0 : i32
        %dma_wait3A_235 = arith.constant 0 : i32
        %dma_wait3A_236 = tpu.memref_slice %arg5[%dma_wait3A_234, %dma_wait3A_235] : memref<640x64xf32, #tpu.memory_space<hbm>> -> memref<400x64xf32, #tpu.memory_space<hbm>>
        tpu.wait_dma2 semaphore(%run_scoped3A_224 : memref<!tpu.dma_semaphore, #tpu.memory_space<semaphore_mem>>) src(%dma_wait3A_236 : memref<400x64xf32, #tpu.memory_space<hbm>>) dst(%dma_wait3A_233 : memref<400x64xf32, #tpu.memory_space<vmem_shared>>)
        tpu.yield
      }) : () -> ()
    } else {
    }
    "tpu.region"() ({
      %run_scoped3A_224 = tpu.sem_alloc : memref<!tpu.dma_semaphore, #tpu.memory_space<semaphore_mem>>
      %dma_start3A_225 = arith.constant 0 : i32
      %dma_start3A_226 = arith.constant 0 : i32
      %dma_start3A_227 = tpu.memref_slice %arg3[%arg1, %dma_start3A_225, %dma_start3A_226] : memref<16x200x100xi32, #tpu.memory_space<hbm>> -> memref<1x200x100xi32, #tpu.memory_space<hbm>>
      %dma_start3A_228 = tpu.memref_squeeze %dma_start3A_227 : memref<1x200x100xi32, #tpu.memory_space<hbm>> -> memref<200x100xi32, #tpu.memory_space<hbm>>
      %dma_start3A_229 = arith.constant 0 : i32
      %dma_start3A_230 = arith.constant 0 : i32
      %dma_start3A_231 = tpu.memref_slice %arg3[%arg1, %dma_start3A_229, %dma_start3A_230] : memref<16x200x100xi32, #tpu.memory_space<hbm>> -> memref<1x200x100xi32, #tpu.memory_space<hbm>>
      %dma_start3A_232 = tpu.memref_squeeze %dma_start3A_231 : memref<1x200x100xi32, #tpu.memory_space<hbm>> -> memref<200x100xi32, #tpu.memory_space<hbm>>
      tpu.enqueue_dma source(%dma_start3A_232 : memref<200x100xi32, #tpu.memory_space<hbm>>) target(%arg7 : memref<200x100xi32, #tpu.memory_space<vmem>>) target_semaphore(%run_scoped3A_224 : memref<!tpu.dma_semaphore, #tpu.memory_space<semaphore_mem>>)
      %dma_wait3A_233 = arith.constant 0 : i32
      %dma_wait3A_234 = arith.constant 0 : i32
      %dma_wait3A_235 = tpu.memref_slice %arg3[%arg1, %dma_wait3A_233, %dma_wait3A_234] : memref<16x200x100xi32, #tpu.memory_space<hbm>> -> memref<1x200x100xi32, #tpu.memory_space<hbm>>
      %dma_wait3A_236 = tpu.memref_squeeze %dma_wait3A_235 : memref<1x200x100xi32, #tpu.memory_space<hbm>> -> memref<200x100xi32, #tpu.memory_space<hbm>>
      %dma_wait3A_237 = arith.constant 0 : i32
      %dma_wait3A_238 = arith.constant 0 : i32
      %dma_wait3A_239 = tpu.memref_slice %arg3[%arg1, %dma_wait3A_237, %dma_wait3A_238] : memref<16x200x100xi32, #tpu.memory_space<hbm>> -> memref<1x200x100xi32, #tpu.memory_space<hbm>>
      %dma_wait3A_240 = tpu.memref_squeeze %dma_wait3A_239 : memref<1x200x100xi32, #tpu.memory_space<hbm>> -> memref<200x100xi32, #tpu.memory_space<hbm>>
      tpu.wait_dma2 semaphore(%run_scoped3A_224 : memref<!tpu.dma_semaphore, #tpu.memory_space<semaphore_mem>>) src(%dma_wait3A_240 : memref<200x100xi32, #tpu.memory_space<hbm>>) dst(%arg7 : memref<200x100xi32, #tpu.memory_space<vmem>>)
      tpu.yield
    }) : () -> ()
    "tpu.region"() ({
      %run_scoped3A_224 = tpu.sem_alloc : memref<!tpu.dma_semaphore, #tpu.memory_space<semaphore_mem>>
      %dma_start3A_225 = arith.constant 0 : i32
      %dma_start3A_226 = arith.constant 0 : i32
      %dma_start3A_227 = tpu.memref_slice %arg4[%arg1, %dma_start3A_225, %dma_start3A_226] : memref<16x200x100xi32, #tpu.memory_space<hbm>> -> memref<1x200x100xi32, #tpu.memory_space<hbm>>
      %dma_start3A_228 = tpu.memref_squeeze %dma_start3A_227 : memref<1x200x100xi32, #tpu.memory_space<hbm>> -> memref<200x100xi32, #tpu.memory_space<hbm>>
      %dma_start3A_229 = arith.constant 0 : i32
      %dma_start3A_230 = arith.constant 0 : i32
      %dma_start3A_231 = tpu.memref_slice %arg4[%arg1, %dma_start3A_229, %dma_start3A_230] : memref<16x200x100xi32, #tpu.memory_space<hbm>> -> memref<1x200x100xi32, #tpu.memory_space<hbm>>
      %dma_start3A_232 = tpu.memref_squeeze %dma_start3A_231 : memref<1x200x100xi32, #tpu.memory_space<hbm>> -> memref<200x100xi32, #tpu.memory_space<hbm>>
      tpu.enqueue_dma source(%dma_start3A_232 : memref<200x100xi32, #tpu.memory_space<hbm>>) target(%arg8 : memref<200x100xi32, #tpu.memory_space<vmem>>) target_semaphore(%run_scoped3A_224 : memref<!tpu.dma_semaphore, #tpu.memory_space<semaphore_mem>>)
      %dma_wait3A_233 = arith.constant 0 : i32
      %dma_wait3A_234 = arith.constant 0 : i32
      %dma_wait3A_235 = tpu.memref_slice %arg4[%arg1, %dma_wait3A_233, %dma_wait3A_234] : memref<16x200x100xi32, #tpu.memory_space<hbm>> -> memref<1x200x100xi32, #tpu.memory_space<hbm>>
      %dma_wait3A_236 = tpu.memref_squeeze %dma_wait3A_235 : memref<1x200x100xi32, #tpu.memory_space<hbm>> -> memref<200x100xi32, #tpu.memory_space<hbm>>
      %dma_wait3A_237 = arith.constant 0 : i32
      %dma_wait3A_238 = arith.constant 0 : i32
      %dma_wait3A_239 = tpu.memref_slice %arg4[%arg1, %dma_wait3A_237, %dma_wait3A_238] : memref<16x200x100xi32, #tpu.memory_space<hbm>> -> memref<1x200x100xi32, #tpu.memory_space<hbm>>
      %dma_wait3A_240 = tpu.memref_squeeze %dma_wait3A_239 : memref<1x200x100xi32, #tpu.memory_space<hbm>> -> memref<200x100xi32, #tpu.memory_space<hbm>>
      tpu.wait_dma2 semaphore(%run_scoped3A_224 : memref<!tpu.dma_semaphore, #tpu.memory_space<semaphore_mem>>) src(%dma_wait3A_240 : memref<200x100xi32, #tpu.memory_space<hbm>>) dst(%arg8 : memref<200x100xi32, #tpu.memory_space<vmem>>)
      tpu.yield
    }) : () -> ()
    %barrier3A = arith.constant 0 : index
    tpu.barrier barrier_id(%barrier3A)
    %dma_start3A = arith.constant 0 : i32
    %dma_start3A_6 = arith.constant 0 : i32
    %dma_start3A_7 = arith.constant 0 : i32
    %dma_start3A_8 = arith.constant 0 : i32
    %dma_start3A_9 = tpu.memref_slice %arg9[%dma_start3A_6, %dma_start3A_7, %dma_start3A_8] : memref<5x100x64xf32, #tpu.memory_space<vmem>> -> memref<1x100x64xf32, #tpu.memory_space<vmem>>
    %dma_start3A_10 = tpu.memref_squeeze %dma_start3A_9 : memref<1x100x64xf32, #tpu.memory_space<vmem>> -> memref<100x64xf32, #tpu.memory_space<vmem>>
    %dma_start3A_11 = arith.constant 0 : i32
    %dma_start3A_12 = tpu.memref_slice %arg7[%dma_start3A, %dma_start3A_11] : memref<200x100xi32, #tpu.memory_space<vmem>> -> memref<1x100xi32, #tpu.memory_space<vmem>>
    %dma_start3A_13 = tpu.memref_squeeze %dma_start3A_12 : memref<1x100xi32, #tpu.memory_space<vmem>> -> memref<100xi32, #tpu.memory_space<vmem>>
    %dma_start3A_14 = arith.constant 0 : i32
    %dma_start3A_15 = arith.constant 0 : i32
    %dma_start3A_16 = tpu.memref_slice %arg2[%arg0, %dma_start3A_14, %dma_start3A_15] : memref<2x10000x64xf32, #tpu.memory_space<hbm>> -> memref<1x10000x64xf32, #tpu.memory_space<hbm>>
    %dma_start3A_17 = tpu.memref_squeeze %dma_start3A_16 : memref<1x10000x64xf32, #tpu.memory_space<hbm>> -> memref<10000x64xf32, #tpu.memory_space<hbm>>
    %dma_start3A_18 = arith.constant 0 : i32
    %dma_start3A_19 = arith.constant 0 : i32
    %dma_start3A_20 = tpu.memref_slice %dma_start3A_17[%dma_start3A_18, %dma_start3A_19] : memref<10000x64xf32, #tpu.memory_space<hbm>> -> memref<10000x64xf32, #tpu.memory_space<hbm>>
    tpu.enqueue_indirect_dma source(%dma_start3A_20 : memref<10000x64xf32, #tpu.memory_space<hbm>>) target(%dma_start3A_10 : memref<100x64xf32, #tpu.memory_space<vmem>>) offsets(%dma_start3A_13 : memref<100xi32, #tpu.memory_space<vmem>>) semaphore(%arg11 : memref<!tpu.dma_semaphore, #tpu.memory_space<semaphore_mem>>)
    %dma_start3A_21 = arith.constant 1 : i32
    %dma_start3A_22 = arith.constant 1 : i32
    %dma_start3A_23 = arith.constant 0 : i32
    %dma_start3A_24 = arith.constant 0 : i32
    %dma_start3A_25 = tpu.memref_slice %arg9[%dma_start3A_22, %dma_start3A_23, %dma_start3A_24] : memref<5x100x64xf32, #tpu.memory_space<vmem>> -> memref<1x100x64xf32, #tpu.memory_space<vmem>>
    %dma_start3A_26 = tpu.memref_squeeze %dma_start3A_25 : memref<1x100x64xf32, #tpu.memory_space<vmem>> -> memref<100x64xf32, #tpu.memory_space<vmem>>
    %dma_start3A_27 = arith.constant 0 : i32
    %dma_start3A_28 = tpu.memref_slice %arg7[%dma_start3A_21, %dma_start3A_27] : memref<200x100xi32, #tpu.memory_space<vmem>> -> memref<1x100xi32, #tpu.memory_space<vmem>>
    %dma_start3A_29 = tpu.memref_squeeze %dma_start3A_28 : memref<1x100xi32, #tpu.memory_space<vmem>> -> memref<100xi32, #tpu.memory_space<vmem>>
    %dma_start3A_30 = arith.constant 0 : i32
    %dma_start3A_31 = arith.constant 0 : i32
    %dma_start3A_32 = tpu.memref_slice %arg2[%arg0, %dma_start3A_30, %dma_start3A_31] : memref<2x10000x64xf32, #tpu.memory_space<hbm>> -> memref<1x10000x64xf32, #tpu.memory_space<hbm>>
    %dma_start3A_33 = tpu.memref_squeeze %dma_start3A_32 : memref<1x10000x64xf32, #tpu.memory_space<hbm>> -> memref<10000x64xf32, #tpu.memory_space<hbm>>
    %dma_start3A_34 = arith.constant 0 : i32
    %dma_start3A_35 = arith.constant 0 : i32
    %dma_start3A_36 = tpu.memref_slice %dma_start3A_33[%dma_start3A_34, %dma_start3A_35] : memref<10000x64xf32, #tpu.memory_space<hbm>> -> memref<10000x64xf32, #tpu.memory_space<hbm>>
    tpu.enqueue_indirect_dma source(%dma_start3A_36 : memref<10000x64xf32, #tpu.memory_space<hbm>>) target(%dma_start3A_26 : memref<100x64xf32, #tpu.memory_space<vmem>>) offsets(%dma_start3A_29 : memref<100xi32, #tpu.memory_space<vmem>>) semaphore(%arg12 : memref<!tpu.dma_semaphore, #tpu.memory_space<semaphore_mem>>)
    %dma_start3A_37 = arith.constant 2 : i32
    %dma_start3A_38 = arith.constant 2 : i32
    %dma_start3A_39 = arith.constant 0 : i32
    %dma_start3A_40 = arith.constant 0 : i32
    %dma_start3A_41 = tpu.memref_slice %arg9[%dma_start3A_38, %dma_start3A_39, %dma_start3A_40] : memref<5x100x64xf32, #tpu.memory_space<vmem>> -> memref<1x100x64xf32, #tpu.memory_space<vmem>>
    %dma_start3A_42 = tpu.memref_squeeze %dma_start3A_41 : memref<1x100x64xf32, #tpu.memory_space<vmem>> -> memref<100x64xf32, #tpu.memory_space<vmem>>
    %dma_start3A_43 = arith.constant 0 : i32
    %dma_start3A_44 = tpu.memref_slice %arg7[%dma_start3A_37, %dma_start3A_43] : memref<200x100xi32, #tpu.memory_space<vmem>> -> memref<1x100xi32, #tpu.memory_space<vmem>>
    %dma_start3A_45 = tpu.memref_squeeze %dma_start3A_44 : memref<1x100xi32, #tpu.memory_space<vmem>> -> memref<100xi32, #tpu.memory_space<vmem>>
    %dma_start3A_46 = arith.constant 0 : i32
    %dma_start3A_47 = arith.constant 0 : i32
    %dma_start3A_48 = tpu.memref_slice %arg2[%arg0, %dma_start3A_46, %dma_start3A_47] : memref<2x10000x64xf32, #tpu.memory_space<hbm>> -> memref<1x10000x64xf32, #tpu.memory_space<hbm>>
    %dma_start3A_49 = tpu.memref_squeeze %dma_start3A_48 : memref<1x10000x64xf32, #tpu.memory_space<hbm>> -> memref<10000x64xf32, #tpu.memory_space<hbm>>
    %dma_start3A_50 = arith.constant 0 : i32
    %dma_start3A_51 = arith.constant 0 : i32
    %dma_start3A_52 = tpu.memref_slice %dma_start3A_49[%dma_start3A_50, %dma_start3A_51] : memref<10000x64xf32, #tpu.memory_space<hbm>> -> memref<10000x64xf32, #tpu.memory_space<hbm>>
    tpu.enqueue_indirect_dma source(%dma_start3A_52 : memref<10000x64xf32, #tpu.memory_space<hbm>>) target(%dma_start3A_42 : memref<100x64xf32, #tpu.memory_space<vmem>>) offsets(%dma_start3A_45 : memref<100xi32, #tpu.memory_space<vmem>>) semaphore(%arg13 : memref<!tpu.dma_semaphore, #tpu.memory_space<semaphore_mem>>)
    %dma_start3A_53 = arith.constant 3 : i32
    %dma_start3A_54 = arith.constant 3 : i32
    %dma_start3A_55 = arith.constant 0 : i32
    %dma_start3A_56 = arith.constant 0 : i32
    %dma_start3A_57 = tpu.memref_slice %arg9[%dma_start3A_54, %dma_start3A_55, %dma_start3A_56] : memref<5x100x64xf32, #tpu.memory_space<vmem>> -> memref<1x100x64xf32, #tpu.memory_space<vmem>>
    %dma_start3A_58 = tpu.memref_squeeze %dma_start3A_57 : memref<1x100x64xf32, #tpu.memory_space<vmem>> -> memref<100x64xf32, #tpu.memory_space<vmem>>
    %dma_start3A_59 = arith.constant 0 : i32
    %dma_start3A_60 = tpu.memref_slice %arg7[%dma_start3A_53, %dma_start3A_59] : memref<200x100xi32, #tpu.memory_space<vmem>> -> memref<1x100xi32, #tpu.memory_space<vmem>>
    %dma_start3A_61 = tpu.memref_squeeze %dma_start3A_60 : memref<1x100xi32, #tpu.memory_space<vmem>> -> memref<100xi32, #tpu.memory_space<vmem>>
    %dma_start3A_62 = arith.constant 0 : i32
    %dma_start3A_63 = arith.constant 0 : i32
    %dma_start3A_64 = tpu.memref_slice %arg2[%arg0, %dma_start3A_62, %dma_start3A_63] : memref<2x10000x64xf32, #tpu.memory_space<hbm>> -> memref<1x10000x64xf32, #tpu.memory_space<hbm>>
    %dma_start3A_65 = tpu.memref_squeeze %dma_start3A_64 : memref<1x10000x64xf32, #tpu.memory_space<hbm>> -> memref<10000x64xf32, #tpu.memory_space<hbm>>
    %dma_start3A_66 = arith.constant 0 : i32
    %dma_start3A_67 = arith.constant 0 : i32
    %dma_start3A_68 = tpu.memref_slice %dma_start3A_65[%dma_start3A_66, %dma_start3A_67] : memref<10000x64xf32, #tpu.memory_space<hbm>> -> memref<10000x64xf32, #tpu.memory_space<hbm>>
    tpu.enqueue_indirect_dma source(%dma_start3A_68 : memref<10000x64xf32, #tpu.memory_space<hbm>>) target(%dma_start3A_58 : memref<100x64xf32, #tpu.memory_space<vmem>>) offsets(%dma_start3A_61 : memref<100xi32, #tpu.memory_space<vmem>>) semaphore(%arg14 : memref<!tpu.dma_semaphore, #tpu.memory_space<semaphore_mem>>)
    %dma_start3A_69 = arith.constant 4 : i32
    %dma_start3A_70 = arith.constant 4 : i32
    %dma_start3A_71 = arith.constant 0 : i32
    %dma_start3A_72 = arith.constant 0 : i32
    %dma_start3A_73 = tpu.memref_slice %arg9[%dma_start3A_70, %dma_start3A_71, %dma_start3A_72] : memref<5x100x64xf32, #tpu.memory_space<vmem>> -> memref<1x100x64xf32, #tpu.memory_space<vmem>>
    %dma_start3A_74 = tpu.memref_squeeze %dma_start3A_73 : memref<1x100x64xf32, #tpu.memory_space<vmem>> -> memref<100x64xf32, #tpu.memory_space<vmem>>
    %dma_start3A_75 = arith.constant 0 : i32
    %dma_start3A_76 = tpu.memref_slice %arg7[%dma_start3A_69, %dma_start3A_75] : memref<200x100xi32, #tpu.memory_space<vmem>> -> memref<1x100xi32, #tpu.memory_space<vmem>>
    %dma_start3A_77 = tpu.memref_squeeze %dma_start3A_76 : memref<1x100xi32, #tpu.memory_space<vmem>> -> memref<100xi32, #tpu.memory_space<vmem>>
    %dma_start3A_78 = arith.constant 0 : i32
    %dma_start3A_79 = arith.constant 0 : i32
    %dma_start3A_80 = tpu.memref_slice %arg2[%arg0, %dma_start3A_78, %dma_start3A_79] : memref<2x10000x64xf32, #tpu.memory_space<hbm>> -> memref<1x10000x64xf32, #tpu.memory_space<hbm>>
    %dma_start3A_81 = tpu.memref_squeeze %dma_start3A_80 : memref<1x10000x64xf32, #tpu.memory_space<hbm>> -> memref<10000x64xf32, #tpu.memory_space<hbm>>
    %dma_start3A_82 = arith.constant 0 : i32
    %dma_start3A_83 = arith.constant 0 : i32
    %dma_start3A_84 = tpu.memref_slice %dma_start3A_81[%dma_start3A_82, %dma_start3A_83] : memref<10000x64xf32, #tpu.memory_space<hbm>> -> memref<10000x64xf32, #tpu.memory_space<hbm>>
    tpu.enqueue_indirect_dma source(%dma_start3A_84 : memref<10000x64xf32, #tpu.memory_space<hbm>>) target(%dma_start3A_74 : memref<100x64xf32, #tpu.memory_space<vmem>>) offsets(%dma_start3A_77 : memref<100xi32, #tpu.memory_space<vmem>>) semaphore(%arg15 : memref<!tpu.dma_semaphore, #tpu.memory_space<semaphore_mem>>)
    %scan3A = arith.constant 0 : i32
    %scan3A_85 = arith.constant 0 : i32
    %scan3A_86 = arith.constant 39 : i32
    %scan3A_87 = arith.addi %scan3A_85, %scan3A_86 : i32
    %scan3A_88 = arith.constant 1 : i32
    scf.for %scan3A_224 = %scan3A_85 to %scan3A_87 step %scan3A_88  : i32 {
      %mul3A = arith.constant 5 : i32
      %mul3A_225 = arith.muli %scan3A_224, %mul3A : i32
      %add3A = arith.constant 0 : i32
      %add3A_226 = arith.addi %mul3A_225, %add3A : i32
      %dma_wait3A_227 = arith.constant 0 : i32
      %dma_wait3A_228 = arith.constant 0 : i32
      %dma_wait3A_229 = arith.constant 0 : i32
      %dma_wait3A_230 = tpu.memref_slice %arg9[%dma_wait3A_227, %dma_wait3A_228, %dma_wait3A_229] : memref<5x100x64xf32, #tpu.memory_space<vmem>> -> memref<1x100x64xf32, #tpu.memory_space<vmem>>
      %dma_wait3A_231 = tpu.memref_squeeze %dma_wait3A_230 : memref<1x100x64xf32, #tpu.memory_space<vmem>> -> memref<100x64xf32, #tpu.memory_space<vmem>>
      %dma_wait3A_232 = arith.constant 0 : i32
      %dma_wait3A_233 = arith.constant 0 : i32
      %dma_wait3A_234 = tpu.memref_slice %arg2[%arg0, %dma_wait3A_232, %dma_wait3A_233] : memref<2x10000x64xf32, #tpu.memory_space<hbm>> -> memref<1x10000x64xf32, #tpu.memory_space<hbm>>
      %dma_wait3A_235 = tpu.memref_squeeze %dma_wait3A_234 : memref<1x10000x64xf32, #tpu.memory_space<hbm>> -> memref<10000x64xf32, #tpu.memory_space<hbm>>
      %dma_wait3A_236 = arith.constant 0 : i32
      %dma_wait3A_237 = arith.constant 0 : i32
      %dma_wait3A_238 = tpu.memref_slice %dma_wait3A_235[%dma_wait3A_236, %dma_wait3A_237] : memref<10000x64xf32, #tpu.memory_space<hbm>> -> memref<100x64xf32, #tpu.memory_space<hbm>>
      %dma_wait3A_239 = arith.constant 0 : i32
      %dma_wait3A_240 = arith.constant 0 : i32
      %dma_wait3A_241 = tpu.memref_slice %arg9[%dma_wait3A_227, %dma_wait3A_239, %dma_wait3A_240] : memref<5x100x64xf32, #tpu.memory_space<vmem>> -> memref<1x100x64xf32, #tpu.memory_space<vmem>>
      %dma_wait3A_242 = tpu.memref_squeeze %dma_wait3A_241 : memref<1x100x64xf32, #tpu.memory_space<vmem>> -> memref<100x64xf32, #tpu.memory_space<vmem>>
      %dma_wait3A_243 = arith.constant 0 : i32
      %dma_wait3A_244 = arith.constant 0 : i32
      %dma_wait3A_245 = tpu.memref_slice %arg2[%arg0, %dma_wait3A_243, %dma_wait3A_244] : memref<2x10000x64xf32, #tpu.memory_space<hbm>> -> memref<1x10000x64xf32, #tpu.memory_space<hbm>>
      %dma_wait3A_246 = tpu.memref_squeeze %dma_wait3A_245 : memref<1x10000x64xf32, #tpu.memory_space<hbm>> -> memref<10000x64xf32, #tpu.memory_space<hbm>>
      %dma_wait3A_247 = arith.constant 0 : i32
      %dma_wait3A_248 = arith.constant 0 : i32
      %dma_wait3A_249 = tpu.memref_slice %dma_wait3A_246[%dma_wait3A_247, %dma_wait3A_248] : memref<10000x64xf32, #tpu.memory_space<hbm>> -> memref<100x64xf32, #tpu.memory_space<hbm>>
      tpu.wait_dma2 semaphore(%arg11 : memref<!tpu.dma_semaphore, #tpu.memory_space<semaphore_mem>>) src(%dma_wait3A_249 : memref<100x64xf32, #tpu.memory_space<hbm>>) dst(%dma_wait3A_242 : memref<100x64xf32, #tpu.memory_space<vmem>>)
      %run_scoped3A_250 = arith.constant 0 : i32
      "tpu.region"() ({
        %run_scoped3A_448 = tpu.sem_alloc : memref<!tpu.dma_semaphore, #tpu.memory_space<semaphore_mem>>
        %dma_start3A_449 = arith.constant 0 : i32
        %dma_start3A_450 = arith.constant 0 : i32
        %dma_start3A_451 = tpu.memref_slice %arg9[%run_scoped3A_250, %dma_start3A_449, %dma_start3A_450] : memref<5x100x64xf32, #tpu.memory_space<vmem>> -> memref<1x100x64xf32, #tpu.memory_space<vmem>>
        %dma_start3A_452 = tpu.memref_squeeze %dma_start3A_451 : memref<1x100x64xf32, #tpu.memory_space<vmem>> -> memref<100x64xf32, #tpu.memory_space<vmem>>
        %dma_start3A_453 = arith.constant 0 : i32
        %dma_start3A_454 = tpu.memref_slice %arg8[%add3A_226, %dma_start3A_453] : memref<200x100xi32, #tpu.memory_space<vmem>> -> memref<1x100xi32, #tpu.memory_space<vmem>>
        %dma_start3A_455 = tpu.memref_squeeze %dma_start3A_454 : memref<1x100xi32, #tpu.memory_space<vmem>> -> memref<100xi32, #tpu.memory_space<vmem>>
        %dma_start3A_456 = arith.constant 0 : i32
        %dma_start3A_457 = arith.constant 0 : i32
        %dma_start3A_458 = tpu.memref_slice %arg10[%dma_start3A_456, %dma_start3A_457] : memref<10008x64xf32, #tpu.memory_space<vmem_shared>> -> memref<10008x64xf32, #tpu.memory_space<vmem_shared>>
        tpu.enqueue_indirect_dma source(%dma_start3A_452 : memref<100x64xf32, #tpu.memory_space<vmem>>) target(%dma_start3A_458 : memref<10008x64xf32, #tpu.memory_space<vmem_shared>>) offsets(%dma_start3A_455 : memref<100xi32, #tpu.memory_space<vmem>>) semaphore(%run_scoped3A_448 : memref<!tpu.dma_semaphore, #tpu.memory_space<semaphore_mem>>) {add = true}
        %dma_wait3A_459 = arith.constant 0 : i32
        %dma_wait3A_460 = arith.constant 0 : i32
        %dma_wait3A_461 = tpu.memref_slice %arg9[%run_scoped3A_250, %dma_wait3A_459, %dma_wait3A_460] : memref<5x100x64xf32, #tpu.memory_space<vmem>> -> memref<1x100x64xf32, #tpu.memory_space<vmem>>
        %dma_wait3A_462 = tpu.memref_squeeze %dma_wait3A_461 : memref<1x100x64xf32, #tpu.memory_space<vmem>> -> memref<100x64xf32, #tpu.memory_space<vmem>>
        %dma_wait3A_463 = arith.constant 0 : i32
        %dma_wait3A_464 = tpu.memref_slice %arg8[%add3A_226, %dma_wait3A_463] : memref<200x100xi32, #tpu.memory_space<vmem>> -> memref<1x100xi32, #tpu.memory_space<vmem>>
        %dma_wait3A_465 = tpu.memref_squeeze %dma_wait3A_464 : memref<1x100xi32, #tpu.memory_space<vmem>> -> memref<100xi32, #tpu.memory_space<vmem>>
        %dma_wait3A_466 = arith.constant 0 : i32
        %dma_wait3A_467 = arith.constant 0 : i32
        %dma_wait3A_468 = tpu.memref_slice %arg10[%dma_wait3A_466, %dma_wait3A_467] : memref<10008x64xf32, #tpu.memory_space<vmem_shared>> -> memref<10008x64xf32, #tpu.memory_space<vmem_shared>>
        tpu.wait_indirect_dma semaphore(%run_scoped3A_448 : memref<!tpu.dma_semaphore, #tpu.memory_space<semaphore_mem>>) src(%dma_wait3A_462 : memref<100x64xf32, #tpu.memory_space<vmem>>) dst(%dma_wait3A_468 : memref<10008x64xf32, #tpu.memory_space<vmem_shared>>)
        tpu.yield
      }) : () -> ()
      %add3A_251 = arith.constant 5 : i32
      %add3A_252 = arith.addi %add3A_226, %add3A_251 : i32
      %dma_start3A_253 = arith.constant 0 : i32
      %dma_start3A_254 = arith.constant 0 : i32
      %dma_start3A_255 = arith.constant 0 : i32
      %dma_start3A_256 = tpu.memref_slice %arg9[%dma_start3A_253, %dma_start3A_254, %dma_start3A_255] : memref<5x100x64xf32, #tpu.memory_space<vmem>> -> memref<1x100x64xf32, #tpu.memory_space<vmem>>
      %dma_start3A_257 = tpu.memref_squeeze %dma_start3A_256 : memref<1x100x64xf32, #tpu.memory_space<vmem>> -> memref<100x64xf32, #tpu.memory_space<vmem>>
      %dma_start3A_258 = arith.constant 0 : i32
      %dma_start3A_259 = tpu.memref_slice %arg7[%add3A_252, %dma_start3A_258] : memref<200x100xi32, #tpu.memory_space<vmem>> -> memref<1x100xi32, #tpu.memory_space<vmem>>
      %dma_start3A_260 = tpu.memref_squeeze %dma_start3A_259 : memref<1x100xi32, #tpu.memory_space<vmem>> -> memref<100xi32, #tpu.memory_space<vmem>>
      %dma_start3A_261 = arith.constant 0 : i32
      %dma_start3A_262 = arith.constant 0 : i32
      %dma_start3A_263 = tpu.memref_slice %arg2[%arg0, %dma_start3A_261, %dma_start3A_262] : memref<2x10000x64xf32, #tpu.memory_space<hbm>> -> memref<1x10000x64xf32, #tpu.memory_space<hbm>>
      %dma_start3A_264 = tpu.memref_squeeze %dma_start3A_263 : memref<1x10000x64xf32, #tpu.memory_space<hbm>> -> memref<10000x64xf32, #tpu.memory_space<hbm>>
      %dma_start3A_265 = arith.constant 0 : i32
      %dma_start3A_266 = arith.constant 0 : i32
      %dma_start3A_267 = tpu.memref_slice %dma_start3A_264[%dma_start3A_265, %dma_start3A_266] : memref<10000x64xf32, #tpu.memory_space<hbm>> -> memref<10000x64xf32, #tpu.memory_space<hbm>>
      tpu.enqueue_indirect_dma source(%dma_start3A_267 : memref<10000x64xf32, #tpu.memory_space<hbm>>) target(%dma_start3A_257 : memref<100x64xf32, #tpu.memory_space<vmem>>) offsets(%dma_start3A_260 : memref<100xi32, #tpu.memory_space<vmem>>) semaphore(%arg11 : memref<!tpu.dma_semaphore, #tpu.memory_space<semaphore_mem>>)
      %mul3A_268 = arith.constant 5 : i32
      %mul3A_269 = arith.muli %scan3A_224, %mul3A_268 : i32
      %add3A_270 = arith.constant 1 : i32
      %add3A_271 = arith.addi %mul3A_269, %add3A_270 : i32
      %dma_wait3A_272 = arith.constant 1 : i32
      %dma_wait3A_273 = arith.constant 0 : i32
      %dma_wait3A_274 = arith.constant 0 : i32
      %dma_wait3A_275 = tpu.memref_slice %arg9[%dma_wait3A_272, %dma_wait3A_273, %dma_wait3A_274] : memref<5x100x64xf32, #tpu.memory_space<vmem>> -> memref<1x100x64xf32, #tpu.memory_space<vmem>>
      %dma_wait3A_276 = tpu.memref_squeeze %dma_wait3A_275 : memref<1x100x64xf32, #tpu.memory_space<vmem>> -> memref<100x64xf32, #tpu.memory_space<vmem>>
      %dma_wait3A_277 = arith.constant 0 : i32
      %dma_wait3A_278 = arith.constant 0 : i32
      %dma_wait3A_279 = tpu.memref_slice %arg2[%arg0, %dma_wait3A_277, %dma_wait3A_278] : memref<2x10000x64xf32, #tpu.memory_space<hbm>> -> memref<1x10000x64xf32, #tpu.memory_space<hbm>>
      %dma_wait3A_280 = tpu.memref_squeeze %dma_wait3A_279 : memref<1x10000x64xf32, #tpu.memory_space<hbm>> -> memref<10000x64xf32, #tpu.memory_space<hbm>>
      %dma_wait3A_281 = arith.constant 0 : i32
      %dma_wait3A_282 = arith.constant 0 : i32
      %dma_wait3A_283 = tpu.memref_slice %dma_wait3A_280[%dma_wait3A_281, %dma_wait3A_282] : memref<10000x64xf32, #tpu.memory_space<hbm>> -> memref<100x64xf32, #tpu.memory_space<hbm>>
      %dma_wait3A_284 = arith.constant 0 : i32
      %dma_wait3A_285 = arith.constant 0 : i32
      %dma_wait3A_286 = tpu.memref_slice %arg9[%dma_wait3A_272, %dma_wait3A_284, %dma_wait3A_285] : memref<5x100x64xf32, #tpu.memory_space<vmem>> -> memref<1x100x64xf32, #tpu.memory_space<vmem>>
      %dma_wait3A_287 = tpu.memref_squeeze %dma_wait3A_286 : memref<1x100x64xf32, #tpu.memory_space<vmem>> -> memref<100x64xf32, #tpu.memory_space<vmem>>
      %dma_wait3A_288 = arith.constant 0 : i32
      %dma_wait3A_289 = arith.constant 0 : i32
      %dma_wait3A_290 = tpu.memref_slice %arg2[%arg0, %dma_wait3A_288, %dma_wait3A_289] : memref<2x10000x64xf32, #tpu.memory_space<hbm>> -> memref<1x10000x64xf32, #tpu.memory_space<hbm>>
      %dma_wait3A_291 = tpu.memref_squeeze %dma_wait3A_290 : memref<1x10000x64xf32, #tpu.memory_space<hbm>> -> memref<10000x64xf32, #tpu.memory_space<hbm>>
      %dma_wait3A_292 = arith.constant 0 : i32
      %dma_wait3A_293 = arith.constant 0 : i32
      %dma_wait3A_294 = tpu.memref_slice %dma_wait3A_291[%dma_wait3A_292, %dma_wait3A_293] : memref<10000x64xf32, #tpu.memory_space<hbm>> -> memref<100x64xf32, #tpu.memory_space<hbm>>
      tpu.wait_dma2 semaphore(%arg12 : memref<!tpu.dma_semaphore, #tpu.memory_space<semaphore_mem>>) src(%dma_wait3A_294 : memref<100x64xf32, #tpu.memory_space<hbm>>) dst(%dma_wait3A_287 : memref<100x64xf32, #tpu.memory_space<vmem>>)
      %run_scoped3A_295 = arith.constant 1 : i32
      "tpu.region"() ({
        %run_scoped3A_448 = tpu.sem_alloc : memref<!tpu.dma_semaphore, #tpu.memory_space<semaphore_mem>>
        %dma_start3A_449 = arith.constant 0 : i32
        %dma_start3A_450 = arith.constant 0 : i32
        %dma_start3A_451 = tpu.memref_slice %arg9[%run_scoped3A_295, %dma_start3A_449, %dma_start3A_450] : memref<5x100x64xf32, #tpu.memory_space<vmem>> -> memref<1x100x64xf32, #tpu.memory_space<vmem>>
        %dma_start3A_452 = tpu.memref_squeeze %dma_start3A_451 : memref<1x100x64xf32, #tpu.memory_space<vmem>> -> memref<100x64xf32, #tpu.memory_space<vmem>>
        %dma_start3A_453 = arith.constant 0 : i32
        %dma_start3A_454 = tpu.memref_slice %arg8[%add3A_271, %dma_start3A_453] : memref<200x100xi32, #tpu.memory_space<vmem>> -> memref<1x100xi32, #tpu.memory_space<vmem>>
        %dma_start3A_455 = tpu.memref_squeeze %dma_start3A_454 : memref<1x100xi32, #tpu.memory_space<vmem>> -> memref<100xi32, #tpu.memory_space<vmem>>
        %dma_start3A_456 = arith.constant 0 : i32
        %dma_start3A_457 = arith.constant 0 : i32
        %dma_start3A_458 = tpu.memref_slice %arg10[%dma_start3A_456, %dma_start3A_457] : memref<10008x64xf32, #tpu.memory_space<vmem_shared>> -> memref<10008x64xf32, #tpu.memory_space<vmem_shared>>
        tpu.enqueue_indirect_dma source(%dma_start3A_452 : memref<100x64xf32, #tpu.memory_space<vmem>>) target(%dma_start3A_458 : memref<10008x64xf32, #tpu.memory_space<vmem_shared>>) offsets(%dma_start3A_455 : memref<100xi32, #tpu.memory_space<vmem>>) semaphore(%run_scoped3A_448 : memref<!tpu.dma_semaphore, #tpu.memory_space<semaphore_mem>>) {add = true}
        %dma_wait3A_459 = arith.constant 0 : i32
        %dma_wait3A_460 = arith.constant 0 : i32
        %dma_wait3A_461 = tpu.memref_slice %arg9[%run_scoped3A_295, %dma_wait3A_459, %dma_wait3A_460] : memref<5x100x64xf32, #tpu.memory_space<vmem>> -> memref<1x100x64xf32, #tpu.memory_space<vmem>>
        %dma_wait3A_462 = tpu.memref_squeeze %dma_wait3A_461 : memref<1x100x64xf32, #tpu.memory_space<vmem>> -> memref<100x64xf32, #tpu.memory_space<vmem>>
        %dma_wait3A_463 = arith.constant 0 : i32
        %dma_wait3A_464 = tpu.memref_slice %arg8[%add3A_271, %dma_wait3A_463] : memref<200x100xi32, #tpu.memory_space<vmem>> -> memref<1x100xi32, #tpu.memory_space<vmem>>
        %dma_wait3A_465 = tpu.memref_squeeze %dma_wait3A_464 : memref<1x100xi32, #tpu.memory_space<vmem>> -> memref<100xi32, #tpu.memory_space<vmem>>
        %dma_wait3A_466 = arith.constant 0 : i32
        %dma_wait3A_467 = arith.constant 0 : i32
        %dma_wait3A_468 = tpu.memref_slice %arg10[%dma_wait3A_466, %dma_wait3A_467] : memref<10008x64xf32, #tpu.memory_space<vmem_shared>> -> memref<10008x64xf32, #tpu.memory_space<vmem_shared>>
        tpu.wait_indirect_dma semaphore(%run_scoped3A_448 : memref<!tpu.dma_semaphore, #tpu.memory_space<semaphore_mem>>) src(%dma_wait3A_462 : memref<100x64xf32, #tpu.memory_space<vmem>>) dst(%dma_wait3A_468 : memref<10008x64xf32, #tpu.memory_space<vmem_shared>>)
        tpu.yield
      }) : () -> ()
      %add3A_296 = arith.constant 5 : i32
      %add3A_297 = arith.addi %add3A_271, %add3A_296 : i32
      %dma_start3A_298 = arith.constant 1 : i32
      %dma_start3A_299 = arith.constant 0 : i32
      %dma_start3A_300 = arith.constant 0 : i32
      %dma_start3A_301 = tpu.memref_slice %arg9[%dma_start3A_298, %dma_start3A_299, %dma_start3A_300] : memref<5x100x64xf32, #tpu.memory_space<vmem>> -> memref<1x100x64xf32, #tpu.memory_space<vmem>>
      %dma_start3A_302 = tpu.memref_squeeze %dma_start3A_301 : memref<1x100x64xf32, #tpu.memory_space<vmem>> -> memref<100x64xf32, #tpu.memory_space<vmem>>
      %dma_start3A_303 = arith.constant 0 : i32
      %dma_start3A_304 = tpu.memref_slice %arg7[%add3A_297, %dma_start3A_303] : memref<200x100xi32, #tpu.memory_space<vmem>> -> memref<1x100xi32, #tpu.memory_space<vmem>>
      %dma_start3A_305 = tpu.memref_squeeze %dma_start3A_304 : memref<1x100xi32, #tpu.memory_space<vmem>> -> memref<100xi32, #tpu.memory_space<vmem>>
      %dma_start3A_306 = arith.constant 0 : i32
      %dma_start3A_307 = arith.constant 0 : i32
      %dma_start3A_308 = tpu.memref_slice %arg2[%arg0, %dma_start3A_306, %dma_start3A_307] : memref<2x10000x64xf32, #tpu.memory_space<hbm>> -> memref<1x10000x64xf32, #tpu.memory_space<hbm>>
      %dma_start3A_309 = tpu.memref_squeeze %dma_start3A_308 : memref<1x10000x64xf32, #tpu.memory_space<hbm>> -> memref<10000x64xf32, #tpu.memory_space<hbm>>
      %dma_start3A_310 = arith.constant 0 : i32
      %dma_start3A_311 = arith.constant 0 : i32
      %dma_start3A_312 = tpu.memref_slice %dma_start3A_309[%dma_start3A_310, %dma_start3A_311] : memref<10000x64xf32, #tpu.memory_space<hbm>> -> memref<10000x64xf32, #tpu.memory_space<hbm>>
      tpu.enqueue_indirect_dma source(%dma_start3A_312 : memref<10000x64xf32, #tpu.memory_space<hbm>>) target(%dma_start3A_302 : memref<100x64xf32, #tpu.memory_space<vmem>>) offsets(%dma_start3A_305 : memref<100xi32, #tpu.memory_space<vmem>>) semaphore(%arg12 : memref<!tpu.dma_semaphore, #tpu.memory_space<semaphore_mem>>)
      %mul3A_313 = arith.constant 5 : i32
      %mul3A_314 = arith.muli %scan3A_224, %mul3A_313 : i32
      %add3A_315 = arith.constant 2 : i32
      %add3A_316 = arith.addi %mul3A_314, %add3A_315 : i32
      %dma_wait3A_317 = arith.constant 2 : i32
      %dma_wait3A_318 = arith.constant 0 : i32
      %dma_wait3A_319 = arith.constant 0 : i32
      %dma_wait3A_320 = tpu.memref_slice %arg9[%dma_wait3A_317, %dma_wait3A_318, %dma_wait3A_319] : memref<5x100x64xf32, #tpu.memory_space<vmem>> -> memref<1x100x64xf32, #tpu.memory_space<vmem>>
      %dma_wait3A_321 = tpu.memref_squeeze %dma_wait3A_320 : memref<1x100x64xf32, #tpu.memory_space<vmem>> -> memref<100x64xf32, #tpu.memory_space<vmem>>
      %dma_wait3A_322 = arith.constant 0 : i32
      %dma_wait3A_323 = arith.constant 0 : i32
      %dma_wait3A_324 = tpu.memref_slice %arg2[%arg0, %dma_wait3A_322, %dma_wait3A_323] : memref<2x10000x64xf32, #tpu.memory_space<hbm>> -> memref<1x10000x64xf32, #tpu.memory_space<hbm>>
      %dma_wait3A_325 = tpu.memref_squeeze %dma_wait3A_324 : memref<1x10000x64xf32, #tpu.memory_space<hbm>> -> memref<10000x64xf32, #tpu.memory_space<hbm>>
      %dma_wait3A_326 = arith.constant 0 : i32
      %dma_wait3A_327 = arith.constant 0 : i32
      %dma_wait3A_328 = tpu.memref_slice %dma_wait3A_325[%dma_wait3A_326, %dma_wait3A_327] : memref<10000x64xf32, #tpu.memory_space<hbm>> -> memref<100x64xf32, #tpu.memory_space<hbm>>
      %dma_wait3A_329 = arith.constant 0 : i32
      %dma_wait3A_330 = arith.constant 0 : i32
      %dma_wait3A_331 = tpu.memref_slice %arg9[%dma_wait3A_317, %dma_wait3A_329, %dma_wait3A_330] : memref<5x100x64xf32, #tpu.memory_space<vmem>> -> memref<1x100x64xf32, #tpu.memory_space<vmem>>
      %dma_wait3A_332 = tpu.memref_squeeze %dma_wait3A_331 : memref<1x100x64xf32, #tpu.memory_space<vmem>> -> memref<100x64xf32, #tpu.memory_space<vmem>>
      %dma_wait3A_333 = arith.constant 0 : i32
      %dma_wait3A_334 = arith.constant 0 : i32
      %dma_wait3A_335 = tpu.memref_slice %arg2[%arg0, %dma_wait3A_333, %dma_wait3A_334] : memref<2x10000x64xf32, #tpu.memory_space<hbm>> -> memref<1x10000x64xf32, #tpu.memory_space<hbm>>
      %dma_wait3A_336 = tpu.memref_squeeze %dma_wait3A_335 : memref<1x10000x64xf32, #tpu.memory_space<hbm>> -> memref<10000x64xf32, #tpu.memory_space<hbm>>
      %dma_wait3A_337 = arith.constant 0 : i32
      %dma_wait3A_338 = arith.constant 0 : i32
      %dma_wait3A_339 = tpu.memref_slice %dma_wait3A_336[%dma_wait3A_337, %dma_wait3A_338] : memref<10000x64xf32, #tpu.memory_space<hbm>> -> memref<100x64xf32, #tpu.memory_space<hbm>>
      tpu.wait_dma2 semaphore(%arg13 : memref<!tpu.dma_semaphore, #tpu.memory_space<semaphore_mem>>) src(%dma_wait3A_339 : memref<100x64xf32, #tpu.memory_space<hbm>>) dst(%dma_wait3A_332 : memref<100x64xf32, #tpu.memory_space<vmem>>)
      %run_scoped3A_340 = arith.constant 2 : i32
      "tpu.region"() ({
        %run_scoped3A_448 = tpu.sem_alloc : memref<!tpu.dma_semaphore, #tpu.memory_space<semaphore_mem>>
        %dma_start3A_449 = arith.constant 0 : i32
        %dma_start3A_450 = arith.constant 0 : i32
        %dma_start3A_451 = tpu.memref_slice %arg9[%run_scoped3A_340, %dma_start3A_449, %dma_start3A_450] : memref<5x100x64xf32, #tpu.memory_space<vmem>> -> memref<1x100x64xf32, #tpu.memory_space<vmem>>
        %dma_start3A_452 = tpu.memref_squeeze %dma_start3A_451 : memref<1x100x64xf32, #tpu.memory_space<vmem>> -> memref<100x64xf32, #tpu.memory_space<vmem>>
        %dma_start3A_453 = arith.constant 0 : i32
        %dma_start3A_454 = tpu.memref_slice %arg8[%add3A_316, %dma_start3A_453] : memref<200x100xi32, #tpu.memory_space<vmem>> -> memref<1x100xi32, #tpu.memory_space<vmem>>
        %dma_start3A_455 = tpu.memref_squeeze %dma_start3A_454 : memref<1x100xi32, #tpu.memory_space<vmem>> -> memref<100xi32, #tpu.memory_space<vmem>>
        %dma_start3A_456 = arith.constant 0 : i32
        %dma_start3A_457 = arith.constant 0 : i32
        %dma_start3A_458 = tpu.memref_slice %arg10[%dma_start3A_456, %dma_start3A_457] : memref<10008x64xf32, #tpu.memory_space<vmem_shared>> -> memref<10008x64xf32, #tpu.memory_space<vmem_shared>>
        tpu.enqueue_indirect_dma source(%dma_start3A_452 : memref<100x64xf32, #tpu.memory_space<vmem>>) target(%dma_start3A_458 : memref<10008x64xf32, #tpu.memory_space<vmem_shared>>) offsets(%dma_start3A_455 : memref<100xi32, #tpu.memory_space<vmem>>) semaphore(%run_scoped3A_448 : memref<!tpu.dma_semaphore, #tpu.memory_space<semaphore_mem>>) {add = true}
        %dma_wait3A_459 = arith.constant 0 : i32
        %dma_wait3A_460 = arith.constant 0 : i32
        %dma_wait3A_461 = tpu.memref_slice %arg9[%run_scoped3A_340, %dma_wait3A_459, %dma_wait3A_460] : memref<5x100x64xf32, #tpu.memory_space<vmem>> -> memref<1x100x64xf32, #tpu.memory_space<vmem>>
        %dma_wait3A_462 = tpu.memref_squeeze %dma_wait3A_461 : memref<1x100x64xf32, #tpu.memory_space<vmem>> -> memref<100x64xf32, #tpu.memory_space<vmem>>
        %dma_wait3A_463 = arith.constant 0 : i32
        %dma_wait3A_464 = tpu.memref_slice %arg8[%add3A_316, %dma_wait3A_463] : memref<200x100xi32, #tpu.memory_space<vmem>> -> memref<1x100xi32, #tpu.memory_space<vmem>>
        %dma_wait3A_465 = tpu.memref_squeeze %dma_wait3A_464 : memref<1x100xi32, #tpu.memory_space<vmem>> -> memref<100xi32, #tpu.memory_space<vmem>>
        %dma_wait3A_466 = arith.constant 0 : i32
        %dma_wait3A_467 = arith.constant 0 : i32
        %dma_wait3A_468 = tpu.memref_slice %arg10[%dma_wait3A_466, %dma_wait3A_467] : memref<10008x64xf32, #tpu.memory_space<vmem_shared>> -> memref<10008x64xf32, #tpu.memory_space<vmem_shared>>
        tpu.wait_indirect_dma semaphore(%run_scoped3A_448 : memref<!tpu.dma_semaphore, #tpu.memory_space<semaphore_mem>>) src(%dma_wait3A_462 : memref<100x64xf32, #tpu.memory_space<vmem>>) dst(%dma_wait3A_468 : memref<10008x64xf32, #tpu.memory_space<vmem_shared>>)
        tpu.yield
      }) : () -> ()
      %add3A_341 = arith.constant 5 : i32
      %add3A_342 = arith.addi %add3A_316, %add3A_341 : i32
      %dma_start3A_343 = arith.constant 2 : i32
      %dma_start3A_344 = arith.constant 0 : i32
      %dma_start3A_345 = arith.constant 0 : i32
      %dma_start3A_346 = tpu.memref_slice %arg9[%dma_start3A_343, %dma_start3A_344, %dma_start3A_345] : memref<5x100x64xf32, #tpu.memory_space<vmem>> -> memref<1x100x64xf32, #tpu.memory_space<vmem>>
      %dma_start3A_347 = tpu.memref_squeeze %dma_start3A_346 : memref<1x100x64xf32, #tpu.memory_space<vmem>> -> memref<100x64xf32, #tpu.memory_space<vmem>>
      %dma_start3A_348 = arith.constant 0 : i32
      %dma_start3A_349 = tpu.memref_slice %arg7[%add3A_342, %dma_start3A_348] : memref<200x100xi32, #tpu.memory_space<vmem>> -> memref<1x100xi32, #tpu.memory_space<vmem>>
      %dma_start3A_350 = tpu.memref_squeeze %dma_start3A_349 : memref<1x100xi32, #tpu.memory_space<vmem>> -> memref<100xi32, #tpu.memory_space<vmem>>
      %dma_start3A_351 = arith.constant 0 : i32
      %dma_start3A_352 = arith.constant 0 : i32
      %dma_start3A_353 = tpu.memref_slice %arg2[%arg0, %dma_start3A_351, %dma_start3A_352] : memref<2x10000x64xf32, #tpu.memory_space<hbm>> -> memref<1x10000x64xf32, #tpu.memory_space<hbm>>
      %dma_start3A_354 = tpu.memref_squeeze %dma_start3A_353 : memref<1x10000x64xf32, #tpu.memory_space<hbm>> -> memref<10000x64xf32, #tpu.memory_space<hbm>>
      %dma_start3A_355 = arith.constant 0 : i32
      %dma_start3A_356 = arith.constant 0 : i32
      %dma_start3A_357 = tpu.memref_slice %dma_start3A_354[%dma_start3A_355, %dma_start3A_356] : memref<10000x64xf32, #tpu.memory_space<hbm>> -> memref<10000x64xf32, #tpu.memory_space<hbm>>
      tpu.enqueue_indirect_dma source(%dma_start3A_357 : memref<10000x64xf32, #tpu.memory_space<hbm>>) target(%dma_start3A_347 : memref<100x64xf32, #tpu.memory_space<vmem>>) offsets(%dma_start3A_350 : memref<100xi32, #tpu.memory_space<vmem>>) semaphore(%arg13 : memref<!tpu.dma_semaphore, #tpu.memory_space<semaphore_mem>>)
      %mul3A_358 = arith.constant 5 : i32
      %mul3A_359 = arith.muli %scan3A_224, %mul3A_358 : i32
      %add3A_360 = arith.constant 3 : i32
      %add3A_361 = arith.addi %mul3A_359, %add3A_360 : i32
      %dma_wait3A_362 = arith.constant 3 : i32
      %dma_wait3A_363 = arith.constant 0 : i32
      %dma_wait3A_364 = arith.constant 0 : i32
      %dma_wait3A_365 = tpu.memref_slice %arg9[%dma_wait3A_362, %dma_wait3A_363, %dma_wait3A_364] : memref<5x100x64xf32, #tpu.memory_space<vmem>> -> memref<1x100x64xf32, #tpu.memory_space<vmem>>
      %dma_wait3A_366 = tpu.memref_squeeze %dma_wait3A_365 : memref<1x100x64xf32, #tpu.memory_space<vmem>> -> memref<100x64xf32, #tpu.memory_space<vmem>>
      %dma_wait3A_367 = arith.constant 0 : i32
      %dma_wait3A_368 = arith.constant 0 : i32
      %dma_wait3A_369 = tpu.memref_slice %arg2[%arg0, %dma_wait3A_367, %dma_wait3A_368] : memref<2x10000x64xf32, #tpu.memory_space<hbm>> -> memref<1x10000x64xf32, #tpu.memory_space<hbm>>
      %dma_wait3A_370 = tpu.memref_squeeze %dma_wait3A_369 : memref<1x10000x64xf32, #tpu.memory_space<hbm>> -> memref<10000x64xf32, #tpu.memory_space<hbm>>
      %dma_wait3A_371 = arith.constant 0 : i32
      %dma_wait3A_372 = arith.constant 0 : i32
      %dma_wait3A_373 = tpu.memref_slice %dma_wait3A_370[%dma_wait3A_371, %dma_wait3A_372] : memref<10000x64xf32, #tpu.memory_space<hbm>> -> memref<100x64xf32, #tpu.memory_space<hbm>>
      %dma_wait3A_374 = arith.constant 0 : i32
      %dma_wait3A_375 = arith.constant 0 : i32
      %dma_wait3A_376 = tpu.memref_slice %arg9[%dma_wait3A_362, %dma_wait3A_374, %dma_wait3A_375] : memref<5x100x64xf32, #tpu.memory_space<vmem>> -> memref<1x100x64xf32, #tpu.memory_space<vmem>>
      %dma_wait3A_377 = tpu.memref_squeeze %dma_wait3A_376 : memref<1x100x64xf32, #tpu.memory_space<vmem>> -> memref<100x64xf32, #tpu.memory_space<vmem>>
      %dma_wait3A_378 = arith.constant 0 : i32
      %dma_wait3A_379 = arith.constant 0 : i32
      %dma_wait3A_380 = tpu.memref_slice %arg2[%arg0, %dma_wait3A_378, %dma_wait3A_379] : memref<2x10000x64xf32, #tpu.memory_space<hbm>> -> memref<1x10000x64xf32, #tpu.memory_space<hbm>>
      %dma_wait3A_381 = tpu.memref_squeeze %dma_wait3A_380 : memref<1x10000x64xf32, #tpu.memory_space<hbm>> -> memref<10000x64xf32, #tpu.memory_space<hbm>>
      %dma_wait3A_382 = arith.constant 0 : i32
      %dma_wait3A_383 = arith.constant 0 : i32
      %dma_wait3A_384 = tpu.memref_slice %dma_wait3A_381[%dma_wait3A_382, %dma_wait3A_383] : memref<10000x64xf32, #tpu.memory_space<hbm>> -> memref<100x64xf32, #tpu.memory_space<hbm>>
      tpu.wait_dma2 semaphore(%arg14 : memref<!tpu.dma_semaphore, #tpu.memory_space<semaphore_mem>>) src(%dma_wait3A_384 : memref<100x64xf32, #tpu.memory_space<hbm>>) dst(%dma_wait3A_377 : memref<100x64xf32, #tpu.memory_space<vmem>>)
      %run_scoped3A_385 = arith.constant 3 : i32
      "tpu.region"() ({
        %run_scoped3A_448 = tpu.sem_alloc : memref<!tpu.dma_semaphore, #tpu.memory_space<semaphore_mem>>
        %dma_start3A_449 = arith.constant 0 : i32
        %dma_start3A_450 = arith.constant 0 : i32
        %dma_start3A_451 = tpu.memref_slice %arg9[%run_scoped3A_385, %dma_start3A_449, %dma_start3A_450] : memref<5x100x64xf32, #tpu.memory_space<vmem>> -> memref<1x100x64xf32, #tpu.memory_space<vmem>>
        %dma_start3A_452 = tpu.memref_squeeze %dma_start3A_451 : memref<1x100x64xf32, #tpu.memory_space<vmem>> -> memref<100x64xf32, #tpu.memory_space<vmem>>
        %dma_start3A_453 = arith.constant 0 : i32
        %dma_start3A_454 = tpu.memref_slice %arg8[%add3A_361, %dma_start3A_453] : memref<200x100xi32, #tpu.memory_space<vmem>> -> memref<1x100xi32, #tpu.memory_space<vmem>>
        %dma_start3A_455 = tpu.memref_squeeze %dma_start3A_454 : memref<1x100xi32, #tpu.memory_space<vmem>> -> memref<100xi32, #tpu.memory_space<vmem>>
        %dma_start3A_456 = arith.constant 0 : i32
        %dma_start3A_457 = arith.constant 0 : i32
        %dma_start3A_458 = tpu.memref_slice %arg10[%dma_start3A_456, %dma_start3A_457] : memref<10008x64xf32, #tpu.memory_space<vmem_shared>> -> memref<10008x64xf32, #tpu.memory_space<vmem_shared>>
        tpu.enqueue_indirect_dma source(%dma_start3A_452 : memref<100x64xf32, #tpu.memory_space<vmem>>) target(%dma_start3A_458 : memref<10008x64xf32, #tpu.memory_space<vmem_shared>>) offsets(%dma_start3A_455 : memref<100xi32, #tpu.memory_space<vmem>>) semaphore(%run_scoped3A_448 : memref<!tpu.dma_semaphore, #tpu.memory_space<semaphore_mem>>) {add = true}
        %dma_wait3A_459 = arith.constant 0 : i32
        %dma_wait3A_460 = arith.constant 0 : i32
        %dma_wait3A_461 = tpu.memref_slice %arg9[%run_scoped3A_385, %dma_wait3A_459, %dma_wait3A_460] : memref<5x100x64xf32, #tpu.memory_space<vmem>> -> memref<1x100x64xf32, #tpu.memory_space<vmem>>
        %dma_wait3A_462 = tpu.memref_squeeze %dma_wait3A_461 : memref<1x100x64xf32, #tpu.memory_space<vmem>> -> memref<100x64xf32, #tpu.memory_space<vmem>>
        %dma_wait3A_463 = arith.constant 0 : i32
        %dma_wait3A_464 = tpu.memref_slice %arg8[%add3A_361, %dma_wait3A_463] : memref<200x100xi32, #tpu.memory_space<vmem>> -> memref<1x100xi32, #tpu.memory_space<vmem>>
        %dma_wait3A_465 = tpu.memref_squeeze %dma_wait3A_464 : memref<1x100xi32, #tpu.memory_space<vmem>> -> memref<100xi32, #tpu.memory_space<vmem>>
        %dma_wait3A_466 = arith.constant 0 : i32
        %dma_wait3A_467 = arith.constant 0 : i32
        %dma_wait3A_468 = tpu.memref_slice %arg10[%dma_wait3A_466, %dma_wait3A_467] : memref<10008x64xf32, #tpu.memory_space<vmem_shared>> -> memref<10008x64xf32, #tpu.memory_space<vmem_shared>>
        tpu.wait_indirect_dma semaphore(%run_scoped3A_448 : memref<!tpu.dma_semaphore, #tpu.memory_space<semaphore_mem>>) src(%dma_wait3A_462 : memref<100x64xf32, #tpu.memory_space<vmem>>) dst(%dma_wait3A_468 : memref<10008x64xf32, #tpu.memory_space<vmem_shared>>)
        tpu.yield
      }) : () -> ()
      %add3A_386 = arith.constant 5 : i32
      %add3A_387 = arith.addi %add3A_361, %add3A_386 : i32
      %dma_start3A_388 = arith.constant 3 : i32
      %dma_start3A_389 = arith.constant 0 : i32
      %dma_start3A_390 = arith.constant 0 : i32
      %dma_start3A_391 = tpu.memref_slice %arg9[%dma_start3A_388, %dma_start3A_389, %dma_start3A_390] : memref<5x100x64xf32, #tpu.memory_space<vmem>> -> memref<1x100x64xf32, #tpu.memory_space<vmem>>
      %dma_start3A_392 = tpu.memref_squeeze %dma_start3A_391 : memref<1x100x64xf32, #tpu.memory_space<vmem>> -> memref<100x64xf32, #tpu.memory_space<vmem>>
      %dma_start3A_393 = arith.constant 0 : i32
      %dma_start3A_394 = tpu.memref_slice %arg7[%add3A_387, %dma_start3A_393] : memref<200x100xi32, #tpu.memory_space<vmem>> -> memref<1x100xi32, #tpu.memory_space<vmem>>
      %dma_start3A_395 = tpu.memref_squeeze %dma_start3A_394 : memref<1x100xi32, #tpu.memory_space<vmem>> -> memref<100xi32, #tpu.memory_space<vmem>>
      %dma_start3A_396 = arith.constant 0 : i32
      %dma_start3A_397 = arith.constant 0 : i32
      %dma_start3A_398 = tpu.memref_slice %arg2[%arg0, %dma_start3A_396, %dma_start3A_397] : memref<2x10000x64xf32, #tpu.memory_space<hbm>> -> memref<1x10000x64xf32, #tpu.memory_space<hbm>>
      %dma_start3A_399 = tpu.memref_squeeze %dma_start3A_398 : memref<1x10000x64xf32, #tpu.memory_space<hbm>> -> memref<10000x64xf32, #tpu.memory_space<hbm>>
      %dma_start3A_400 = arith.constant 0 : i32
      %dma_start3A_401 = arith.constant 0 : i32
      %dma_start3A_402 = tpu.memref_slice %dma_start3A_399[%dma_start3A_400, %dma_start3A_401] : memref<10000x64xf32, #tpu.memory_space<hbm>> -> memref<10000x64xf32, #tpu.memory_space<hbm>>
      tpu.enqueue_indirect_dma source(%dma_start3A_402 : memref<10000x64xf32, #tpu.memory_space<hbm>>) target(%dma_start3A_392 : memref<100x64xf32, #tpu.memory_space<vmem>>) offsets(%dma_start3A_395 : memref<100xi32, #tpu.memory_space<vmem>>) semaphore(%arg14 : memref<!tpu.dma_semaphore, #tpu.memory_space<semaphore_mem>>)
      %mul3A_403 = arith.constant 5 : i32
      %mul3A_404 = arith.muli %scan3A_224, %mul3A_403 : i32
      %add3A_405 = arith.constant 4 : i32
      %add3A_406 = arith.addi %mul3A_404, %add3A_405 : i32
      %dma_wait3A_407 = arith.constant 4 : i32
      %dma_wait3A_408 = arith.constant 0 : i32
      %dma_wait3A_409 = arith.constant 0 : i32
      %dma_wait3A_410 = tpu.memref_slice %arg9[%dma_wait3A_407, %dma_wait3A_408, %dma_wait3A_409] : memref<5x100x64xf32, #tpu.memory_space<vmem>> -> memref<1x100x64xf32, #tpu.memory_space<vmem>>
      %dma_wait3A_411 = tpu.memref_squeeze %dma_wait3A_410 : memref<1x100x64xf32, #tpu.memory_space<vmem>> -> memref<100x64xf32, #tpu.memory_space<vmem>>
      %dma_wait3A_412 = arith.constant 0 : i32
      %dma_wait3A_413 = arith.constant 0 : i32
      %dma_wait3A_414 = tpu.memref_slice %arg2[%arg0, %dma_wait3A_412, %dma_wait3A_413] : memref<2x10000x64xf32, #tpu.memory_space<hbm>> -> memref<1x10000x64xf32, #tpu.memory_space<hbm>>
      %dma_wait3A_415 = tpu.memref_squeeze %dma_wait3A_414 : memref<1x10000x64xf32, #tpu.memory_space<hbm>> -> memref<10000x64xf32, #tpu.memory_space<hbm>>
      %dma_wait3A_416 = arith.constant 0 : i32
      %dma_wait3A_417 = arith.constant 0 : i32
      %dma_wait3A_418 = tpu.memref_slice %dma_wait3A_415[%dma_wait3A_416, %dma_wait3A_417] : memref<10000x64xf32, #tpu.memory_space<hbm>> -> memref<100x64xf32, #tpu.memory_space<hbm>>
      %dma_wait3A_419 = arith.constant 0 : i32
      %dma_wait3A_420 = arith.constant 0 : i32
      %dma_wait3A_421 = tpu.memref_slice %arg9[%dma_wait3A_407, %dma_wait3A_419, %dma_wait3A_420] : memref<5x100x64xf32, #tpu.memory_space<vmem>> -> memref<1x100x64xf32, #tpu.memory_space<vmem>>
      %dma_wait3A_422 = tpu.memref_squeeze %dma_wait3A_421 : memref<1x100x64xf32, #tpu.memory_space<vmem>> -> memref<100x64xf32, #tpu.memory_space<vmem>>
      %dma_wait3A_423 = arith.constant 0 : i32
      %dma_wait3A_424 = arith.constant 0 : i32
      %dma_wait3A_425 = tpu.memref_slice %arg2[%arg0, %dma_wait3A_423, %dma_wait3A_424] : memref<2x10000x64xf32, #tpu.memory_space<hbm>> -> memref<1x10000x64xf32, #tpu.memory_space<hbm>>
      %dma_wait3A_426 = tpu.memref_squeeze %dma_wait3A_425 : memref<1x10000x64xf32, #tpu.memory_space<hbm>> -> memref<10000x64xf32, #tpu.memory_space<hbm>>
      %dma_wait3A_427 = arith.constant 0 : i32
      %dma_wait3A_428 = arith.constant 0 : i32
      %dma_wait3A_429 = tpu.memref_slice %dma_wait3A_426[%dma_wait3A_427, %dma_wait3A_428] : memref<10000x64xf32, #tpu.memory_space<hbm>> -> memref<100x64xf32, #tpu.memory_space<hbm>>
      tpu.wait_dma2 semaphore(%arg15 : memref<!tpu.dma_semaphore, #tpu.memory_space<semaphore_mem>>) src(%dma_wait3A_429 : memref<100x64xf32, #tpu.memory_space<hbm>>) dst(%dma_wait3A_422 : memref<100x64xf32, #tpu.memory_space<vmem>>)
      %run_scoped3A_430 = arith.constant 4 : i32
      "tpu.region"() ({
        %run_scoped3A_448 = tpu.sem_alloc : memref<!tpu.dma_semaphore, #tpu.memory_space<semaphore_mem>>
        %dma_start3A_449 = arith.constant 0 : i32
        %dma_start3A_450 = arith.constant 0 : i32
        %dma_start3A_451 = tpu.memref_slice %arg9[%run_scoped3A_430, %dma_start3A_449, %dma_start3A_450] : memref<5x100x64xf32, #tpu.memory_space<vmem>> -> memref<1x100x64xf32, #tpu.memory_space<vmem>>
        %dma_start3A_452 = tpu.memref_squeeze %dma_start3A_451 : memref<1x100x64xf32, #tpu.memory_space<vmem>> -> memref<100x64xf32, #tpu.memory_space<vmem>>
        %dma_start3A_453 = arith.constant 0 : i32
        %dma_start3A_454 = tpu.memref_slice %arg8[%add3A_406, %dma_start3A_453] : memref<200x100xi32, #tpu.memory_space<vmem>> -> memref<1x100xi32, #tpu.memory_space<vmem>>
        %dma_start3A_455 = tpu.memref_squeeze %dma_start3A_454 : memref<1x100xi32, #tpu.memory_space<vmem>> -> memref<100xi32, #tpu.memory_space<vmem>>
        %dma_start3A_456 = arith.constant 0 : i32
        %dma_start3A_457 = arith.constant 0 : i32
        %dma_start3A_458 = tpu.memref_slice %arg10[%dma_start3A_456, %dma_start3A_457] : memref<10008x64xf32, #tpu.memory_space<vmem_shared>> -> memref<10008x64xf32, #tpu.memory_space<vmem_shared>>
        tpu.enqueue_indirect_dma source(%dma_start3A_452 : memref<100x64xf32, #tpu.memory_space<vmem>>) target(%dma_start3A_458 : memref<10008x64xf32, #tpu.memory_space<vmem_shared>>) offsets(%dma_start3A_455 : memref<100xi32, #tpu.memory_space<vmem>>) semaphore(%run_scoped3A_448 : memref<!tpu.dma_semaphore, #tpu.memory_space<semaphore_mem>>) {add = true}
        %dma_wait3A_459 = arith.constant 0 : i32
        %dma_wait3A_460 = arith.constant 0 : i32
        %dma_wait3A_461 = tpu.memref_slice %arg9[%run_scoped3A_430, %dma_wait3A_459, %dma_wait3A_460] : memref<5x100x64xf32, #tpu.memory_space<vmem>> -> memref<1x100x64xf32, #tpu.memory_space<vmem>>
        %dma_wait3A_462 = tpu.memref_squeeze %dma_wait3A_461 : memref<1x100x64xf32, #tpu.memory_space<vmem>> -> memref<100x64xf32, #tpu.memory_space<vmem>>
        %dma_wait3A_463 = arith.constant 0 : i32
        %dma_wait3A_464 = tpu.memref_slice %arg8[%add3A_406, %dma_wait3A_463] : memref<200x100xi32, #tpu.memory_space<vmem>> -> memref<1x100xi32, #tpu.memory_space<vmem>>
        %dma_wait3A_465 = tpu.memref_squeeze %dma_wait3A_464 : memref<1x100xi32, #tpu.memory_space<vmem>> -> memref<100xi32, #tpu.memory_space<vmem>>
        %dma_wait3A_466 = arith.constant 0 : i32
        %dma_wait3A_467 = arith.constant 0 : i32
        %dma_wait3A_468 = tpu.memref_slice %arg10[%dma_wait3A_466, %dma_wait3A_467] : memref<10008x64xf32, #tpu.memory_space<vmem_shared>> -> memref<10008x64xf32, #tpu.memory_space<vmem_shared>>
        tpu.wait_indirect_dma semaphore(%run_scoped3A_448 : memref<!tpu.dma_semaphore, #tpu.memory_space<semaphore_mem>>) src(%dma_wait3A_462 : memref<100x64xf32, #tpu.memory_space<vmem>>) dst(%dma_wait3A_468 : memref<10008x64xf32, #tpu.memory_space<vmem_shared>>)
        tpu.yield
      }) : () -> ()
      %add3A_431 = arith.constant 5 : i32
      %add3A_432 = arith.addi %add3A_406, %add3A_431 : i32
      %dma_start3A_433 = arith.constant 4 : i32
      %dma_start3A_434 = arith.constant 0 : i32
      %dma_start3A_435 = arith.constant 0 : i32
      %dma_start3A_436 = tpu.memref_slice %arg9[%dma_start3A_433, %dma_start3A_434, %dma_start3A_435] : memref<5x100x64xf32, #tpu.memory_space<vmem>> -> memref<1x100x64xf32, #tpu.memory_space<vmem>>
      %dma_start3A_437 = tpu.memref_squeeze %dma_start3A_436 : memref<1x100x64xf32, #tpu.memory_space<vmem>> -> memref<100x64xf32, #tpu.memory_space<vmem>>
      %dma_start3A_438 = arith.constant 0 : i32
      %dma_start3A_439 = tpu.memref_slice %arg7[%add3A_432, %dma_start3A_438] : memref<200x100xi32, #tpu.memory_space<vmem>> -> memref<1x100xi32, #tpu.memory_space<vmem>>
      %dma_start3A_440 = tpu.memref_squeeze %dma_start3A_439 : memref<1x100xi32, #tpu.memory_space<vmem>> -> memref<100xi32, #tpu.memory_space<vmem>>
      %dma_start3A_441 = arith.constant 0 : i32
      %dma_start3A_442 = arith.constant 0 : i32
      %dma_start3A_443 = tpu.memref_slice %arg2[%arg0, %dma_start3A_441, %dma_start3A_442] : memref<2x10000x64xf32, #tpu.memory_space<hbm>> -> memref<1x10000x64xf32, #tpu.memory_space<hbm>>
      %dma_start3A_444 = tpu.memref_squeeze %dma_start3A_443 : memref<1x10000x64xf32, #tpu.memory_space<hbm>> -> memref<10000x64xf32, #tpu.memory_space<hbm>>
      %dma_start3A_445 = arith.constant 0 : i32
      %dma_start3A_446 = arith.constant 0 : i32
      %dma_start3A_447 = tpu.memref_slice %dma_start3A_444[%dma_start3A_445, %dma_start3A_446] : memref<10000x64xf32, #tpu.memory_space<hbm>> -> memref<10000x64xf32, #tpu.memory_space<hbm>>
      tpu.enqueue_indirect_dma source(%dma_start3A_447 : memref<10000x64xf32, #tpu.memory_space<hbm>>) target(%dma_start3A_437 : memref<100x64xf32, #tpu.memory_space<vmem>>) offsets(%dma_start3A_440 : memref<100xi32, #tpu.memory_space<vmem>>) semaphore(%arg15 : memref<!tpu.dma_semaphore, #tpu.memory_space<semaphore_mem>>)
    }
    %scan3A_89 = arith.constant 39 : i32
    %dma_wait3A = arith.constant 0 : i32
    %dma_wait3A_90 = arith.constant 0 : i32
    %dma_wait3A_91 = arith.constant 0 : i32
    %dma_wait3A_92 = tpu.memref_slice %arg9[%dma_wait3A, %dma_wait3A_90, %dma_wait3A_91] : memref<5x100x64xf32, #tpu.memory_space<vmem>> -> memref<1x100x64xf32, #tpu.memory_space<vmem>>
    %dma_wait3A_93 = tpu.memref_squeeze %dma_wait3A_92 : memref<1x100x64xf32, #tpu.memory_space<vmem>> -> memref<100x64xf32, #tpu.memory_space<vmem>>
    %dma_wait3A_94 = arith.constant 0 : i32
    %dma_wait3A_95 = arith.constant 0 : i32
    %dma_wait3A_96 = tpu.memref_slice %arg2[%arg0, %dma_wait3A_94, %dma_wait3A_95] : memref<2x10000x64xf32, #tpu.memory_space<hbm>> -> memref<1x10000x64xf32, #tpu.memory_space<hbm>>
    %dma_wait3A_97 = tpu.memref_squeeze %dma_wait3A_96 : memref<1x10000x64xf32, #tpu.memory_space<hbm>> -> memref<10000x64xf32, #tpu.memory_space<hbm>>
    %dma_wait3A_98 = arith.constant 0 : i32
    %dma_wait3A_99 = arith.constant 0 : i32
    %dma_wait3A_100 = tpu.memref_slice %dma_wait3A_97[%dma_wait3A_98, %dma_wait3A_99] : memref<10000x64xf32, #tpu.memory_space<hbm>> -> memref<100x64xf32, #tpu.memory_space<hbm>>
    %dma_wait3A_101 = arith.constant 0 : i32
    %dma_wait3A_102 = arith.constant 0 : i32
    %dma_wait3A_103 = tpu.memref_slice %arg9[%dma_wait3A, %dma_wait3A_101, %dma_wait3A_102] : memref<5x100x64xf32, #tpu.memory_space<vmem>> -> memref<1x100x64xf32, #tpu.memory_space<vmem>>
    %dma_wait3A_104 = tpu.memref_squeeze %dma_wait3A_103 : memref<1x100x64xf32, #tpu.memory_space<vmem>> -> memref<100x64xf32, #tpu.memory_space<vmem>>
    %dma_wait3A_105 = arith.constant 0 : i32
    %dma_wait3A_106 = arith.constant 0 : i32
    %dma_wait3A_107 = tpu.memref_slice %arg2[%arg0, %dma_wait3A_105, %dma_wait3A_106] : memref<2x10000x64xf32, #tpu.memory_space<hbm>> -> memref<1x10000x64xf32, #tpu.memory_space<hbm>>
    %dma_wait3A_108 = tpu.memref_squeeze %dma_wait3A_107 : memref<1x10000x64xf32, #tpu.memory_space<hbm>> -> memref<10000x64xf32, #tpu.memory_space<hbm>>
    %dma_wait3A_109 = arith.constant 0 : i32
    %dma_wait3A_110 = arith.constant 0 : i32
    %dma_wait3A_111 = tpu.memref_slice %dma_wait3A_108[%dma_wait3A_109, %dma_wait3A_110] : memref<10000x64xf32, #tpu.memory_space<hbm>> -> memref<100x64xf32, #tpu.memory_space<hbm>>
    tpu.wait_dma2 semaphore(%arg11 : memref<!tpu.dma_semaphore, #tpu.memory_space<semaphore_mem>>) src(%dma_wait3A_111 : memref<100x64xf32, #tpu.memory_space<hbm>>) dst(%dma_wait3A_104 : memref<100x64xf32, #tpu.memory_space<vmem>>)
    %run_scoped3A = arith.constant 0 : i32
    %run_scoped3A_112 = arith.constant 195 : i32
    "tpu.region"() ({
      %run_scoped3A_224 = tpu.sem_alloc : memref<!tpu.dma_semaphore, #tpu.memory_space<semaphore_mem>>
      %dma_start3A_225 = arith.constant 0 : i32
      %dma_start3A_226 = arith.constant 0 : i32
      %dma_start3A_227 = tpu.memref_slice %arg9[%run_scoped3A, %dma_start3A_225, %dma_start3A_226] : memref<5x100x64xf32, #tpu.memory_space<vmem>> -> memref<1x100x64xf32, #tpu.memory_space<vmem>>
      %dma_start3A_228 = tpu.memref_squeeze %dma_start3A_227 : memref<1x100x64xf32, #tpu.memory_space<vmem>> -> memref<100x64xf32, #tpu.memory_space<vmem>>
      %dma_start3A_229 = arith.constant 0 : i32
      %dma_start3A_230 = tpu.memref_slice %arg8[%run_scoped3A_112, %dma_start3A_229] : memref<200x100xi32, #tpu.memory_space<vmem>> -> memref<1x100xi32, #tpu.memory_space<vmem>>
      %dma_start3A_231 = tpu.memref_squeeze %dma_start3A_230 : memref<1x100xi32, #tpu.memory_space<vmem>> -> memref<100xi32, #tpu.memory_space<vmem>>
      %dma_start3A_232 = arith.constant 0 : i32
      %dma_start3A_233 = arith.constant 0 : i32
      %dma_start3A_234 = tpu.memref_slice %arg10[%dma_start3A_232, %dma_start3A_233] : memref<10008x64xf32, #tpu.memory_space<vmem_shared>> -> memref<10008x64xf32, #tpu.memory_space<vmem_shared>>
      tpu.enqueue_indirect_dma source(%dma_start3A_228 : memref<100x64xf32, #tpu.memory_space<vmem>>) target(%dma_start3A_234 : memref<10008x64xf32, #tpu.memory_space<vmem_shared>>) offsets(%dma_start3A_231 : memref<100xi32, #tpu.memory_space<vmem>>) semaphore(%run_scoped3A_224 : memref<!tpu.dma_semaphore, #tpu.memory_space<semaphore_mem>>) {add = true}
      %dma_wait3A_235 = arith.constant 0 : i32
      %dma_wait3A_236 = arith.constant 0 : i32
      %dma_wait3A_237 = tpu.memref_slice %arg9[%run_scoped3A, %dma_wait3A_235, %dma_wait3A_236] : memref<5x100x64xf32, #tpu.memory_space<vmem>> -> memref<1x100x64xf32, #tpu.memory_space<vmem>>
      %dma_wait3A_238 = tpu.memref_squeeze %dma_wait3A_237 : memref<1x100x64xf32, #tpu.memory_space<vmem>> -> memref<100x64xf32, #tpu.memory_space<vmem>>
      %dma_wait3A_239 = arith.constant 0 : i32
      %dma_wait3A_240 = tpu.memref_slice %arg8[%run_scoped3A_112, %dma_wait3A_239] : memref<200x100xi32, #tpu.memory_space<vmem>> -> memref<1x100xi32, #tpu.memory_space<vmem>>
      %dma_wait3A_241 = tpu.memref_squeeze %dma_wait3A_240 : memref<1x100xi32, #tpu.memory_space<vmem>> -> memref<100xi32, #tpu.memory_space<vmem>>
      %dma_wait3A_242 = arith.constant 0 : i32
      %dma_wait3A_243 = arith.constant 0 : i32
      %dma_wait3A_244 = tpu.memref_slice %arg10[%dma_wait3A_242, %dma_wait3A_243] : memref<10008x64xf32, #tpu.memory_space<vmem_shared>> -> memref<10008x64xf32, #tpu.memory_space<vmem_shared>>
      tpu.wait_indirect_dma semaphore(%run_scoped3A_224 : memref<!tpu.dma_semaphore, #tpu.memory_space<semaphore_mem>>) src(%dma_wait3A_238 : memref<100x64xf32, #tpu.memory_space<vmem>>) dst(%dma_wait3A_244 : memref<10008x64xf32, #tpu.memory_space<vmem_shared>>)
      tpu.yield
    }) : () -> ()
    %dma_wait3A_113 = arith.constant 1 : i32
    %dma_wait3A_114 = arith.constant 0 : i32
    %dma_wait3A_115 = arith.constant 0 : i32
    %dma_wait3A_116 = tpu.memref_slice %arg9[%dma_wait3A_113, %dma_wait3A_114, %dma_wait3A_115] : memref<5x100x64xf32, #tpu.memory_space<vmem>> -> memref<1x100x64xf32, #tpu.memory_space<vmem>>
    %dma_wait3A_117 = tpu.memref_squeeze %dma_wait3A_116 : memref<1x100x64xf32, #tpu.memory_space<vmem>> -> memref<100x64xf32, #tpu.memory_space<vmem>>
    %dma_wait3A_118 = arith.constant 0 : i32
    %dma_wait3A_119 = arith.constant 0 : i32
    %dma_wait3A_120 = tpu.memref_slice %arg2[%arg0, %dma_wait3A_118, %dma_wait3A_119] : memref<2x10000x64xf32, #tpu.memory_space<hbm>> -> memref<1x10000x64xf32, #tpu.memory_space<hbm>>
    %dma_wait3A_121 = tpu.memref_squeeze %dma_wait3A_120 : memref<1x10000x64xf32, #tpu.memory_space<hbm>> -> memref<10000x64xf32, #tpu.memory_space<hbm>>
    %dma_wait3A_122 = arith.constant 0 : i32
    %dma_wait3A_123 = arith.constant 0 : i32
    %dma_wait3A_124 = tpu.memref_slice %dma_wait3A_121[%dma_wait3A_122, %dma_wait3A_123] : memref<10000x64xf32, #tpu.memory_space<hbm>> -> memref<100x64xf32, #tpu.memory_space<hbm>>
    %dma_wait3A_125 = arith.constant 0 : i32
    %dma_wait3A_126 = arith.constant 0 : i32
    %dma_wait3A_127 = tpu.memref_slice %arg9[%dma_wait3A_113, %dma_wait3A_125, %dma_wait3A_126] : memref<5x100x64xf32, #tpu.memory_space<vmem>> -> memref<1x100x64xf32, #tpu.memory_space<vmem>>
    %dma_wait3A_128 = tpu.memref_squeeze %dma_wait3A_127 : memref<1x100x64xf32, #tpu.memory_space<vmem>> -> memref<100x64xf32, #tpu.memory_space<vmem>>
    %dma_wait3A_129 = arith.constant 0 : i32
    %dma_wait3A_130 = arith.constant 0 : i32
    %dma_wait3A_131 = tpu.memref_slice %arg2[%arg0, %dma_wait3A_129, %dma_wait3A_130] : memref<2x10000x64xf32, #tpu.memory_space<hbm>> -> memref<1x10000x64xf32, #tpu.memory_space<hbm>>
    %dma_wait3A_132 = tpu.memref_squeeze %dma_wait3A_131 : memref<1x10000x64xf32, #tpu.memory_space<hbm>> -> memref<10000x64xf32, #tpu.memory_space<hbm>>
    %dma_wait3A_133 = arith.constant 0 : i32
    %dma_wait3A_134 = arith.constant 0 : i32
    %dma_wait3A_135 = tpu.memref_slice %dma_wait3A_132[%dma_wait3A_133, %dma_wait3A_134] : memref<10000x64xf32, #tpu.memory_space<hbm>> -> memref<100x64xf32, #tpu.memory_space<hbm>>
    tpu.wait_dma2 semaphore(%arg12 : memref<!tpu.dma_semaphore, #tpu.memory_space<semaphore_mem>>) src(%dma_wait3A_135 : memref<100x64xf32, #tpu.memory_space<hbm>>) dst(%dma_wait3A_128 : memref<100x64xf32, #tpu.memory_space<vmem>>)
    %run_scoped3A_136 = arith.constant 1 : i32
    %run_scoped3A_137 = arith.constant 196 : i32
    "tpu.region"() ({
      %run_scoped3A_224 = tpu.sem_alloc : memref<!tpu.dma_semaphore, #tpu.memory_space<semaphore_mem>>
      %dma_start3A_225 = arith.constant 0 : i32
      %dma_start3A_226 = arith.constant 0 : i32
      %dma_start3A_227 = tpu.memref_slice %arg9[%run_scoped3A_136, %dma_start3A_225, %dma_start3A_226] : memref<5x100x64xf32, #tpu.memory_space<vmem>> -> memref<1x100x64xf32, #tpu.memory_space<vmem>>
      %dma_start3A_228 = tpu.memref_squeeze %dma_start3A_227 : memref<1x100x64xf32, #tpu.memory_space<vmem>> -> memref<100x64xf32, #tpu.memory_space<vmem>>
      %dma_start3A_229 = arith.constant 0 : i32
      %dma_start3A_230 = tpu.memref_slice %arg8[%run_scoped3A_137, %dma_start3A_229] : memref<200x100xi32, #tpu.memory_space<vmem>> -> memref<1x100xi32, #tpu.memory_space<vmem>>
      %dma_start3A_231 = tpu.memref_squeeze %dma_start3A_230 : memref<1x100xi32, #tpu.memory_space<vmem>> -> memref<100xi32, #tpu.memory_space<vmem>>
      %dma_start3A_232 = arith.constant 0 : i32
      %dma_start3A_233 = arith.constant 0 : i32
      %dma_start3A_234 = tpu.memref_slice %arg10[%dma_start3A_232, %dma_start3A_233] : memref<10008x64xf32, #tpu.memory_space<vmem_shared>> -> memref<10008x64xf32, #tpu.memory_space<vmem_shared>>
      tpu.enqueue_indirect_dma source(%dma_start3A_228 : memref<100x64xf32, #tpu.memory_space<vmem>>) target(%dma_start3A_234 : memref<10008x64xf32, #tpu.memory_space<vmem_shared>>) offsets(%dma_start3A_231 : memref<100xi32, #tpu.memory_space<vmem>>) semaphore(%run_scoped3A_224 : memref<!tpu.dma_semaphore, #tpu.memory_space<semaphore_mem>>) {add = true}
      %dma_wait3A_235 = arith.constant 0 : i32
      %dma_wait3A_236 = arith.constant 0 : i32
      %dma_wait3A_237 = tpu.memref_slice %arg9[%run_scoped3A_136, %dma_wait3A_235, %dma_wait3A_236] : memref<5x100x64xf32, #tpu.memory_space<vmem>> -> memref<1x100x64xf32, #tpu.memory_space<vmem>>
      %dma_wait3A_238 = tpu.memref_squeeze %dma_wait3A_237 : memref<1x100x64xf32, #tpu.memory_space<vmem>> -> memref<100x64xf32, #tpu.memory_space<vmem>>
      %dma_wait3A_239 = arith.constant 0 : i32
      %dma_wait3A_240 = tpu.memref_slice %arg8[%run_scoped3A_137, %dma_wait3A_239] : memref<200x100xi32, #tpu.memory_space<vmem>> -> memref<1x100xi32, #tpu.memory_space<vmem>>
      %dma_wait3A_241 = tpu.memref_squeeze %dma_wait3A_240 : memref<1x100xi32, #tpu.memory_space<vmem>> -> memref<100xi32, #tpu.memory_space<vmem>>
      %dma_wait3A_242 = arith.constant 0 : i32
      %dma_wait3A_243 = arith.constant 0 : i32
      %dma_wait3A_244 = tpu.memref_slice %arg10[%dma_wait3A_242, %dma_wait3A_243] : memref<10008x64xf32, #tpu.memory_space<vmem_shared>> -> memref<10008x64xf32, #tpu.memory_space<vmem_shared>>
      tpu.wait_indirect_dma semaphore(%run_scoped3A_224 : memref<!tpu.dma_semaphore, #tpu.memory_space<semaphore_mem>>) src(%dma_wait3A_238 : memref<100x64xf32, #tpu.memory_space<vmem>>) dst(%dma_wait3A_244 : memref<10008x64xf32, #tpu.memory_space<vmem_shared>>)
      tpu.yield
    }) : () -> ()
    %dma_wait3A_138 = arith.constant 2 : i32
    %dma_wait3A_139 = arith.constant 0 : i32
    %dma_wait3A_140 = arith.constant 0 : i32
    %dma_wait3A_141 = tpu.memref_slice %arg9[%dma_wait3A_138, %dma_wait3A_139, %dma_wait3A_140] : memref<5x100x64xf32, #tpu.memory_space<vmem>> -> memref<1x100x64xf32, #tpu.memory_space<vmem>>
    %dma_wait3A_142 = tpu.memref_squeeze %dma_wait3A_141 : memref<1x100x64xf32, #tpu.memory_space<vmem>> -> memref<100x64xf32, #tpu.memory_space<vmem>>
    %dma_wait3A_143 = arith.constant 0 : i32
    %dma_wait3A_144 = arith.constant 0 : i32
    %dma_wait3A_145 = tpu.memref_slice %arg2[%arg0, %dma_wait3A_143, %dma_wait3A_144] : memref<2x10000x64xf32, #tpu.memory_space<hbm>> -> memref<1x10000x64xf32, #tpu.memory_space<hbm>>
    %dma_wait3A_146 = tpu.memref_squeeze %dma_wait3A_145 : memref<1x10000x64xf32, #tpu.memory_space<hbm>> -> memref<10000x64xf32, #tpu.memory_space<hbm>>
    %dma_wait3A_147 = arith.constant 0 : i32
    %dma_wait3A_148 = arith.constant 0 : i32
    %dma_wait3A_149 = tpu.memref_slice %dma_wait3A_146[%dma_wait3A_147, %dma_wait3A_148] : memref<10000x64xf32, #tpu.memory_space<hbm>> -> memref<100x64xf32, #tpu.memory_space<hbm>>
    %dma_wait3A_150 = arith.constant 0 : i32
    %dma_wait3A_151 = arith.constant 0 : i32
    %dma_wait3A_152 = tpu.memref_slice %arg9[%dma_wait3A_138, %dma_wait3A_150, %dma_wait3A_151] : memref<5x100x64xf32, #tpu.memory_space<vmem>> -> memref<1x100x64xf32, #tpu.memory_space<vmem>>
    %dma_wait3A_153 = tpu.memref_squeeze %dma_wait3A_152 : memref<1x100x64xf32, #tpu.memory_space<vmem>> -> memref<100x64xf32, #tpu.memory_space<vmem>>
    %dma_wait3A_154 = arith.constant 0 : i32
    %dma_wait3A_155 = arith.constant 0 : i32
    %dma_wait3A_156 = tpu.memref_slice %arg2[%arg0, %dma_wait3A_154, %dma_wait3A_155] : memref<2x10000x64xf32, #tpu.memory_space<hbm>> -> memref<1x10000x64xf32, #tpu.memory_space<hbm>>
    %dma_wait3A_157 = tpu.memref_squeeze %dma_wait3A_156 : memref<1x10000x64xf32, #tpu.memory_space<hbm>> -> memref<10000x64xf32, #tpu.memory_space<hbm>>
    %dma_wait3A_158 = arith.constant 0 : i32
    %dma_wait3A_159 = arith.constant 0 : i32
    %dma_wait3A_160 = tpu.memref_slice %dma_wait3A_157[%dma_wait3A_158, %dma_wait3A_159] : memref<10000x64xf32, #tpu.memory_space<hbm>> -> memref<100x64xf32, #tpu.memory_space<hbm>>
    tpu.wait_dma2 semaphore(%arg13 : memref<!tpu.dma_semaphore, #tpu.memory_space<semaphore_mem>>) src(%dma_wait3A_160 : memref<100x64xf32, #tpu.memory_space<hbm>>) dst(%dma_wait3A_153 : memref<100x64xf32, #tpu.memory_space<vmem>>)
    %run_scoped3A_161 = arith.constant 2 : i32
    %run_scoped3A_162 = arith.constant 197 : i32
    "tpu.region"() ({
      %run_scoped3A_224 = tpu.sem_alloc : memref<!tpu.dma_semaphore, #tpu.memory_space<semaphore_mem>>
      %dma_start3A_225 = arith.constant 0 : i32
      %dma_start3A_226 = arith.constant 0 : i32
      %dma_start3A_227 = tpu.memref_slice %arg9[%run_scoped3A_161, %dma_start3A_225, %dma_start3A_226] : memref<5x100x64xf32, #tpu.memory_space<vmem>> -> memref<1x100x64xf32, #tpu.memory_space<vmem>>
      %dma_start3A_228 = tpu.memref_squeeze %dma_start3A_227 : memref<1x100x64xf32, #tpu.memory_space<vmem>> -> memref<100x64xf32, #tpu.memory_space<vmem>>
      %dma_start3A_229 = arith.constant 0 : i32
      %dma_start3A_230 = tpu.memref_slice %arg8[%run_scoped3A_162, %dma_start3A_229] : memref<200x100xi32, #tpu.memory_space<vmem>> -> memref<1x100xi32, #tpu.memory_space<vmem>>
      %dma_start3A_231 = tpu.memref_squeeze %dma_start3A_230 : memref<1x100xi32, #tpu.memory_space<vmem>> -> memref<100xi32, #tpu.memory_space<vmem>>
      %dma_start3A_232 = arith.constant 0 : i32
      %dma_start3A_233 = arith.constant 0 : i32
      %dma_start3A_234 = tpu.memref_slice %arg10[%dma_start3A_232, %dma_start3A_233] : memref<10008x64xf32, #tpu.memory_space<vmem_shared>> -> memref<10008x64xf32, #tpu.memory_space<vmem_shared>>
      tpu.enqueue_indirect_dma source(%dma_start3A_228 : memref<100x64xf32, #tpu.memory_space<vmem>>) target(%dma_start3A_234 : memref<10008x64xf32, #tpu.memory_space<vmem_shared>>) offsets(%dma_start3A_231 : memref<100xi32, #tpu.memory_space<vmem>>) semaphore(%run_scoped3A_224 : memref<!tpu.dma_semaphore, #tpu.memory_space<semaphore_mem>>) {add = true}
      %dma_wait3A_235 = arith.constant 0 : i32
      %dma_wait3A_236 = arith.constant 0 : i32
      %dma_wait3A_237 = tpu.memref_slice %arg9[%run_scoped3A_161, %dma_wait3A_235, %dma_wait3A_236] : memref<5x100x64xf32, #tpu.memory_space<vmem>> -> memref<1x100x64xf32, #tpu.memory_space<vmem>>
      %dma_wait3A_238 = tpu.memref_squeeze %dma_wait3A_237 : memref<1x100x64xf32, #tpu.memory_space<vmem>> -> memref<100x64xf32, #tpu.memory_space<vmem>>
      %dma_wait3A_239 = arith.constant 0 : i32
      %dma_wait3A_240 = tpu.memref_slice %arg8[%run_scoped3A_162, %dma_wait3A_239] : memref<200x100xi32, #tpu.memory_space<vmem>> -> memref<1x100xi32, #tpu.memory_space<vmem>>
      %dma_wait3A_241 = tpu.memref_squeeze %dma_wait3A_240 : memref<1x100xi32, #tpu.memory_space<vmem>> -> memref<100xi32, #tpu.memory_space<vmem>>
      %dma_wait3A_242 = arith.constant 0 : i32
      %dma_wait3A_243 = arith.constant 0 : i32
      %dma_wait3A_244 = tpu.memref_slice %arg10[%dma_wait3A_242, %dma_wait3A_243] : memref<10008x64xf32, #tpu.memory_space<vmem_shared>> -> memref<10008x64xf32, #tpu.memory_space<vmem_shared>>
      tpu.wait_indirect_dma semaphore(%run_scoped3A_224 : memref<!tpu.dma_semaphore, #tpu.memory_space<semaphore_mem>>) src(%dma_wait3A_238 : memref<100x64xf32, #tpu.memory_space<vmem>>) dst(%dma_wait3A_244 : memref<10008x64xf32, #tpu.memory_space<vmem_shared>>)
      tpu.yield
    }) : () -> ()
    %dma_wait3A_163 = arith.constant 3 : i32
    %dma_wait3A_164 = arith.constant 0 : i32
    %dma_wait3A_165 = arith.constant 0 : i32
    %dma_wait3A_166 = tpu.memref_slice %arg9[%dma_wait3A_163, %dma_wait3A_164, %dma_wait3A_165] : memref<5x100x64xf32, #tpu.memory_space<vmem>> -> memref<1x100x64xf32, #tpu.memory_space<vmem>>
    %dma_wait3A_167 = tpu.memref_squeeze %dma_wait3A_166 : memref<1x100x64xf32, #tpu.memory_space<vmem>> -> memref<100x64xf32, #tpu.memory_space<vmem>>
    %dma_wait3A_168 = arith.constant 0 : i32
    %dma_wait3A_169 = arith.constant 0 : i32
    %dma_wait3A_170 = tpu.memref_slice %arg2[%arg0, %dma_wait3A_168, %dma_wait3A_169] : memref<2x10000x64xf32, #tpu.memory_space<hbm>> -> memref<1x10000x64xf32, #tpu.memory_space<hbm>>
    %dma_wait3A_171 = tpu.memref_squeeze %dma_wait3A_170 : memref<1x10000x64xf32, #tpu.memory_space<hbm>> -> memref<10000x64xf32, #tpu.memory_space<hbm>>
    %dma_wait3A_172 = arith.constant 0 : i32
    %dma_wait3A_173 = arith.constant 0 : i32
    %dma_wait3A_174 = tpu.memref_slice %dma_wait3A_171[%dma_wait3A_172, %dma_wait3A_173] : memref<10000x64xf32, #tpu.memory_space<hbm>> -> memref<100x64xf32, #tpu.memory_space<hbm>>
    %dma_wait3A_175 = arith.constant 0 : i32
    %dma_wait3A_176 = arith.constant 0 : i32
    %dma_wait3A_177 = tpu.memref_slice %arg9[%dma_wait3A_163, %dma_wait3A_175, %dma_wait3A_176] : memref<5x100x64xf32, #tpu.memory_space<vmem>> -> memref<1x100x64xf32, #tpu.memory_space<vmem>>
    %dma_wait3A_178 = tpu.memref_squeeze %dma_wait3A_177 : memref<1x100x64xf32, #tpu.memory_space<vmem>> -> memref<100x64xf32, #tpu.memory_space<vmem>>
    %dma_wait3A_179 = arith.constant 0 : i32
    %dma_wait3A_180 = arith.constant 0 : i32
    %dma_wait3A_181 = tpu.memref_slice %arg2[%arg0, %dma_wait3A_179, %dma_wait3A_180] : memref<2x10000x64xf32, #tpu.memory_space<hbm>> -> memref<1x10000x64xf32, #tpu.memory_space<hbm>>
    %dma_wait3A_182 = tpu.memref_squeeze %dma_wait3A_181 : memref<1x10000x64xf32, #tpu.memory_space<hbm>> -> memref<10000x64xf32, #tpu.memory_space<hbm>>
    %dma_wait3A_183 = arith.constant 0 : i32
    %dma_wait3A_184 = arith.constant 0 : i32
    %dma_wait3A_185 = tpu.memref_slice %dma_wait3A_182[%dma_wait3A_183, %dma_wait3A_184] : memref<10000x64xf32, #tpu.memory_space<hbm>> -> memref<100x64xf32, #tpu.memory_space<hbm>>
    tpu.wait_dma2 semaphore(%arg14 : memref<!tpu.dma_semaphore, #tpu.memory_space<semaphore_mem>>) src(%dma_wait3A_185 : memref<100x64xf32, #tpu.memory_space<hbm>>) dst(%dma_wait3A_178 : memref<100x64xf32, #tpu.memory_space<vmem>>)
    %run_scoped3A_186 = arith.constant 3 : i32
    %run_scoped3A_187 = arith.constant 198 : i32
    "tpu.region"() ({
      %run_scoped3A_224 = tpu.sem_alloc : memref<!tpu.dma_semaphore, #tpu.memory_space<semaphore_mem>>
      %dma_start3A_225 = arith.constant 0 : i32
      %dma_start3A_226 = arith.constant 0 : i32
      %dma_start3A_227 = tpu.memref_slice %arg9[%run_scoped3A_186, %dma_start3A_225, %dma_start3A_226] : memref<5x100x64xf32, #tpu.memory_space<vmem>> -> memref<1x100x64xf32, #tpu.memory_space<vmem>>
      %dma_start3A_228 = tpu.memref_squeeze %dma_start3A_227 : memref<1x100x64xf32, #tpu.memory_space<vmem>> -> memref<100x64xf32, #tpu.memory_space<vmem>>
      %dma_start3A_229 = arith.constant 0 : i32
      %dma_start3A_230 = tpu.memref_slice %arg8[%run_scoped3A_187, %dma_start3A_229] : memref<200x100xi32, #tpu.memory_space<vmem>> -> memref<1x100xi32, #tpu.memory_space<vmem>>
      %dma_start3A_231 = tpu.memref_squeeze %dma_start3A_230 : memref<1x100xi32, #tpu.memory_space<vmem>> -> memref<100xi32, #tpu.memory_space<vmem>>
      %dma_start3A_232 = arith.constant 0 : i32
      %dma_start3A_233 = arith.constant 0 : i32
      %dma_start3A_234 = tpu.memref_slice %arg10[%dma_start3A_232, %dma_start3A_233] : memref<10008x64xf32, #tpu.memory_space<vmem_shared>> -> memref<10008x64xf32, #tpu.memory_space<vmem_shared>>
      tpu.enqueue_indirect_dma source(%dma_start3A_228 : memref<100x64xf32, #tpu.memory_space<vmem>>) target(%dma_start3A_234 : memref<10008x64xf32, #tpu.memory_space<vmem_shared>>) offsets(%dma_start3A_231 : memref<100xi32, #tpu.memory_space<vmem>>) semaphore(%run_scoped3A_224 : memref<!tpu.dma_semaphore, #tpu.memory_space<semaphore_mem>>) {add = true}
      %dma_wait3A_235 = arith.constant 0 : i32
      %dma_wait3A_236 = arith.constant 0 : i32
      %dma_wait3A_237 = tpu.memref_slice %arg9[%run_scoped3A_186, %dma_wait3A_235, %dma_wait3A_236] : memref<5x100x64xf32, #tpu.memory_space<vmem>> -> memref<1x100x64xf32, #tpu.memory_space<vmem>>
      %dma_wait3A_238 = tpu.memref_squeeze %dma_wait3A_237 : memref<1x100x64xf32, #tpu.memory_space<vmem>> -> memref<100x64xf32, #tpu.memory_space<vmem>>
      %dma_wait3A_239 = arith.constant 0 : i32
      %dma_wait3A_240 = tpu.memref_slice %arg8[%run_scoped3A_187, %dma_wait3A_239] : memref<200x100xi32, #tpu.memory_space<vmem>> -> memref<1x100xi32, #tpu.memory_space<vmem>>
      %dma_wait3A_241 = tpu.memref_squeeze %dma_wait3A_240 : memref<1x100xi32, #tpu.memory_space<vmem>> -> memref<100xi32, #tpu.memory_space<vmem>>
      %dma_wait3A_242 = arith.constant 0 : i32
      %dma_wait3A_243 = arith.constant 0 : i32
      %dma_wait3A_244 = tpu.memref_slice %arg10[%dma_wait3A_242, %dma_wait3A_243] : memref<10008x64xf32, #tpu.memory_space<vmem_shared>> -> memref<10008x64xf32, #tpu.memory_space<vmem_shared>>
      tpu.wait_indirect_dma semaphore(%run_scoped3A_224 : memref<!tpu.dma_semaphore, #tpu.memory_space<semaphore_mem>>) src(%dma_wait3A_238 : memref<100x64xf32, #tpu.memory_space<vmem>>) dst(%dma_wait3A_244 : memref<10008x64xf32, #tpu.memory_space<vmem_shared>>)
      tpu.yield
    }) : () -> ()
    %dma_wait3A_188 = arith.constant 4 : i32
    %dma_wait3A_189 = arith.constant 0 : i32
    %dma_wait3A_190 = arith.constant 0 : i32
    %dma_wait3A_191 = tpu.memref_slice %arg9[%dma_wait3A_188, %dma_wait3A_189, %dma_wait3A_190] : memref<5x100x64xf32, #tpu.memory_space<vmem>> -> memref<1x100x64xf32, #tpu.memory_space<vmem>>
    %dma_wait3A_192 = tpu.memref_squeeze %dma_wait3A_191 : memref<1x100x64xf32, #tpu.memory_space<vmem>> -> memref<100x64xf32, #tpu.memory_space<vmem>>
    %dma_wait3A_193 = arith.constant 0 : i32
    %dma_wait3A_194 = arith.constant 0 : i32
    %dma_wait3A_195 = tpu.memref_slice %arg2[%arg0, %dma_wait3A_193, %dma_wait3A_194] : memref<2x10000x64xf32, #tpu.memory_space<hbm>> -> memref<1x10000x64xf32, #tpu.memory_space<hbm>>
    %dma_wait3A_196 = tpu.memref_squeeze %dma_wait3A_195 : memref<1x10000x64xf32, #tpu.memory_space<hbm>> -> memref<10000x64xf32, #tpu.memory_space<hbm>>
    %dma_wait3A_197 = arith.constant 0 : i32
    %dma_wait3A_198 = arith.constant 0 : i32
    %dma_wait3A_199 = tpu.memref_slice %dma_wait3A_196[%dma_wait3A_197, %dma_wait3A_198] : memref<10000x64xf32, #tpu.memory_space<hbm>> -> memref<100x64xf32, #tpu.memory_space<hbm>>
    %dma_wait3A_200 = arith.constant 0 : i32
    %dma_wait3A_201 = arith.constant 0 : i32
    %dma_wait3A_202 = tpu.memref_slice %arg9[%dma_wait3A_188, %dma_wait3A_200, %dma_wait3A_201] : memref<5x100x64xf32, #tpu.memory_space<vmem>> -> memref<1x100x64xf32, #tpu.memory_space<vmem>>
    %dma_wait3A_203 = tpu.memref_squeeze %dma_wait3A_202 : memref<1x100x64xf32, #tpu.memory_space<vmem>> -> memref<100x64xf32, #tpu.memory_space<vmem>>
    %dma_wait3A_204 = arith.constant 0 : i32
    %dma_wait3A_205 = arith.constant 0 : i32
    %dma_wait3A_206 = tpu.memref_slice %arg2[%arg0, %dma_wait3A_204, %dma_wait3A_205] : memref<2x10000x64xf32, #tpu.memory_space<hbm>> -> memref<1x10000x64xf32, #tpu.memory_space<hbm>>
    %dma_wait3A_207 = tpu.memref_squeeze %dma_wait3A_206 : memref<1x10000x64xf32, #tpu.memory_space<hbm>> -> memref<10000x64xf32, #tpu.memory_space<hbm>>
    %dma_wait3A_208 = arith.constant 0 : i32
    %dma_wait3A_209 = arith.constant 0 : i32
    %dma_wait3A_210 = tpu.memref_slice %dma_wait3A_207[%dma_wait3A_208, %dma_wait3A_209] : memref<10000x64xf32, #tpu.memory_space<hbm>> -> memref<100x64xf32, #tpu.memory_space<hbm>>
    tpu.wait_dma2 semaphore(%arg15 : memref<!tpu.dma_semaphore, #tpu.memory_space<semaphore_mem>>) src(%dma_wait3A_210 : memref<100x64xf32, #tpu.memory_space<hbm>>) dst(%dma_wait3A_203 : memref<100x64xf32, #tpu.memory_space<vmem>>)
    %run_scoped3A_211 = arith.constant 4 : i32
    %run_scoped3A_212 = arith.constant 199 : i32
    "tpu.region"() ({
      %run_scoped3A_224 = tpu.sem_alloc : memref<!tpu.dma_semaphore, #tpu.memory_space<semaphore_mem>>
      %dma_start3A_225 = arith.constant 0 : i32
      %dma_start3A_226 = arith.constant 0 : i32
      %dma_start3A_227 = tpu.memref_slice %arg9[%run_scoped3A_211, %dma_start3A_225, %dma_start3A_226] : memref<5x100x64xf32, #tpu.memory_space<vmem>> -> memref<1x100x64xf32, #tpu.memory_space<vmem>>
      %dma_start3A_228 = tpu.memref_squeeze %dma_start3A_227 : memref<1x100x64xf32, #tpu.memory_space<vmem>> -> memref<100x64xf32, #tpu.memory_space<vmem>>
      %dma_start3A_229 = arith.constant 0 : i32
      %dma_start3A_230 = tpu.memref_slice %arg8[%run_scoped3A_212, %dma_start3A_229] : memref<200x100xi32, #tpu.memory_space<vmem>> -> memref<1x100xi32, #tpu.memory_space<vmem>>
      %dma_start3A_231 = tpu.memref_squeeze %dma_start3A_230 : memref<1x100xi32, #tpu.memory_space<vmem>> -> memref<100xi32, #tpu.memory_space<vmem>>
      %dma_start3A_232 = arith.constant 0 : i32
      %dma_start3A_233 = arith.constant 0 : i32
      %dma_start3A_234 = tpu.memref_slice %arg10[%dma_start3A_232, %dma_start3A_233] : memref<10008x64xf32, #tpu.memory_space<vmem_shared>> -> memref<10008x64xf32, #tpu.memory_space<vmem_shared>>
      tpu.enqueue_indirect_dma source(%dma_start3A_228 : memref<100x64xf32, #tpu.memory_space<vmem>>) target(%dma_start3A_234 : memref<10008x64xf32, #tpu.memory_space<vmem_shared>>) offsets(%dma_start3A_231 : memref<100xi32, #tpu.memory_space<vmem>>) semaphore(%run_scoped3A_224 : memref<!tpu.dma_semaphore, #tpu.memory_space<semaphore_mem>>) {add = true}
      %dma_wait3A_235 = arith.constant 0 : i32
      %dma_wait3A_236 = arith.constant 0 : i32
      %dma_wait3A_237 = tpu.memref_slice %arg9[%run_scoped3A_211, %dma_wait3A_235, %dma_wait3A_236] : memref<5x100x64xf32, #tpu.memory_space<vmem>> -> memref<1x100x64xf32, #tpu.memory_space<vmem>>
      %dma_wait3A_238 = tpu.memref_squeeze %dma_wait3A_237 : memref<1x100x64xf32, #tpu.memory_space<vmem>> -> memref<100x64xf32, #tpu.memory_space<vmem>>
      %dma_wait3A_239 = arith.constant 0 : i32
      %dma_wait3A_240 = tpu.memref_slice %arg8[%run_scoped3A_212, %dma_wait3A_239] : memref<200x100xi32, #tpu.memory_space<vmem>> -> memref<1x100xi32, #tpu.memory_space<vmem>>
      %dma_wait3A_241 = tpu.memref_squeeze %dma_wait3A_240 : memref<1x100xi32, #tpu.memory_space<vmem>> -> memref<100xi32, #tpu.memory_space<vmem>>
      %dma_wait3A_242 = arith.constant 0 : i32
      %dma_wait3A_243 = arith.constant 0 : i32
      %dma_wait3A_244 = tpu.memref_slice %arg10[%dma_wait3A_242, %dma_wait3A_243] : memref<10008x64xf32, #tpu.memory_space<vmem_shared>> -> memref<10008x64xf32, #tpu.memory_space<vmem_shared>>
      tpu.wait_indirect_dma semaphore(%run_scoped3A_224 : memref<!tpu.dma_semaphore, #tpu.memory_space<semaphore_mem>>) src(%dma_wait3A_238 : memref<100x64xf32, #tpu.memory_space<vmem>>) dst(%dma_wait3A_244 : memref<10008x64xf32, #tpu.memory_space<vmem_shared>>)
      tpu.yield
    }) : () -> ()
    %barrier3A_213 = arith.constant 0 : index
    tpu.barrier barrier_id(%barrier3A_213)
    %lt3A_214 = arith.constant 15 : i32
    %lt3A_215 = arith.cmpi slt, %arg1, %lt3A_214 : i32
    %convert_element_type3A_216 = arith.extui %lt3A_215 : i1 to i32
    %cond3A_217 = arith.constant 0 : i32
    %cond3A_218 = arith.cmpi ne, %convert_element_type3A_216, %cond3A_217 : i32
    scf.if %cond3A_218 {
      %mul3A = arith.constant 640 : i32
      %mul3A_224 = arith.muli %arg1, %mul3A : i32
      %mul3A_225 = arith.constant 640 : i32
      %mul3A_226 = arith.muli %arg1, %mul3A_225 : i32
      "tpu.region"() ({
        %run_scoped3A_227 = tpu.sem_alloc : memref<!tpu.dma_semaphore, #tpu.memory_space<semaphore_mem>>
        %dma_start3A_228 = arith.constant 0 : i32
        %dma_start3A_229 = tpu.memref_slice %arg6[%arg0, %mul3A_226, %dma_start3A_228] : memref<2x10000x64xf32, #tpu.memory_space<hbm>> -> memref<1x640x64xf32, #tpu.memory_space<hbm>>
        %dma_start3A_230 = tpu.memref_squeeze %dma_start3A_229 : memref<1x640x64xf32, #tpu.memory_space<hbm>> -> memref<640x64xf32, #tpu.memory_space<hbm>>
        %dma_start3A_231 = arith.constant 0 : i32
        %dma_start3A_232 = tpu.memref_slice %arg10[%mul3A_224, %dma_start3A_231] : memref<10008x64xf32, #tpu.memory_space<vmem_shared>> -> memref<640x64xf32, #tpu.memory_space<vmem_shared>>
        tpu.enqueue_dma source(%dma_start3A_232 : memref<640x64xf32, #tpu.memory_space<vmem_shared>>) target(%dma_start3A_230 : memref<640x64xf32, #tpu.memory_space<hbm>>) target_semaphore(%run_scoped3A_227 : memref<!tpu.dma_semaphore, #tpu.memory_space<semaphore_mem>>)
        %dma_wait3A_233 = arith.constant 0 : i32
        %dma_wait3A_234 = tpu.memref_slice %arg6[%arg0, %mul3A_226, %dma_wait3A_233] : memref<2x10000x64xf32, #tpu.memory_space<hbm>> -> memref<1x640x64xf32, #tpu.memory_space<hbm>>
        %dma_wait3A_235 = tpu.memref_squeeze %dma_wait3A_234 : memref<1x640x64xf32, #tpu.memory_space<hbm>> -> memref<640x64xf32, #tpu.memory_space<hbm>>
        %dma_wait3A_236 = arith.constant 0 : i32
        %dma_wait3A_237 = tpu.memref_slice %arg10[%mul3A_224, %dma_wait3A_236] : memref<10008x64xf32, #tpu.memory_space<vmem_shared>> -> memref<640x64xf32, #tpu.memory_space<vmem_shared>>
        tpu.wait_dma2 semaphore(%run_scoped3A_227 : memref<!tpu.dma_semaphore, #tpu.memory_space<semaphore_mem>>) src(%dma_wait3A_237 : memref<640x64xf32, #tpu.memory_space<vmem_shared>>) dst(%dma_wait3A_235 : memref<640x64xf32, #tpu.memory_space<hbm>>)
        tpu.yield
      }) : () -> ()
    } else {
    }
    %eq3A_219 = arith.constant 15 : i32
    %eq3A_220 = arith.cmpi eq, %arg1, %eq3A_219 : i32
    %convert_element_type3A_221 = arith.extui %eq3A_220 : i1 to i32
    %cond3A_222 = arith.constant 0 : i32
    %cond3A_223 = arith.cmpi ne, %convert_element_type3A_221, %cond3A_222 : i32
    scf.if %cond3A_223 {
      "tpu.region"() ({
        %run_scoped3A_224 = tpu.sem_alloc : memref<!tpu.dma_semaphore, #tpu.memory_space<semaphore_mem>>
        %dma_start3A_225 = arith.constant 9600 : i32
        %dma_start3A_226 = arith.constant 0 : i32
        %dma_start3A_227 = tpu.memref_slice %arg6[%arg0, %dma_start3A_225, %dma_start3A_226] : memref<2x10000x64xf32, #tpu.memory_space<hbm>> -> memref<1x400x64xf32, #tpu.memory_space<hbm>>
        %dma_start3A_228 = tpu.memref_squeeze %dma_start3A_227 : memref<1x400x64xf32, #tpu.memory_space<hbm>> -> memref<400x64xf32, #tpu.memory_space<hbm>>
        %dma_start3A_229 = arith.constant 9600 : i32
        %dma_start3A_230 = arith.constant 0 : i32
        %dma_start3A_231 = tpu.memref_slice %arg10[%dma_start3A_229, %dma_start3A_230] : memref<10008x64xf32, #tpu.memory_space<vmem_shared>> -> memref<400x64xf32, #tpu.memory_space<vmem_shared>>
        tpu.enqueue_dma source(%dma_start3A_231 : memref<400x64xf32, #tpu.memory_space<vmem_shared>>) target(%dma_start3A_228 : memref<400x64xf32, #tpu.memory_space<hbm>>) target_semaphore(%run_scoped3A_224 : memref<!tpu.dma_semaphore, #tpu.memory_space<semaphore_mem>>)
        %dma_wait3A_232 = arith.constant 9600 : i32
        %dma_wait3A_233 = arith.constant 0 : i32
        %dma_wait3A_234 = tpu.memref_slice %arg6[%arg0, %dma_wait3A_232, %dma_wait3A_233] : memref<2x10000x64xf32, #tpu.memory_space<hbm>> -> memref<1x400x64xf32, #tpu.memory_space<hbm>>
        %dma_wait3A_235 = tpu.memref_squeeze %dma_wait3A_234 : memref<1x400x64xf32, #tpu.memory_space<hbm>> -> memref<400x64xf32, #tpu.memory_space<hbm>>
        %dma_wait3A_236 = arith.constant 9600 : i32
        %dma_wait3A_237 = arith.constant 0 : i32
        %dma_wait3A_238 = tpu.memref_slice %arg10[%dma_wait3A_236, %dma_wait3A_237] : memref<10008x64xf32, #tpu.memory_space<vmem_shared>> -> memref<400x64xf32, #tpu.memory_space<vmem_shared>>
        tpu.wait_dma2 semaphore(%run_scoped3A_224 : memref<!tpu.dma_semaphore, #tpu.memory_space<semaphore_mem>>) src(%dma_wait3A_238 : memref<400x64xf32, #tpu.memory_space<vmem_shared>>) dst(%dma_wait3A_235 : memref<400x64xf32, #tpu.memory_space<hbm>>)
        tpu.yield
      }) : () -> ()
    } else {
    }
    return
  }
}

#map = affine_map<(d0, d1) -> (0, 0, 0)>
#map1 = affine_map<(d0, d1) -> (0, 0)>
module attributes {stable_mosaic.version = 14 : i64} {
  func.func @_deg_body(%arg0: i32, %arg1: i32, %arg2: memref<32x79x128xi32, #tpu.memory_space<hbm>>, %arg3: memref<10000x16xf32, #tpu.memory_space<hbm>>, %arg4: memref<128x16xf32, #tpu.memory_space<hbm>>, %arg5: memref<2x10000x16xf32, #tpu.memory_space<hbm>>, %arg6: memref<79x128xi32, #tpu.memory_space<vmem>>, %arg7: memref<128x16xf32, #tpu.memory_space<vmem>>, %arg8: memref<10008x16xf32, #tpu.memory_space<vmem_shared>>, %arg9: memref<!tpu.dma_semaphore, #tpu.memory_space<semaphore_mem>>, %arg10: memref<!tpu.dma_semaphore, #tpu.memory_space<semaphore_mem>>) attributes {dimension_semantics = [#tpu.dimension_semantics<core_parallel>, #tpu.dimension_semantics<subcore_parallel>], iteration_bounds = array<i64: 2, 16>, scalar_prefetch = 0 : i64, scratch_operands = 5 : i64, tpu.core_type = #tpu.core_type<sc_vector_subcore>, window_params = [{transform_indices = #map}, {transform_indices = #map1}, {transform_indices = #map1}, {transform_indices = #map}]} {
    %mul3A = arith.constant 16 : i32
    %mul3A_0 = arith.muli %arg0, %mul3A : i32
    %add3A = arith.addi %mul3A_0, %arg1 : i32
    %eq3A = arith.constant 0 : i32
    %eq3A_1 = arith.cmpi eq, %arg1, %eq3A : i32
    %convert_element_type3A = arith.extui %eq3A_1 : i1 to i32
    %cond3A = arith.constant 0 : i32
    %cond3A_2 = arith.cmpi ne, %convert_element_type3A, %cond3A : i32
    scf.if %cond3A_2 {
      "tpu.region"() ({
        %run_scoped3A = tpu.sem_alloc : memref<!tpu.dma_semaphore, #tpu.memory_space<semaphore_mem>>
        %dma_start3A_54 = arith.constant 0 : i32
        %dma_start3A_55 = arith.constant 0 : i32
        %dma_start3A_56 = tpu.memref_slice %arg8[%dma_start3A_54, %dma_start3A_55] : memref<10008x16xf32, #tpu.memory_space<vmem_shared>> -> memref<10000x16xf32, #tpu.memory_space<vmem_shared>>
        tpu.enqueue_dma source(%arg3 : memref<10000x16xf32, #tpu.memory_space<hbm>>) target(%dma_start3A_56 : memref<10000x16xf32, #tpu.memory_space<vmem_shared>>) target_semaphore(%run_scoped3A : memref<!tpu.dma_semaphore, #tpu.memory_space<semaphore_mem>>)
        %dma_wait3A_57 = arith.constant 0 : i32
        %dma_wait3A_58 = arith.constant 0 : i32
        %dma_wait3A_59 = tpu.memref_slice %arg8[%dma_wait3A_57, %dma_wait3A_58] : memref<10008x16xf32, #tpu.memory_space<vmem_shared>> -> memref<10000x16xf32, #tpu.memory_space<vmem_shared>>
        tpu.wait_dma2 semaphore(%run_scoped3A : memref<!tpu.dma_semaphore, #tpu.memory_space<semaphore_mem>>) src(%arg3 : memref<10000x16xf32, #tpu.memory_space<hbm>>) dst(%dma_wait3A_59 : memref<10000x16xf32, #tpu.memory_space<vmem_shared>>)
        tpu.yield
      }) : () -> ()
    } else {
    }
    "tpu.region"() ({
      %run_scoped3A = tpu.sem_alloc : memref<!tpu.dma_semaphore, #tpu.memory_space<semaphore_mem>>
      %dma_start3A_54 = arith.constant 0 : i32
      %dma_start3A_55 = arith.constant 0 : i32
      %dma_start3A_56 = tpu.memref_slice %arg2[%add3A, %dma_start3A_54, %dma_start3A_55] : memref<32x79x128xi32, #tpu.memory_space<hbm>> -> memref<1x79x128xi32, #tpu.memory_space<hbm>>
      %dma_start3A_57 = tpu.memref_squeeze %dma_start3A_56 : memref<1x79x128xi32, #tpu.memory_space<hbm>> -> memref<79x128xi32, #tpu.memory_space<hbm>>
      %dma_start3A_58 = arith.constant 0 : i32
      %dma_start3A_59 = arith.constant 0 : i32
      %dma_start3A_60 = tpu.memref_slice %arg2[%add3A, %dma_start3A_58, %dma_start3A_59] : memref<32x79x128xi32, #tpu.memory_space<hbm>> -> memref<1x79x128xi32, #tpu.memory_space<hbm>>
      %dma_start3A_61 = tpu.memref_squeeze %dma_start3A_60 : memref<1x79x128xi32, #tpu.memory_space<hbm>> -> memref<79x128xi32, #tpu.memory_space<hbm>>
      tpu.enqueue_dma source(%dma_start3A_61 : memref<79x128xi32, #tpu.memory_space<hbm>>) target(%arg6 : memref<79x128xi32, #tpu.memory_space<vmem>>) target_semaphore(%run_scoped3A : memref<!tpu.dma_semaphore, #tpu.memory_space<semaphore_mem>>)
      %dma_wait3A_62 = arith.constant 0 : i32
      %dma_wait3A_63 = arith.constant 0 : i32
      %dma_wait3A_64 = tpu.memref_slice %arg2[%add3A, %dma_wait3A_62, %dma_wait3A_63] : memref<32x79x128xi32, #tpu.memory_space<hbm>> -> memref<1x79x128xi32, #tpu.memory_space<hbm>>
      %dma_wait3A_65 = tpu.memref_squeeze %dma_wait3A_64 : memref<1x79x128xi32, #tpu.memory_space<hbm>> -> memref<79x128xi32, #tpu.memory_space<hbm>>
      %dma_wait3A_66 = arith.constant 0 : i32
      %dma_wait3A_67 = arith.constant 0 : i32
      %dma_wait3A_68 = tpu.memref_slice %arg2[%add3A, %dma_wait3A_66, %dma_wait3A_67] : memref<32x79x128xi32, #tpu.memory_space<hbm>> -> memref<1x79x128xi32, #tpu.memory_space<hbm>>
      %dma_wait3A_69 = tpu.memref_squeeze %dma_wait3A_68 : memref<1x79x128xi32, #tpu.memory_space<hbm>> -> memref<79x128xi32, #tpu.memory_space<hbm>>
      tpu.wait_dma2 semaphore(%run_scoped3A : memref<!tpu.dma_semaphore, #tpu.memory_space<semaphore_mem>>) src(%dma_wait3A_69 : memref<79x128xi32, #tpu.memory_space<hbm>>) dst(%arg6 : memref<79x128xi32, #tpu.memory_space<vmem>>)
      tpu.yield
    }) : () -> ()
    "tpu.region"() ({
      %run_scoped3A = tpu.sem_alloc : memref<!tpu.dma_semaphore, #tpu.memory_space<semaphore_mem>>
      tpu.enqueue_dma source(%arg4 : memref<128x16xf32, #tpu.memory_space<hbm>>) target(%arg7 : memref<128x16xf32, #tpu.memory_space<vmem>>) target_semaphore(%run_scoped3A : memref<!tpu.dma_semaphore, #tpu.memory_space<semaphore_mem>>)
      tpu.wait_dma2 semaphore(%run_scoped3A : memref<!tpu.dma_semaphore, #tpu.memory_space<semaphore_mem>>) src(%arg4 : memref<128x16xf32, #tpu.memory_space<hbm>>) dst(%arg7 : memref<128x16xf32, #tpu.memory_space<vmem>>)
      tpu.yield
    }) : () -> ()
    %barrier3A = arith.constant 0 : index
    tpu.barrier barrier_id(%barrier3A)
    %dma_start3A = arith.constant 0 : i32
    %dma_start3A_3 = arith.constant 0 : i32
    %dma_start3A_4 = tpu.memref_slice %arg6[%dma_start3A, %dma_start3A_3] : memref<79x128xi32, #tpu.memory_space<vmem>> -> memref<1x128xi32, #tpu.memory_space<vmem>>
    %dma_start3A_5 = tpu.memref_squeeze %dma_start3A_4 : memref<1x128xi32, #tpu.memory_space<vmem>> -> memref<128xi32, #tpu.memory_space<vmem>>
    %dma_start3A_6 = arith.constant 0 : i32
    %dma_start3A_7 = arith.constant 0 : i32
    %dma_start3A_8 = tpu.memref_slice %arg8[%dma_start3A_6, %dma_start3A_7] : memref<10008x16xf32, #tpu.memory_space<vmem_shared>> -> memref<10008x16xf32, #tpu.memory_space<vmem_shared>>
    tpu.enqueue_indirect_dma source(%arg7 : memref<128x16xf32, #tpu.memory_space<vmem>>) target(%dma_start3A_8 : memref<10008x16xf32, #tpu.memory_space<vmem_shared>>) offsets(%dma_start3A_5 : memref<128xi32, #tpu.memory_space<vmem>>) semaphore(%arg9 : memref<!tpu.dma_semaphore, #tpu.memory_space<semaphore_mem>>) {add = true}
    %dma_start3A_9 = arith.constant 1 : i32
    %dma_start3A_10 = arith.constant 0 : i32
    %dma_start3A_11 = tpu.memref_slice %arg6[%dma_start3A_9, %dma_start3A_10] : memref<79x128xi32, #tpu.memory_space<vmem>> -> memref<1x128xi32, #tpu.memory_space<vmem>>
    %dma_start3A_12 = tpu.memref_squeeze %dma_start3A_11 : memref<1x128xi32, #tpu.memory_space<vmem>> -> memref<128xi32, #tpu.memory_space<vmem>>
    %dma_start3A_13 = arith.constant 0 : i32
    %dma_start3A_14 = arith.constant 0 : i32
    %dma_start3A_15 = tpu.memref_slice %arg8[%dma_start3A_13, %dma_start3A_14] : memref<10008x16xf32, #tpu.memory_space<vmem_shared>> -> memref<10008x16xf32, #tpu.memory_space<vmem_shared>>
    tpu.enqueue_indirect_dma source(%arg7 : memref<128x16xf32, #tpu.memory_space<vmem>>) target(%dma_start3A_15 : memref<10008x16xf32, #tpu.memory_space<vmem_shared>>) offsets(%dma_start3A_12 : memref<128xi32, #tpu.memory_space<vmem>>) semaphore(%arg10 : memref<!tpu.dma_semaphore, #tpu.memory_space<semaphore_mem>>) {add = true}
    %scan3A = arith.constant 0 : i32
    %scan3A_16 = arith.constant 0 : i32
    %scan3A_17 = arith.constant 38 : i32
    %scan3A_18 = arith.addi %scan3A_16, %scan3A_17 : i32
    %scan3A_19 = arith.constant 1 : i32
    scf.for %scan3A_54 = %scan3A_16 to %scan3A_18 step %scan3A_19  : i32 {
      %mul3A_55 = arith.constant 2 : i32
      %mul3A_56 = arith.muli %scan3A_54, %mul3A_55 : i32
      %add3A_57 = arith.constant 2 : i32
      %add3A_58 = arith.addi %add3A_57, %mul3A_56 : i32
      %add3A_59 = arith.constant 0 : i32
      %add3A_60 = arith.addi %add3A_58, %add3A_59 : i32
      %dma_wait3A_61 = arith.constant 0 : i32
      %dma_wait3A_62 = arith.constant 0 : i32
      %dma_wait3A_63 = tpu.memref_slice %arg6[%dma_wait3A_61, %dma_wait3A_62] : memref<79x128xi32, #tpu.memory_space<vmem>> -> memref<1x128xi32, #tpu.memory_space<vmem>>
      %dma_wait3A_64 = tpu.memref_squeeze %dma_wait3A_63 : memref<1x128xi32, #tpu.memory_space<vmem>> -> memref<128xi32, #tpu.memory_space<vmem>>
      %dma_wait3A_65 = arith.constant 0 : i32
      %dma_wait3A_66 = arith.constant 0 : i32
      %dma_wait3A_67 = tpu.memref_slice %arg8[%dma_wait3A_65, %dma_wait3A_66] : memref<10008x16xf32, #tpu.memory_space<vmem_shared>> -> memref<10008x16xf32, #tpu.memory_space<vmem_shared>>
      tpu.wait_indirect_dma semaphore(%arg9 : memref<!tpu.dma_semaphore, #tpu.memory_space<semaphore_mem>>) src(%arg7 : memref<128x16xf32, #tpu.memory_space<vmem>>) dst(%dma_wait3A_67 : memref<10008x16xf32, #tpu.memory_space<vmem_shared>>)
      %dma_start3A_68 = arith.constant 0 : i32
      %dma_start3A_69 = tpu.memref_slice %arg6[%add3A_60, %dma_start3A_68] : memref<79x128xi32, #tpu.memory_space<vmem>> -> memref<1x128xi32, #tpu.memory_space<vmem>>
      %dma_start3A_70 = tpu.memref_squeeze %dma_start3A_69 : memref<1x128xi32, #tpu.memory_space<vmem>> -> memref<128xi32, #tpu.memory_space<vmem>>
      %dma_start3A_71 = arith.constant 0 : i32
      %dma_start3A_72 = arith.constant 0 : i32
      %dma_start3A_73 = tpu.memref_slice %arg8[%dma_start3A_71, %dma_start3A_72] : memref<10008x16xf32, #tpu.memory_space<vmem_shared>> -> memref<10008x16xf32, #tpu.memory_space<vmem_shared>>
      tpu.enqueue_indirect_dma source(%arg7 : memref<128x16xf32, #tpu.memory_space<vmem>>) target(%dma_start3A_73 : memref<10008x16xf32, #tpu.memory_space<vmem_shared>>) offsets(%dma_start3A_70 : memref<128xi32, #tpu.memory_space<vmem>>) semaphore(%arg9 : memref<!tpu.dma_semaphore, #tpu.memory_space<semaphore_mem>>) {add = true}
      %mul3A_74 = arith.constant 2 : i32
      %mul3A_75 = arith.muli %scan3A_54, %mul3A_74 : i32
      %add3A_76 = arith.constant 2 : i32
      %add3A_77 = arith.addi %add3A_76, %mul3A_75 : i32
      %add3A_78 = arith.constant 1 : i32
      %add3A_79 = arith.addi %add3A_77, %add3A_78 : i32
      %dma_wait3A_80 = arith.constant 0 : i32
      %dma_wait3A_81 = arith.constant 0 : i32
      %dma_wait3A_82 = tpu.memref_slice %arg6[%dma_wait3A_80, %dma_wait3A_81] : memref<79x128xi32, #tpu.memory_space<vmem>> -> memref<1x128xi32, #tpu.memory_space<vmem>>
      %dma_wait3A_83 = tpu.memref_squeeze %dma_wait3A_82 : memref<1x128xi32, #tpu.memory_space<vmem>> -> memref<128xi32, #tpu.memory_space<vmem>>
      %dma_wait3A_84 = arith.constant 0 : i32
      %dma_wait3A_85 = arith.constant 0 : i32
      %dma_wait3A_86 = tpu.memref_slice %arg8[%dma_wait3A_84, %dma_wait3A_85] : memref<10008x16xf32, #tpu.memory_space<vmem_shared>> -> memref<10008x16xf32, #tpu.memory_space<vmem_shared>>
      tpu.wait_indirect_dma semaphore(%arg10 : memref<!tpu.dma_semaphore, #tpu.memory_space<semaphore_mem>>) src(%arg7 : memref<128x16xf32, #tpu.memory_space<vmem>>) dst(%dma_wait3A_86 : memref<10008x16xf32, #tpu.memory_space<vmem_shared>>)
      %dma_start3A_87 = arith.constant 0 : i32
      %dma_start3A_88 = tpu.memref_slice %arg6[%add3A_79, %dma_start3A_87] : memref<79x128xi32, #tpu.memory_space<vmem>> -> memref<1x128xi32, #tpu.memory_space<vmem>>
      %dma_start3A_89 = tpu.memref_squeeze %dma_start3A_88 : memref<1x128xi32, #tpu.memory_space<vmem>> -> memref<128xi32, #tpu.memory_space<vmem>>
      %dma_start3A_90 = arith.constant 0 : i32
      %dma_start3A_91 = arith.constant 0 : i32
      %dma_start3A_92 = tpu.memref_slice %arg8[%dma_start3A_90, %dma_start3A_91] : memref<10008x16xf32, #tpu.memory_space<vmem_shared>> -> memref<10008x16xf32, #tpu.memory_space<vmem_shared>>
      tpu.enqueue_indirect_dma source(%arg7 : memref<128x16xf32, #tpu.memory_space<vmem>>) target(%dma_start3A_92 : memref<10008x16xf32, #tpu.memory_space<vmem_shared>>) offsets(%dma_start3A_89 : memref<128xi32, #tpu.memory_space<vmem>>) semaphore(%arg10 : memref<!tpu.dma_semaphore, #tpu.memory_space<semaphore_mem>>) {add = true}
    }
    %scan3A_20 = arith.constant 38 : i32
    %dma_wait3A = arith.constant 0 : i32
    %dma_wait3A_21 = arith.constant 0 : i32
    %dma_wait3A_22 = tpu.memref_slice %arg6[%dma_wait3A, %dma_wait3A_21] : memref<79x128xi32, #tpu.memory_space<vmem>> -> memref<1x128xi32, #tpu.memory_space<vmem>>
    %dma_wait3A_23 = tpu.memref_squeeze %dma_wait3A_22 : memref<1x128xi32, #tpu.memory_space<vmem>> -> memref<128xi32, #tpu.memory_space<vmem>>
    %dma_wait3A_24 = arith.constant 0 : i32
    %dma_wait3A_25 = arith.constant 0 : i32
    %dma_wait3A_26 = tpu.memref_slice %arg8[%dma_wait3A_24, %dma_wait3A_25] : memref<10008x16xf32, #tpu.memory_space<vmem_shared>> -> memref<10008x16xf32, #tpu.memory_space<vmem_shared>>
    tpu.wait_indirect_dma semaphore(%arg9 : memref<!tpu.dma_semaphore, #tpu.memory_space<semaphore_mem>>) src(%arg7 : memref<128x16xf32, #tpu.memory_space<vmem>>) dst(%dma_wait3A_26 : memref<10008x16xf32, #tpu.memory_space<vmem_shared>>)
    %dma_start3A_27 = arith.constant 78 : i32
    %dma_start3A_28 = arith.constant 0 : i32
    %dma_start3A_29 = tpu.memref_slice %arg6[%dma_start3A_27, %dma_start3A_28] : memref<79x128xi32, #tpu.memory_space<vmem>> -> memref<1x128xi32, #tpu.memory_space<vmem>>
    %dma_start3A_30 = tpu.memref_squeeze %dma_start3A_29 : memref<1x128xi32, #tpu.memory_space<vmem>> -> memref<128xi32, #tpu.memory_space<vmem>>
    %dma_start3A_31 = arith.constant 0 : i32
    %dma_start3A_32 = arith.constant 0 : i32
    %dma_start3A_33 = tpu.memref_slice %arg8[%dma_start3A_31, %dma_start3A_32] : memref<10008x16xf32, #tpu.memory_space<vmem_shared>> -> memref<10008x16xf32, #tpu.memory_space<vmem_shared>>
    tpu.enqueue_indirect_dma source(%arg7 : memref<128x16xf32, #tpu.memory_space<vmem>>) target(%dma_start3A_33 : memref<10008x16xf32, #tpu.memory_space<vmem_shared>>) offsets(%dma_start3A_30 : memref<128xi32, #tpu.memory_space<vmem>>) semaphore(%arg9 : memref<!tpu.dma_semaphore, #tpu.memory_space<semaphore_mem>>) {add = true}
    %dma_wait3A_34 = arith.constant 0 : i32
    %dma_wait3A_35 = arith.constant 0 : i32
    %dma_wait3A_36 = tpu.memref_slice %arg6[%dma_wait3A_34, %dma_wait3A_35] : memref<79x128xi32, #tpu.memory_space<vmem>> -> memref<1x128xi32, #tpu.memory_space<vmem>>
    %dma_wait3A_37 = tpu.memref_squeeze %dma_wait3A_36 : memref<1x128xi32, #tpu.memory_space<vmem>> -> memref<128xi32, #tpu.memory_space<vmem>>
    %dma_wait3A_38 = arith.constant 0 : i32
    %dma_wait3A_39 = arith.constant 0 : i32
    %dma_wait3A_40 = tpu.memref_slice %arg8[%dma_wait3A_38, %dma_wait3A_39] : memref<10008x16xf32, #tpu.memory_space<vmem_shared>> -> memref<10008x16xf32, #tpu.memory_space<vmem_shared>>
    tpu.wait_indirect_dma semaphore(%arg9 : memref<!tpu.dma_semaphore, #tpu.memory_space<semaphore_mem>>) src(%arg7 : memref<128x16xf32, #tpu.memory_space<vmem>>) dst(%dma_wait3A_40 : memref<10008x16xf32, #tpu.memory_space<vmem_shared>>)
    %dma_wait3A_41 = arith.constant 0 : i32
    %dma_wait3A_42 = arith.constant 0 : i32
    %dma_wait3A_43 = tpu.memref_slice %arg6[%dma_wait3A_41, %dma_wait3A_42] : memref<79x128xi32, #tpu.memory_space<vmem>> -> memref<1x128xi32, #tpu.memory_space<vmem>>
    %dma_wait3A_44 = tpu.memref_squeeze %dma_wait3A_43 : memref<1x128xi32, #tpu.memory_space<vmem>> -> memref<128xi32, #tpu.memory_space<vmem>>
    %dma_wait3A_45 = arith.constant 0 : i32
    %dma_wait3A_46 = arith.constant 0 : i32
    %dma_wait3A_47 = tpu.memref_slice %arg8[%dma_wait3A_45, %dma_wait3A_46] : memref<10008x16xf32, #tpu.memory_space<vmem_shared>> -> memref<10008x16xf32, #tpu.memory_space<vmem_shared>>
    tpu.wait_indirect_dma semaphore(%arg10 : memref<!tpu.dma_semaphore, #tpu.memory_space<semaphore_mem>>) src(%arg7 : memref<128x16xf32, #tpu.memory_space<vmem>>) dst(%dma_wait3A_47 : memref<10008x16xf32, #tpu.memory_space<vmem_shared>>)
    %barrier3A_48 = arith.constant 0 : index
    tpu.barrier barrier_id(%barrier3A_48)
    %eq3A_49 = arith.constant 0 : i32
    %eq3A_50 = arith.cmpi eq, %arg1, %eq3A_49 : i32
    %convert_element_type3A_51 = arith.extui %eq3A_50 : i1 to i32
    %cond3A_52 = arith.constant 0 : i32
    %cond3A_53 = arith.cmpi ne, %convert_element_type3A_51, %cond3A_52 : i32
    scf.if %cond3A_53 {
      "tpu.region"() ({
        %run_scoped3A = tpu.sem_alloc : memref<!tpu.dma_semaphore, #tpu.memory_space<semaphore_mem>>
        %dma_start3A_54 = arith.constant 0 : i32
        %dma_start3A_55 = arith.constant 0 : i32
        %dma_start3A_56 = tpu.memref_slice %arg5[%arg0, %dma_start3A_54, %dma_start3A_55] : memref<2x10000x16xf32, #tpu.memory_space<hbm>> -> memref<1x10000x16xf32, #tpu.memory_space<hbm>>
        %dma_start3A_57 = tpu.memref_squeeze %dma_start3A_56 : memref<1x10000x16xf32, #tpu.memory_space<hbm>> -> memref<10000x16xf32, #tpu.memory_space<hbm>>
        %dma_start3A_58 = arith.constant 0 : i32
        %dma_start3A_59 = arith.constant 0 : i32
        %dma_start3A_60 = tpu.memref_slice %arg8[%dma_start3A_58, %dma_start3A_59] : memref<10008x16xf32, #tpu.memory_space<vmem_shared>> -> memref<10000x16xf32, #tpu.memory_space<vmem_shared>>
        tpu.enqueue_dma source(%dma_start3A_60 : memref<10000x16xf32, #tpu.memory_space<vmem_shared>>) target(%dma_start3A_57 : memref<10000x16xf32, #tpu.memory_space<hbm>>) target_semaphore(%run_scoped3A : memref<!tpu.dma_semaphore, #tpu.memory_space<semaphore_mem>>)
        %dma_wait3A_61 = arith.constant 0 : i32
        %dma_wait3A_62 = arith.constant 0 : i32
        %dma_wait3A_63 = tpu.memref_slice %arg5[%arg0, %dma_wait3A_61, %dma_wait3A_62] : memref<2x10000x16xf32, #tpu.memory_space<hbm>> -> memref<1x10000x16xf32, #tpu.memory_space<hbm>>
        %dma_wait3A_64 = tpu.memref_squeeze %dma_wait3A_63 : memref<1x10000x16xf32, #tpu.memory_space<hbm>> -> memref<10000x16xf32, #tpu.memory_space<hbm>>
        %dma_wait3A_65 = arith.constant 0 : i32
        %dma_wait3A_66 = arith.constant 0 : i32
        %dma_wait3A_67 = tpu.memref_slice %arg8[%dma_wait3A_65, %dma_wait3A_66] : memref<10008x16xf32, #tpu.memory_space<vmem_shared>> -> memref<10000x16xf32, #tpu.memory_space<vmem_shared>>
        tpu.wait_dma2 semaphore(%run_scoped3A : memref<!tpu.dma_semaphore, #tpu.memory_space<semaphore_mem>>) src(%dma_wait3A_67 : memref<10000x16xf32, #tpu.memory_space<vmem_shared>>) dst(%dma_wait3A_64 : memref<10000x16xf32, #tpu.memory_space<hbm>>)
        tpu.yield
      }) : () -> ()
    } else {
    }
    return
  }
}

#map = affine_map<(d0, d1) -> (0, 0, 0)>
#map1 = affine_map<(d0, d1) -> (0, 0)>
module attributes {stable_mosaic.version = 14 : i64} {
  func.func @_agg_body(%arg0: i32, %arg1: i32, %arg2: memref<2x10000x64xf32, #tpu.memory_space<hbm>>, %arg3: memref<16x200x100xi32, #tpu.memory_space<hbm>>, %arg4: memref<16x200x100xi32, #tpu.memory_space<hbm>>, %arg5: memref<640x64xf32, #tpu.memory_space<hbm>>, %arg6: memref<2x10000x64xf32, #tpu.memory_space<hbm>>, %arg7: memref<200x100xi32, #tpu.memory_space<vmem>>, %arg8: memref<200x100xi32, #tpu.memory_space<vmem>>, %arg9: memref<5x100x64xf32, #tpu.memory_space<vmem>>, %arg10: memref<10008x64xf32, #tpu.memory_space<vmem_shared>>, %arg11: memref<!tpu.dma_semaphore, #tpu.memory_space<semaphore_mem>>, %arg12: memref<!tpu.dma_semaphore, #tpu.memory_space<semaphore_mem>>, %arg13: memref<!tpu.dma_semaphore, #tpu.memory_space<semaphore_mem>>, %arg14: memref<!tpu.dma_semaphore, #tpu.memory_space<semaphore_mem>>, %arg15: memref<!tpu.dma_semaphore, #tpu.memory_space<semaphore_mem>>) attributes {dimension_semantics = [#tpu.dimension_semantics<core_parallel>, #tpu.dimension_semantics<subcore_parallel>], iteration_bounds = array<i64: 2, 16>, scalar_prefetch = 0 : i64, scratch_operands = 9 : i64, tpu.core_type = #tpu.core_type<sc_vector_subcore>, window_params = [{transform_indices = #map}, {transform_indices = #map}, {transform_indices = #map}, {transform_indices = #map1}, {transform_indices = #map}]} {
    %lt3A = arith.constant 15 : i32
    %lt3A_0 = arith.cmpi slt, %arg1, %lt3A : i32
    %convert_element_type3A = arith.extui %lt3A_0 : i1 to i32
    %cond3A = arith.constant 0 : i32
    %cond3A_1 = arith.cmpi ne, %convert_element_type3A, %cond3A : i32
    scf.if %cond3A_1 {
      %mul3A = arith.constant 640 : i32
      %mul3A_224 = arith.muli %arg1, %mul3A : i32
      "tpu.region"() ({
        %run_scoped3A_225 = tpu.sem_alloc : memref<!tpu.dma_semaphore, #tpu.memory_space<semaphore_mem>>
        %dma_start3A_226 = arith.constant 0 : i32
        %dma_start3A_227 = tpu.memref_slice %arg10[%mul3A_224, %dma_start3A_226] : memref<10008x64xf32, #tpu.memory_space<vmem_shared>> -> memref<640x64xf32, #tpu.memory_space<vmem_shared>>
        tpu.enqueue_dma source(%arg5 : memref<640x64xf32, #tpu.memory_space<hbm>>) target(%dma_start3A_227 : memref<640x64xf32, #tpu.memory_space<vmem_shared>>) target_semaphore(%run_scoped3A_225 : memref<!tpu.dma_semaphore, #tpu.memory_space<semaphore_mem>>)
        %dma_wait3A_228 = arith.constant 0 : i32
        %dma_wait3A_229 = tpu.memref_slice %arg10[%mul3A_224, %dma_wait3A_228] : memref<10008x64xf32, #tpu.memory_space<vmem_shared>> -> memref<640x64xf32, #tpu.memory_space<vmem_shared>>
        tpu.wait_dma2 semaphore(%run_scoped3A_225 : memref<!tpu.dma_semaphore, #tpu.memory_space<semaphore_mem>>) src(%arg5 : memref<640x64xf32, #tpu.memory_space<hbm>>) dst(%dma_wait3A_229 : memref<640x64xf32, #tpu.memory_space<vmem_shared>>)
        tpu.yield
      }) : () -> ()
    } else {
    }
    %eq3A = arith.constant 15 : i32
    %eq3A_2 = arith.cmpi eq, %arg1, %eq3A : i32
    %convert_element_type3A_3 = arith.extui %eq3A_2 : i1 to i32
    %cond3A_4 = arith.constant 0 : i32
    %cond3A_5 = arith.cmpi ne, %convert_element_type3A_3, %cond3A_4 : i32
    scf.if %cond3A_5 {
      "tpu.region"() ({
        %run_scoped3A_224 = tpu.sem_alloc : memref<!tpu.dma_semaphore, #tpu.memory_space<semaphore_mem>>
        %dma_start3A_225 = arith.constant 9600 : i32
        %dma_start3A_226 = arith.constant 0 : i32
        %dma_start3A_227 = tpu.memref_slice %arg10[%dma_start3A_225, %dma_start3A_226] : memref<10008x64xf32, #tpu.memory_space<vmem_shared>> -> memref<400x64xf32, #tpu.memory_space<vmem_shared>>
        %dma_start3A_228 = arith.constant 0 : i32
        %dma_start3A_229 = arith.constant 0 : i32
        %dma_start3A_230 = tpu.memref_slice %arg5[%dma_start3A_228, %dma_start3A_229] : memref<640x64xf32, #tpu.memory_space<hbm>> -> memref<400x64xf32, #tpu.memory_space<hbm>>
        tpu.enqueue_dma source(%dma_start3A_230 : memref<400x64xf32, #tpu.memory_space<hbm>>) target(%dma_start3A_227 : memref<400x64xf32, #tpu.memory_space<vmem_shared>>) target_semaphore(%run_scoped3A_224 : memref<!tpu.dma_semaphore, #tpu.memory_space<semaphore_mem>>)
        %dma_wait3A_231 = arith.constant 9600 : i32
        %dma_wait3A_232 = arith.constant 0 : i32
        %dma_wait3A_233 = tpu.memref_slice %arg10[%dma_wait3A_231, %dma_wait3A_232] : memref<10008x64xf32, #tpu.memory_space<vmem_shared>> -> memref<400x64xf32, #tpu.memory_space<vmem_shared>>
        %dma_wait3A_234 = arith.constant 0 : i32
        %dma_wait3A_235 = arith.constant 0 : i32
        %dma_wait3A_236 = tpu.memref_slice %arg5[%dma_wait3A_234, %dma_wait3A_235] : memref<640x64xf32, #tpu.memory_space<hbm>> -> memref<400x64xf32, #tpu.memory_space<hbm>>
        tpu.wait_dma2 semaphore(%run_scoped3A_224 : memref<!tpu.dma_semaphore, #tpu.memory_space<semaphore_mem>>) src(%dma_wait3A_236 : memref<400x64xf32, #tpu.memory_space<hbm>>) dst(%dma_wait3A_233 : memref<400x64xf32, #tpu.memory_space<vmem_shared>>)
        tpu.yield
      }) : () -> ()
    } else {
    }
    "tpu.region"() ({
      %run_scoped3A_224 = tpu.sem_alloc : memref<!tpu.dma_semaphore, #tpu.memory_space<semaphore_mem>>
      %dma_start3A_225 = arith.constant 0 : i32
      %dma_start3A_226 = arith.constant 0 : i32
      %dma_start3A_227 = tpu.memref_slice %arg3[%arg1, %dma_start3A_225, %dma_start3A_226] : memref<16x200x100xi32, #tpu.memory_space<hbm>> -> memref<1x200x100xi32, #tpu.memory_space<hbm>>
      %dma_start3A_228 = tpu.memref_squeeze %dma_start3A_227 : memref<1x200x100xi32, #tpu.memory_space<hbm>> -> memref<200x100xi32, #tpu.memory_space<hbm>>
      %dma_start3A_229 = arith.constant 0 : i32
      %dma_start3A_230 = arith.constant 0 : i32
      %dma_start3A_231 = tpu.memref_slice %arg3[%arg1, %dma_start3A_229, %dma_start3A_230] : memref<16x200x100xi32, #tpu.memory_space<hbm>> -> memref<1x200x100xi32, #tpu.memory_space<hbm>>
      %dma_start3A_232 = tpu.memref_squeeze %dma_start3A_231 : memref<1x200x100xi32, #tpu.memory_space<hbm>> -> memref<200x100xi32, #tpu.memory_space<hbm>>
      tpu.enqueue_dma source(%dma_start3A_232 : memref<200x100xi32, #tpu.memory_space<hbm>>) target(%arg7 : memref<200x100xi32, #tpu.memory_space<vmem>>) target_semaphore(%run_scoped3A_224 : memref<!tpu.dma_semaphore, #tpu.memory_space<semaphore_mem>>)
      %dma_wait3A_233 = arith.constant 0 : i32
      %dma_wait3A_234 = arith.constant 0 : i32
      %dma_wait3A_235 = tpu.memref_slice %arg3[%arg1, %dma_wait3A_233, %dma_wait3A_234] : memref<16x200x100xi32, #tpu.memory_space<hbm>> -> memref<1x200x100xi32, #tpu.memory_space<hbm>>
      %dma_wait3A_236 = tpu.memref_squeeze %dma_wait3A_235 : memref<1x200x100xi32, #tpu.memory_space<hbm>> -> memref<200x100xi32, #tpu.memory_space<hbm>>
      %dma_wait3A_237 = arith.constant 0 : i32
      %dma_wait3A_238 = arith.constant 0 : i32
      %dma_wait3A_239 = tpu.memref_slice %arg3[%arg1, %dma_wait3A_237, %dma_wait3A_238] : memref<16x200x100xi32, #tpu.memory_space<hbm>> -> memref<1x200x100xi32, #tpu.memory_space<hbm>>
      %dma_wait3A_240 = tpu.memref_squeeze %dma_wait3A_239 : memref<1x200x100xi32, #tpu.memory_space<hbm>> -> memref<200x100xi32, #tpu.memory_space<hbm>>
      tpu.wait_dma2 semaphore(%run_scoped3A_224 : memref<!tpu.dma_semaphore, #tpu.memory_space<semaphore_mem>>) src(%dma_wait3A_240 : memref<200x100xi32, #tpu.memory_space<hbm>>) dst(%arg7 : memref<200x100xi32, #tpu.memory_space<vmem>>)
      tpu.yield
    }) : () -> ()
    "tpu.region"() ({
      %run_scoped3A_224 = tpu.sem_alloc : memref<!tpu.dma_semaphore, #tpu.memory_space<semaphore_mem>>
      %dma_start3A_225 = arith.constant 0 : i32
      %dma_start3A_226 = arith.constant 0 : i32
      %dma_start3A_227 = tpu.memref_slice %arg4[%arg1, %dma_start3A_225, %dma_start3A_226] : memref<16x200x100xi32, #tpu.memory_space<hbm>> -> memref<1x200x100xi32, #tpu.memory_space<hbm>>
      %dma_start3A_228 = tpu.memref_squeeze %dma_start3A_227 : memref<1x200x100xi32, #tpu.memory_space<hbm>> -> memref<200x100xi32, #tpu.memory_space<hbm>>
      %dma_start3A_229 = arith.constant 0 : i32
      %dma_start3A_230 = arith.constant 0 : i32
      %dma_start3A_231 = tpu.memref_slice %arg4[%arg1, %dma_start3A_229, %dma_start3A_230] : memref<16x200x100xi32, #tpu.memory_space<hbm>> -> memref<1x200x100xi32, #tpu.memory_space<hbm>>
      %dma_start3A_232 = tpu.memref_squeeze %dma_start3A_231 : memref<1x200x100xi32, #tpu.memory_space<hbm>> -> memref<200x100xi32, #tpu.memory_space<hbm>>
      tpu.enqueue_dma source(%dma_start3A_232 : memref<200x100xi32, #tpu.memory_space<hbm>>) target(%arg8 : memref<200x100xi32, #tpu.memory_space<vmem>>) target_semaphore(%run_scoped3A_224 : memref<!tpu.dma_semaphore, #tpu.memory_space<semaphore_mem>>)
      %dma_wait3A_233 = arith.constant 0 : i32
      %dma_wait3A_234 = arith.constant 0 : i32
      %dma_wait3A_235 = tpu.memref_slice %arg4[%arg1, %dma_wait3A_233, %dma_wait3A_234] : memref<16x200x100xi32, #tpu.memory_space<hbm>> -> memref<1x200x100xi32, #tpu.memory_space<hbm>>
      %dma_wait3A_236 = tpu.memref_squeeze %dma_wait3A_235 : memref<1x200x100xi32, #tpu.memory_space<hbm>> -> memref<200x100xi32, #tpu.memory_space<hbm>>
      %dma_wait3A_237 = arith.constant 0 : i32
      %dma_wait3A_238 = arith.constant 0 : i32
      %dma_wait3A_239 = tpu.memref_slice %arg4[%arg1, %dma_wait3A_237, %dma_wait3A_238] : memref<16x200x100xi32, #tpu.memory_space<hbm>> -> memref<1x200x100xi32, #tpu.memory_space<hbm>>
      %dma_wait3A_240 = tpu.memref_squeeze %dma_wait3A_239 : memref<1x200x100xi32, #tpu.memory_space<hbm>> -> memref<200x100xi32, #tpu.memory_space<hbm>>
      tpu.wait_dma2 semaphore(%run_scoped3A_224 : memref<!tpu.dma_semaphore, #tpu.memory_space<semaphore_mem>>) src(%dma_wait3A_240 : memref<200x100xi32, #tpu.memory_space<hbm>>) dst(%arg8 : memref<200x100xi32, #tpu.memory_space<vmem>>)
      tpu.yield
    }) : () -> ()
    %barrier3A = arith.constant 0 : index
    tpu.barrier barrier_id(%barrier3A)
    %dma_start3A = arith.constant 0 : i32
    %dma_start3A_6 = arith.constant 0 : i32
    %dma_start3A_7 = arith.constant 0 : i32
    %dma_start3A_8 = arith.constant 0 : i32
    %dma_start3A_9 = tpu.memref_slice %arg9[%dma_start3A_6, %dma_start3A_7, %dma_start3A_8] : memref<5x100x64xf32, #tpu.memory_space<vmem>> -> memref<1x100x64xf32, #tpu.memory_space<vmem>>
    %dma_start3A_10 = tpu.memref_squeeze %dma_start3A_9 : memref<1x100x64xf32, #tpu.memory_space<vmem>> -> memref<100x64xf32, #tpu.memory_space<vmem>>
    %dma_start3A_11 = arith.constant 0 : i32
    %dma_start3A_12 = tpu.memref_slice %arg7[%dma_start3A, %dma_start3A_11] : memref<200x100xi32, #tpu.memory_space<vmem>> -> memref<1x100xi32, #tpu.memory_space<vmem>>
    %dma_start3A_13 = tpu.memref_squeeze %dma_start3A_12 : memref<1x100xi32, #tpu.memory_space<vmem>> -> memref<100xi32, #tpu.memory_space<vmem>>
    %dma_start3A_14 = arith.constant 0 : i32
    %dma_start3A_15 = arith.constant 0 : i32
    %dma_start3A_16 = tpu.memref_slice %arg2[%arg0, %dma_start3A_14, %dma_start3A_15] : memref<2x10000x64xf32, #tpu.memory_space<hbm>> -> memref<1x10000x64xf32, #tpu.memory_space<hbm>>
    %dma_start3A_17 = tpu.memref_squeeze %dma_start3A_16 : memref<1x10000x64xf32, #tpu.memory_space<hbm>> -> memref<10000x64xf32, #tpu.memory_space<hbm>>
    %dma_start3A_18 = arith.constant 0 : i32
    %dma_start3A_19 = arith.constant 0 : i32
    %dma_start3A_20 = tpu.memref_slice %dma_start3A_17[%dma_start3A_18, %dma_start3A_19] : memref<10000x64xf32, #tpu.memory_space<hbm>> -> memref<10000x64xf32, #tpu.memory_space<hbm>>
    tpu.enqueue_indirect_dma source(%dma_start3A_20 : memref<10000x64xf32, #tpu.memory_space<hbm>>) target(%dma_start3A_10 : memref<100x64xf32, #tpu.memory_space<vmem>>) offsets(%dma_start3A_13 : memref<100xi32, #tpu.memory_space<vmem>>) semaphore(%arg11 : memref<!tpu.dma_semaphore, #tpu.memory_space<semaphore_mem>>)
    %dma_start3A_21 = arith.constant 1 : i32
    %dma_start3A_22 = arith.constant 1 : i32
    %dma_start3A_23 = arith.constant 0 : i32
    %dma_start3A_24 = arith.constant 0 : i32
    %dma_start3A_25 = tpu.memref_slice %arg9[%dma_start3A_22, %dma_start3A_23, %dma_start3A_24] : memref<5x100x64xf32, #tpu.memory_space<vmem>> -> memref<1x100x64xf32, #tpu.memory_space<vmem>>
    %dma_start3A_26 = tpu.memref_squeeze %dma_start3A_25 : memref<1x100x64xf32, #tpu.memory_space<vmem>> -> memref<100x64xf32, #tpu.memory_space<vmem>>
    %dma_start3A_27 = arith.constant 0 : i32
    %dma_start3A_28 = tpu.memref_slice %arg7[%dma_start3A_21, %dma_start3A_27] : memref<200x100xi32, #tpu.memory_space<vmem>> -> memref<1x100xi32, #tpu.memory_space<vmem>>
    %dma_start3A_29 = tpu.memref_squeeze %dma_start3A_28 : memref<1x100xi32, #tpu.memory_space<vmem>> -> memref<100xi32, #tpu.memory_space<vmem>>
    %dma_start3A_30 = arith.constant 0 : i32
    %dma_start3A_31 = arith.constant 0 : i32
    %dma_start3A_32 = tpu.memref_slice %arg2[%arg0, %dma_start3A_30, %dma_start3A_31] : memref<2x10000x64xf32, #tpu.memory_space<hbm>> -> memref<1x10000x64xf32, #tpu.memory_space<hbm>>
    %dma_start3A_33 = tpu.memref_squeeze %dma_start3A_32 : memref<1x10000x64xf32, #tpu.memory_space<hbm>> -> memref<10000x64xf32, #tpu.memory_space<hbm>>
    %dma_start3A_34 = arith.constant 0 : i32
    %dma_start3A_35 = arith.constant 0 : i32
    %dma_start3A_36 = tpu.memref_slice %dma_start3A_33[%dma_start3A_34, %dma_start3A_35] : memref<10000x64xf32, #tpu.memory_space<hbm>> -> memref<10000x64xf32, #tpu.memory_space<hbm>>
    tpu.enqueue_indirect_dma source(%dma_start3A_36 : memref<10000x64xf32, #tpu.memory_space<hbm>>) target(%dma_start3A_26 : memref<100x64xf32, #tpu.memory_space<vmem>>) offsets(%dma_start3A_29 : memref<100xi32, #tpu.memory_space<vmem>>) semaphore(%arg12 : memref<!tpu.dma_semaphore, #tpu.memory_space<semaphore_mem>>)
    %dma_start3A_37 = arith.constant 2 : i32
    %dma_start3A_38 = arith.constant 2 : i32
    %dma_start3A_39 = arith.constant 0 : i32
    %dma_start3A_40 = arith.constant 0 : i32
    %dma_start3A_41 = tpu.memref_slice %arg9[%dma_start3A_38, %dma_start3A_39, %dma_start3A_40] : memref<5x100x64xf32, #tpu.memory_space<vmem>> -> memref<1x100x64xf32, #tpu.memory_space<vmem>>
    %dma_start3A_42 = tpu.memref_squeeze %dma_start3A_41 : memref<1x100x64xf32, #tpu.memory_space<vmem>> -> memref<100x64xf32, #tpu.memory_space<vmem>>
    %dma_start3A_43 = arith.constant 0 : i32
    %dma_start3A_44 = tpu.memref_slice %arg7[%dma_start3A_37, %dma_start3A_43] : memref<200x100xi32, #tpu.memory_space<vmem>> -> memref<1x100xi32, #tpu.memory_space<vmem>>
    %dma_start3A_45 = tpu.memref_squeeze %dma_start3A_44 : memref<1x100xi32, #tpu.memory_space<vmem>> -> memref<100xi32, #tpu.memory_space<vmem>>
    %dma_start3A_46 = arith.constant 0 : i32
    %dma_start3A_47 = arith.constant 0 : i32
    %dma_start3A_48 = tpu.memref_slice %arg2[%arg0, %dma_start3A_46, %dma_start3A_47] : memref<2x10000x64xf32, #tpu.memory_space<hbm>> -> memref<1x10000x64xf32, #tpu.memory_space<hbm>>
    %dma_start3A_49 = tpu.memref_squeeze %dma_start3A_48 : memref<1x10000x64xf32, #tpu.memory_space<hbm>> -> memref<10000x64xf32, #tpu.memory_space<hbm>>
    %dma_start3A_50 = arith.constant 0 : i32
    %dma_start3A_51 = arith.constant 0 : i32
    %dma_start3A_52 = tpu.memref_slice %dma_start3A_49[%dma_start3A_50, %dma_start3A_51] : memref<10000x64xf32, #tpu.memory_space<hbm>> -> memref<10000x64xf32, #tpu.memory_space<hbm>>
    tpu.enqueue_indirect_dma source(%dma_start3A_52 : memref<10000x64xf32, #tpu.memory_space<hbm>>) target(%dma_start3A_42 : memref<100x64xf32, #tpu.memory_space<vmem>>) offsets(%dma_start3A_45 : memref<100xi32, #tpu.memory_space<vmem>>) semaphore(%arg13 : memref<!tpu.dma_semaphore, #tpu.memory_space<semaphore_mem>>)
    %dma_start3A_53 = arith.constant 3 : i32
    %dma_start3A_54 = arith.constant 3 : i32
    %dma_start3A_55 = arith.constant 0 : i32
    %dma_start3A_56 = arith.constant 0 : i32
    %dma_start3A_57 = tpu.memref_slice %arg9[%dma_start3A_54, %dma_start3A_55, %dma_start3A_56] : memref<5x100x64xf32, #tpu.memory_space<vmem>> -> memref<1x100x64xf32, #tpu.memory_space<vmem>>
    %dma_start3A_58 = tpu.memref_squeeze %dma_start3A_57 : memref<1x100x64xf32, #tpu.memory_space<vmem>> -> memref<100x64xf32, #tpu.memory_space<vmem>>
    %dma_start3A_59 = arith.constant 0 : i32
    %dma_start3A_60 = tpu.memref_slice %arg7[%dma_start3A_53, %dma_start3A_59] : memref<200x100xi32, #tpu.memory_space<vmem>> -> memref<1x100xi32, #tpu.memory_space<vmem>>
    %dma_start3A_61 = tpu.memref_squeeze %dma_start3A_60 : memref<1x100xi32, #tpu.memory_space<vmem>> -> memref<100xi32, #tpu.memory_space<vmem>>
    %dma_start3A_62 = arith.constant 0 : i32
    %dma_start3A_63 = arith.constant 0 : i32
    %dma_start3A_64 = tpu.memref_slice %arg2[%arg0, %dma_start3A_62, %dma_start3A_63] : memref<2x10000x64xf32, #tpu.memory_space<hbm>> -> memref<1x10000x64xf32, #tpu.memory_space<hbm>>
    %dma_start3A_65 = tpu.memref_squeeze %dma_start3A_64 : memref<1x10000x64xf32, #tpu.memory_space<hbm>> -> memref<10000x64xf32, #tpu.memory_space<hbm>>
    %dma_start3A_66 = arith.constant 0 : i32
    %dma_start3A_67 = arith.constant 0 : i32
    %dma_start3A_68 = tpu.memref_slice %dma_start3A_65[%dma_start3A_66, %dma_start3A_67] : memref<10000x64xf32, #tpu.memory_space<hbm>> -> memref<10000x64xf32, #tpu.memory_space<hbm>>
    tpu.enqueue_indirect_dma source(%dma_start3A_68 : memref<10000x64xf32, #tpu.memory_space<hbm>>) target(%dma_start3A_58 : memref<100x64xf32, #tpu.memory_space<vmem>>) offsets(%dma_start3A_61 : memref<100xi32, #tpu.memory_space<vmem>>) semaphore(%arg14 : memref<!tpu.dma_semaphore, #tpu.memory_space<semaphore_mem>>)
    %dma_start3A_69 = arith.constant 4 : i32
    %dma_start3A_70 = arith.constant 4 : i32
    %dma_start3A_71 = arith.constant 0 : i32
    %dma_start3A_72 = arith.constant 0 : i32
    %dma_start3A_73 = tpu.memref_slice %arg9[%dma_start3A_70, %dma_start3A_71, %dma_start3A_72] : memref<5x100x64xf32, #tpu.memory_space<vmem>> -> memref<1x100x64xf32, #tpu.memory_space<vmem>>
    %dma_start3A_74 = tpu.memref_squeeze %dma_start3A_73 : memref<1x100x64xf32, #tpu.memory_space<vmem>> -> memref<100x64xf32, #tpu.memory_space<vmem>>
    %dma_start3A_75 = arith.constant 0 : i32
    %dma_start3A_76 = tpu.memref_slice %arg7[%dma_start3A_69, %dma_start3A_75] : memref<200x100xi32, #tpu.memory_space<vmem>> -> memref<1x100xi32, #tpu.memory_space<vmem>>
    %dma_start3A_77 = tpu.memref_squeeze %dma_start3A_76 : memref<1x100xi32, #tpu.memory_space<vmem>> -> memref<100xi32, #tpu.memory_space<vmem>>
    %dma_start3A_78 = arith.constant 0 : i32
    %dma_start3A_79 = arith.constant 0 : i32
    %dma_start3A_80 = tpu.memref_slice %arg2[%arg0, %dma_start3A_78, %dma_start3A_79] : memref<2x10000x64xf32, #tpu.memory_space<hbm>> -> memref<1x10000x64xf32, #tpu.memory_space<hbm>>
    %dma_start3A_81 = tpu.memref_squeeze %dma_start3A_80 : memref<1x10000x64xf32, #tpu.memory_space<hbm>> -> memref<10000x64xf32, #tpu.memory_space<hbm>>
    %dma_start3A_82 = arith.constant 0 : i32
    %dma_start3A_83 = arith.constant 0 : i32
    %dma_start3A_84 = tpu.memref_slice %dma_start3A_81[%dma_start3A_82, %dma_start3A_83] : memref<10000x64xf32, #tpu.memory_space<hbm>> -> memref<10000x64xf32, #tpu.memory_space<hbm>>
    tpu.enqueue_indirect_dma source(%dma_start3A_84 : memref<10000x64xf32, #tpu.memory_space<hbm>>) target(%dma_start3A_74 : memref<100x64xf32, #tpu.memory_space<vmem>>) offsets(%dma_start3A_77 : memref<100xi32, #tpu.memory_space<vmem>>) semaphore(%arg15 : memref<!tpu.dma_semaphore, #tpu.memory_space<semaphore_mem>>)
    %scan3A = arith.constant 0 : i32
    %scan3A_85 = arith.constant 0 : i32
    %scan3A_86 = arith.constant 39 : i32
    %scan3A_87 = arith.addi %scan3A_85, %scan3A_86 : i32
    %scan3A_88 = arith.constant 1 : i32
    scf.for %scan3A_224 = %scan3A_85 to %scan3A_87 step %scan3A_88  : i32 {
      %mul3A = arith.constant 5 : i32
      %mul3A_225 = arith.muli %scan3A_224, %mul3A : i32
      %add3A = arith.constant 0 : i32
      %add3A_226 = arith.addi %mul3A_225, %add3A : i32
      %dma_wait3A_227 = arith.constant 0 : i32
      %dma_wait3A_228 = arith.constant 0 : i32
      %dma_wait3A_229 = arith.constant 0 : i32
      %dma_wait3A_230 = tpu.memref_slice %arg9[%dma_wait3A_227, %dma_wait3A_228, %dma_wait3A_229] : memref<5x100x64xf32, #tpu.memory_space<vmem>> -> memref<1x100x64xf32, #tpu.memory_space<vmem>>
      %dma_wait3A_231 = tpu.memref_squeeze %dma_wait3A_230 : memref<1x100x64xf32, #tpu.memory_space<vmem>> -> memref<100x64xf32, #tpu.memory_space<vmem>>
      %dma_wait3A_232 = arith.constant 0 : i32
      %dma_wait3A_233 = arith.constant 0 : i32
      %dma_wait3A_234 = tpu.memref_slice %arg2[%arg0, %dma_wait3A_232, %dma_wait3A_233] : memref<2x10000x64xf32, #tpu.memory_space<hbm>> -> memref<1x10000x64xf32, #tpu.memory_space<hbm>>
      %dma_wait3A_235 = tpu.memref_squeeze %dma_wait3A_234 : memref<1x10000x64xf32, #tpu.memory_space<hbm>> -> memref<10000x64xf32, #tpu.memory_space<hbm>>
      %dma_wait3A_236 = arith.constant 0 : i32
      %dma_wait3A_237 = arith.constant 0 : i32
      %dma_wait3A_238 = tpu.memref_slice %dma_wait3A_235[%dma_wait3A_236, %dma_wait3A_237] : memref<10000x64xf32, #tpu.memory_space<hbm>> -> memref<100x64xf32, #tpu.memory_space<hbm>>
      %dma_wait3A_239 = arith.constant 0 : i32
      %dma_wait3A_240 = arith.constant 0 : i32
      %dma_wait3A_241 = tpu.memref_slice %arg9[%dma_wait3A_227, %dma_wait3A_239, %dma_wait3A_240] : memref<5x100x64xf32, #tpu.memory_space<vmem>> -> memref<1x100x64xf32, #tpu.memory_space<vmem>>
      %dma_wait3A_242 = tpu.memref_squeeze %dma_wait3A_241 : memref<1x100x64xf32, #tpu.memory_space<vmem>> -> memref<100x64xf32, #tpu.memory_space<vmem>>
      %dma_wait3A_243 = arith.constant 0 : i32
      %dma_wait3A_244 = arith.constant 0 : i32
      %dma_wait3A_245 = tpu.memref_slice %arg2[%arg0, %dma_wait3A_243, %dma_wait3A_244] : memref<2x10000x64xf32, #tpu.memory_space<hbm>> -> memref<1x10000x64xf32, #tpu.memory_space<hbm>>
      %dma_wait3A_246 = tpu.memref_squeeze %dma_wait3A_245 : memref<1x10000x64xf32, #tpu.memory_space<hbm>> -> memref<10000x64xf32, #tpu.memory_space<hbm>>
      %dma_wait3A_247 = arith.constant 0 : i32
      %dma_wait3A_248 = arith.constant 0 : i32
      %dma_wait3A_249 = tpu.memref_slice %dma_wait3A_246[%dma_wait3A_247, %dma_wait3A_248] : memref<10000x64xf32, #tpu.memory_space<hbm>> -> memref<100x64xf32, #tpu.memory_space<hbm>>
      tpu.wait_dma2 semaphore(%arg11 : memref<!tpu.dma_semaphore, #tpu.memory_space<semaphore_mem>>) src(%dma_wait3A_249 : memref<100x64xf32, #tpu.memory_space<hbm>>) dst(%dma_wait3A_242 : memref<100x64xf32, #tpu.memory_space<vmem>>)
      %run_scoped3A_250 = arith.constant 0 : i32
      "tpu.region"() ({
        %run_scoped3A_448 = tpu.sem_alloc : memref<!tpu.dma_semaphore, #tpu.memory_space<semaphore_mem>>
        %dma_start3A_449 = arith.constant 0 : i32
        %dma_start3A_450 = arith.constant 0 : i32
        %dma_start3A_451 = tpu.memref_slice %arg9[%run_scoped3A_250, %dma_start3A_449, %dma_start3A_450] : memref<5x100x64xf32, #tpu.memory_space<vmem>> -> memref<1x100x64xf32, #tpu.memory_space<vmem>>
        %dma_start3A_452 = tpu.memref_squeeze %dma_start3A_451 : memref<1x100x64xf32, #tpu.memory_space<vmem>> -> memref<100x64xf32, #tpu.memory_space<vmem>>
        %dma_start3A_453 = arith.constant 0 : i32
        %dma_start3A_454 = tpu.memref_slice %arg8[%add3A_226, %dma_start3A_453] : memref<200x100xi32, #tpu.memory_space<vmem>> -> memref<1x100xi32, #tpu.memory_space<vmem>>
        %dma_start3A_455 = tpu.memref_squeeze %dma_start3A_454 : memref<1x100xi32, #tpu.memory_space<vmem>> -> memref<100xi32, #tpu.memory_space<vmem>>
        %dma_start3A_456 = arith.constant 0 : i32
        %dma_start3A_457 = arith.constant 0 : i32
        %dma_start3A_458 = tpu.memref_slice %arg10[%dma_start3A_456, %dma_start3A_457] : memref<10008x64xf32, #tpu.memory_space<vmem_shared>> -> memref<10008x64xf32, #tpu.memory_space<vmem_shared>>
        tpu.enqueue_indirect_dma source(%dma_start3A_452 : memref<100x64xf32, #tpu.memory_space<vmem>>) target(%dma_start3A_458 : memref<10008x64xf32, #tpu.memory_space<vmem_shared>>) offsets(%dma_start3A_455 : memref<100xi32, #tpu.memory_space<vmem>>) semaphore(%run_scoped3A_448 : memref<!tpu.dma_semaphore, #tpu.memory_space<semaphore_mem>>) {add = true}
        %dma_wait3A_459 = arith.constant 0 : i32
        %dma_wait3A_460 = arith.constant 0 : i32
        %dma_wait3A_461 = tpu.memref_slice %arg9[%run_scoped3A_250, %dma_wait3A_459, %dma_wait3A_460] : memref<5x100x64xf32, #tpu.memory_space<vmem>> -> memref<1x100x64xf32, #tpu.memory_space<vmem>>
        %dma_wait3A_462 = tpu.memref_squeeze %dma_wait3A_461 : memref<1x100x64xf32, #tpu.memory_space<vmem>> -> memref<100x64xf32, #tpu.memory_space<vmem>>
        %dma_wait3A_463 = arith.constant 0 : i32
        %dma_wait3A_464 = tpu.memref_slice %arg8[%add3A_226, %dma_wait3A_463] : memref<200x100xi32, #tpu.memory_space<vmem>> -> memref<1x100xi32, #tpu.memory_space<vmem>>
        %dma_wait3A_465 = tpu.memref_squeeze %dma_wait3A_464 : memref<1x100xi32, #tpu.memory_space<vmem>> -> memref<100xi32, #tpu.memory_space<vmem>>
        %dma_wait3A_466 = arith.constant 0 : i32
        %dma_wait3A_467 = arith.constant 0 : i32
        %dma_wait3A_468 = tpu.memref_slice %arg10[%dma_wait3A_466, %dma_wait3A_467] : memref<10008x64xf32, #tpu.memory_space<vmem_shared>> -> memref<10008x64xf32, #tpu.memory_space<vmem_shared>>
        tpu.wait_indirect_dma semaphore(%run_scoped3A_448 : memref<!tpu.dma_semaphore, #tpu.memory_space<semaphore_mem>>) src(%dma_wait3A_462 : memref<100x64xf32, #tpu.memory_space<vmem>>) dst(%dma_wait3A_468 : memref<10008x64xf32, #tpu.memory_space<vmem_shared>>)
        tpu.yield
      }) : () -> ()
      %add3A_251 = arith.constant 5 : i32
      %add3A_252 = arith.addi %add3A_226, %add3A_251 : i32
      %dma_start3A_253 = arith.constant 0 : i32
      %dma_start3A_254 = arith.constant 0 : i32
      %dma_start3A_255 = arith.constant 0 : i32
      %dma_start3A_256 = tpu.memref_slice %arg9[%dma_start3A_253, %dma_start3A_254, %dma_start3A_255] : memref<5x100x64xf32, #tpu.memory_space<vmem>> -> memref<1x100x64xf32, #tpu.memory_space<vmem>>
      %dma_start3A_257 = tpu.memref_squeeze %dma_start3A_256 : memref<1x100x64xf32, #tpu.memory_space<vmem>> -> memref<100x64xf32, #tpu.memory_space<vmem>>
      %dma_start3A_258 = arith.constant 0 : i32
      %dma_start3A_259 = tpu.memref_slice %arg7[%add3A_252, %dma_start3A_258] : memref<200x100xi32, #tpu.memory_space<vmem>> -> memref<1x100xi32, #tpu.memory_space<vmem>>
      %dma_start3A_260 = tpu.memref_squeeze %dma_start3A_259 : memref<1x100xi32, #tpu.memory_space<vmem>> -> memref<100xi32, #tpu.memory_space<vmem>>
      %dma_start3A_261 = arith.constant 0 : i32
      %dma_start3A_262 = arith.constant 0 : i32
      %dma_start3A_263 = tpu.memref_slice %arg2[%arg0, %dma_start3A_261, %dma_start3A_262] : memref<2x10000x64xf32, #tpu.memory_space<hbm>> -> memref<1x10000x64xf32, #tpu.memory_space<hbm>>
      %dma_start3A_264 = tpu.memref_squeeze %dma_start3A_263 : memref<1x10000x64xf32, #tpu.memory_space<hbm>> -> memref<10000x64xf32, #tpu.memory_space<hbm>>
      %dma_start3A_265 = arith.constant 0 : i32
      %dma_start3A_266 = arith.constant 0 : i32
      %dma_start3A_267 = tpu.memref_slice %dma_start3A_264[%dma_start3A_265, %dma_start3A_266] : memref<10000x64xf32, #tpu.memory_space<hbm>> -> memref<10000x64xf32, #tpu.memory_space<hbm>>
      tpu.enqueue_indirect_dma source(%dma_start3A_267 : memref<10000x64xf32, #tpu.memory_space<hbm>>) target(%dma_start3A_257 : memref<100x64xf32, #tpu.memory_space<vmem>>) offsets(%dma_start3A_260 : memref<100xi32, #tpu.memory_space<vmem>>) semaphore(%arg11 : memref<!tpu.dma_semaphore, #tpu.memory_space<semaphore_mem>>)
      %mul3A_268 = arith.constant 5 : i32
      %mul3A_269 = arith.muli %scan3A_224, %mul3A_268 : i32
      %add3A_270 = arith.constant 1 : i32
      %add3A_271 = arith.addi %mul3A_269, %add3A_270 : i32
      %dma_wait3A_272 = arith.constant 1 : i32
      %dma_wait3A_273 = arith.constant 0 : i32
      %dma_wait3A_274 = arith.constant 0 : i32
      %dma_wait3A_275 = tpu.memref_slice %arg9[%dma_wait3A_272, %dma_wait3A_273, %dma_wait3A_274] : memref<5x100x64xf32, #tpu.memory_space<vmem>> -> memref<1x100x64xf32, #tpu.memory_space<vmem>>
      %dma_wait3A_276 = tpu.memref_squeeze %dma_wait3A_275 : memref<1x100x64xf32, #tpu.memory_space<vmem>> -> memref<100x64xf32, #tpu.memory_space<vmem>>
      %dma_wait3A_277 = arith.constant 0 : i32
      %dma_wait3A_278 = arith.constant 0 : i32
      %dma_wait3A_279 = tpu.memref_slice %arg2[%arg0, %dma_wait3A_277, %dma_wait3A_278] : memref<2x10000x64xf32, #tpu.memory_space<hbm>> -> memref<1x10000x64xf32, #tpu.memory_space<hbm>>
      %dma_wait3A_280 = tpu.memref_squeeze %dma_wait3A_279 : memref<1x10000x64xf32, #tpu.memory_space<hbm>> -> memref<10000x64xf32, #tpu.memory_space<hbm>>
      %dma_wait3A_281 = arith.constant 0 : i32
      %dma_wait3A_282 = arith.constant 0 : i32
      %dma_wait3A_283 = tpu.memref_slice %dma_wait3A_280[%dma_wait3A_281, %dma_wait3A_282] : memref<10000x64xf32, #tpu.memory_space<hbm>> -> memref<100x64xf32, #tpu.memory_space<hbm>>
      %dma_wait3A_284 = arith.constant 0 : i32
      %dma_wait3A_285 = arith.constant 0 : i32
      %dma_wait3A_286 = tpu.memref_slice %arg9[%dma_wait3A_272, %dma_wait3A_284, %dma_wait3A_285] : memref<5x100x64xf32, #tpu.memory_space<vmem>> -> memref<1x100x64xf32, #tpu.memory_space<vmem>>
      %dma_wait3A_287 = tpu.memref_squeeze %dma_wait3A_286 : memref<1x100x64xf32, #tpu.memory_space<vmem>> -> memref<100x64xf32, #tpu.memory_space<vmem>>
      %dma_wait3A_288 = arith.constant 0 : i32
      %dma_wait3A_289 = arith.constant 0 : i32
      %dma_wait3A_290 = tpu.memref_slice %arg2[%arg0, %dma_wait3A_288, %dma_wait3A_289] : memref<2x10000x64xf32, #tpu.memory_space<hbm>> -> memref<1x10000x64xf32, #tpu.memory_space<hbm>>
      %dma_wait3A_291 = tpu.memref_squeeze %dma_wait3A_290 : memref<1x10000x64xf32, #tpu.memory_space<hbm>> -> memref<10000x64xf32, #tpu.memory_space<hbm>>
      %dma_wait3A_292 = arith.constant 0 : i32
      %dma_wait3A_293 = arith.constant 0 : i32
      %dma_wait3A_294 = tpu.memref_slice %dma_wait3A_291[%dma_wait3A_292, %dma_wait3A_293] : memref<10000x64xf32, #tpu.memory_space<hbm>> -> memref<100x64xf32, #tpu.memory_space<hbm>>
      tpu.wait_dma2 semaphore(%arg12 : memref<!tpu.dma_semaphore, #tpu.memory_space<semaphore_mem>>) src(%dma_wait3A_294 : memref<100x64xf32, #tpu.memory_space<hbm>>) dst(%dma_wait3A_287 : memref<100x64xf32, #tpu.memory_space<vmem>>)
      %run_scoped3A_295 = arith.constant 1 : i32
      "tpu.region"() ({
        %run_scoped3A_448 = tpu.sem_alloc : memref<!tpu.dma_semaphore, #tpu.memory_space<semaphore_mem>>
        %dma_start3A_449 = arith.constant 0 : i32
        %dma_start3A_450 = arith.constant 0 : i32
        %dma_start3A_451 = tpu.memref_slice %arg9[%run_scoped3A_295, %dma_start3A_449, %dma_start3A_450] : memref<5x100x64xf32, #tpu.memory_space<vmem>> -> memref<1x100x64xf32, #tpu.memory_space<vmem>>
        %dma_start3A_452 = tpu.memref_squeeze %dma_start3A_451 : memref<1x100x64xf32, #tpu.memory_space<vmem>> -> memref<100x64xf32, #tpu.memory_space<vmem>>
        %dma_start3A_453 = arith.constant 0 : i32
        %dma_start3A_454 = tpu.memref_slice %arg8[%add3A_271, %dma_start3A_453] : memref<200x100xi32, #tpu.memory_space<vmem>> -> memref<1x100xi32, #tpu.memory_space<vmem>>
        %dma_start3A_455 = tpu.memref_squeeze %dma_start3A_454 : memref<1x100xi32, #tpu.memory_space<vmem>> -> memref<100xi32, #tpu.memory_space<vmem>>
        %dma_start3A_456 = arith.constant 0 : i32
        %dma_start3A_457 = arith.constant 0 : i32
        %dma_start3A_458 = tpu.memref_slice %arg10[%dma_start3A_456, %dma_start3A_457] : memref<10008x64xf32, #tpu.memory_space<vmem_shared>> -> memref<10008x64xf32, #tpu.memory_space<vmem_shared>>
        tpu.enqueue_indirect_dma source(%dma_start3A_452 : memref<100x64xf32, #tpu.memory_space<vmem>>) target(%dma_start3A_458 : memref<10008x64xf32, #tpu.memory_space<vmem_shared>>) offsets(%dma_start3A_455 : memref<100xi32, #tpu.memory_space<vmem>>) semaphore(%run_scoped3A_448 : memref<!tpu.dma_semaphore, #tpu.memory_space<semaphore_mem>>) {add = true}
        %dma_wait3A_459 = arith.constant 0 : i32
        %dma_wait3A_460 = arith.constant 0 : i32
        %dma_wait3A_461 = tpu.memref_slice %arg9[%run_scoped3A_295, %dma_wait3A_459, %dma_wait3A_460] : memref<5x100x64xf32, #tpu.memory_space<vmem>> -> memref<1x100x64xf32, #tpu.memory_space<vmem>>
        %dma_wait3A_462 = tpu.memref_squeeze %dma_wait3A_461 : memref<1x100x64xf32, #tpu.memory_space<vmem>> -> memref<100x64xf32, #tpu.memory_space<vmem>>
        %dma_wait3A_463 = arith.constant 0 : i32
        %dma_wait3A_464 = tpu.memref_slice %arg8[%add3A_271, %dma_wait3A_463] : memref<200x100xi32, #tpu.memory_space<vmem>> -> memref<1x100xi32, #tpu.memory_space<vmem>>
        %dma_wait3A_465 = tpu.memref_squeeze %dma_wait3A_464 : memref<1x100xi32, #tpu.memory_space<vmem>> -> memref<100xi32, #tpu.memory_space<vmem>>
        %dma_wait3A_466 = arith.constant 0 : i32
        %dma_wait3A_467 = arith.constant 0 : i32
        %dma_wait3A_468 = tpu.memref_slice %arg10[%dma_wait3A_466, %dma_wait3A_467] : memref<10008x64xf32, #tpu.memory_space<vmem_shared>> -> memref<10008x64xf32, #tpu.memory_space<vmem_shared>>
        tpu.wait_indirect_dma semaphore(%run_scoped3A_448 : memref<!tpu.dma_semaphore, #tpu.memory_space<semaphore_mem>>) src(%dma_wait3A_462 : memref<100x64xf32, #tpu.memory_space<vmem>>) dst(%dma_wait3A_468 : memref<10008x64xf32, #tpu.memory_space<vmem_shared>>)
        tpu.yield
      }) : () -> ()
      %add3A_296 = arith.constant 5 : i32
      %add3A_297 = arith.addi %add3A_271, %add3A_296 : i32
      %dma_start3A_298 = arith.constant 1 : i32
      %dma_start3A_299 = arith.constant 0 : i32
      %dma_start3A_300 = arith.constant 0 : i32
      %dma_start3A_301 = tpu.memref_slice %arg9[%dma_start3A_298, %dma_start3A_299, %dma_start3A_300] : memref<5x100x64xf32, #tpu.memory_space<vmem>> -> memref<1x100x64xf32, #tpu.memory_space<vmem>>
      %dma_start3A_302 = tpu.memref_squeeze %dma_start3A_301 : memref<1x100x64xf32, #tpu.memory_space<vmem>> -> memref<100x64xf32, #tpu.memory_space<vmem>>
      %dma_start3A_303 = arith.constant 0 : i32
      %dma_start3A_304 = tpu.memref_slice %arg7[%add3A_297, %dma_start3A_303] : memref<200x100xi32, #tpu.memory_space<vmem>> -> memref<1x100xi32, #tpu.memory_space<vmem>>
      %dma_start3A_305 = tpu.memref_squeeze %dma_start3A_304 : memref<1x100xi32, #tpu.memory_space<vmem>> -> memref<100xi32, #tpu.memory_space<vmem>>
      %dma_start3A_306 = arith.constant 0 : i32
      %dma_start3A_307 = arith.constant 0 : i32
      %dma_start3A_308 = tpu.memref_slice %arg2[%arg0, %dma_start3A_306, %dma_start3A_307] : memref<2x10000x64xf32, #tpu.memory_space<hbm>> -> memref<1x10000x64xf32, #tpu.memory_space<hbm>>
      %dma_start3A_309 = tpu.memref_squeeze %dma_start3A_308 : memref<1x10000x64xf32, #tpu.memory_space<hbm>> -> memref<10000x64xf32, #tpu.memory_space<hbm>>
      %dma_start3A_310 = arith.constant 0 : i32
      %dma_start3A_311 = arith.constant 0 : i32
      %dma_start3A_312 = tpu.memref_slice %dma_start3A_309[%dma_start3A_310, %dma_start3A_311] : memref<10000x64xf32, #tpu.memory_space<hbm>> -> memref<10000x64xf32, #tpu.memory_space<hbm>>
      tpu.enqueue_indirect_dma source(%dma_start3A_312 : memref<10000x64xf32, #tpu.memory_space<hbm>>) target(%dma_start3A_302 : memref<100x64xf32, #tpu.memory_space<vmem>>) offsets(%dma_start3A_305 : memref<100xi32, #tpu.memory_space<vmem>>) semaphore(%arg12 : memref<!tpu.dma_semaphore, #tpu.memory_space<semaphore_mem>>)
      %mul3A_313 = arith.constant 5 : i32
      %mul3A_314 = arith.muli %scan3A_224, %mul3A_313 : i32
      %add3A_315 = arith.constant 2 : i32
      %add3A_316 = arith.addi %mul3A_314, %add3A_315 : i32
      %dma_wait3A_317 = arith.constant 2 : i32
      %dma_wait3A_318 = arith.constant 0 : i32
      %dma_wait3A_319 = arith.constant 0 : i32
      %dma_wait3A_320 = tpu.memref_slice %arg9[%dma_wait3A_317, %dma_wait3A_318, %dma_wait3A_319] : memref<5x100x64xf32, #tpu.memory_space<vmem>> -> memref<1x100x64xf32, #tpu.memory_space<vmem>>
      %dma_wait3A_321 = tpu.memref_squeeze %dma_wait3A_320 : memref<1x100x64xf32, #tpu.memory_space<vmem>> -> memref<100x64xf32, #tpu.memory_space<vmem>>
      %dma_wait3A_322 = arith.constant 0 : i32
      %dma_wait3A_323 = arith.constant 0 : i32
      %dma_wait3A_324 = tpu.memref_slice %arg2[%arg0, %dma_wait3A_322, %dma_wait3A_323] : memref<2x10000x64xf32, #tpu.memory_space<hbm>> -> memref<1x10000x64xf32, #tpu.memory_space<hbm>>
      %dma_wait3A_325 = tpu.memref_squeeze %dma_wait3A_324 : memref<1x10000x64xf32, #tpu.memory_space<hbm>> -> memref<10000x64xf32, #tpu.memory_space<hbm>>
      %dma_wait3A_326 = arith.constant 0 : i32
      %dma_wait3A_327 = arith.constant 0 : i32
      %dma_wait3A_328 = tpu.memref_slice %dma_wait3A_325[%dma_wait3A_326, %dma_wait3A_327] : memref<10000x64xf32, #tpu.memory_space<hbm>> -> memref<100x64xf32, #tpu.memory_space<hbm>>
      %dma_wait3A_329 = arith.constant 0 : i32
      %dma_wait3A_330 = arith.constant 0 : i32
      %dma_wait3A_331 = tpu.memref_slice %arg9[%dma_wait3A_317, %dma_wait3A_329, %dma_wait3A_330] : memref<5x100x64xf32, #tpu.memory_space<vmem>> -> memref<1x100x64xf32, #tpu.memory_space<vmem>>
      %dma_wait3A_332 = tpu.memref_squeeze %dma_wait3A_331 : memref<1x100x64xf32, #tpu.memory_space<vmem>> -> memref<100x64xf32, #tpu.memory_space<vmem>>
      %dma_wait3A_333 = arith.constant 0 : i32
      %dma_wait3A_334 = arith.constant 0 : i32
      %dma_wait3A_335 = tpu.memref_slice %arg2[%arg0, %dma_wait3A_333, %dma_wait3A_334] : memref<2x10000x64xf32, #tpu.memory_space<hbm>> -> memref<1x10000x64xf32, #tpu.memory_space<hbm>>
      %dma_wait3A_336 = tpu.memref_squeeze %dma_wait3A_335 : memref<1x10000x64xf32, #tpu.memory_space<hbm>> -> memref<10000x64xf32, #tpu.memory_space<hbm>>
      %dma_wait3A_337 = arith.constant 0 : i32
      %dma_wait3A_338 = arith.constant 0 : i32
      %dma_wait3A_339 = tpu.memref_slice %dma_wait3A_336[%dma_wait3A_337, %dma_wait3A_338] : memref<10000x64xf32, #tpu.memory_space<hbm>> -> memref<100x64xf32, #tpu.memory_space<hbm>>
      tpu.wait_dma2 semaphore(%arg13 : memref<!tpu.dma_semaphore, #tpu.memory_space<semaphore_mem>>) src(%dma_wait3A_339 : memref<100x64xf32, #tpu.memory_space<hbm>>) dst(%dma_wait3A_332 : memref<100x64xf32, #tpu.memory_space<vmem>>)
      %run_scoped3A_340 = arith.constant 2 : i32
      "tpu.region"() ({
        %run_scoped3A_448 = tpu.sem_alloc : memref<!tpu.dma_semaphore, #tpu.memory_space<semaphore_mem>>
        %dma_start3A_449 = arith.constant 0 : i32
        %dma_start3A_450 = arith.constant 0 : i32
        %dma_start3A_451 = tpu.memref_slice %arg9[%run_scoped3A_340, %dma_start3A_449, %dma_start3A_450] : memref<5x100x64xf32, #tpu.memory_space<vmem>> -> memref<1x100x64xf32, #tpu.memory_space<vmem>>
        %dma_start3A_452 = tpu.memref_squeeze %dma_start3A_451 : memref<1x100x64xf32, #tpu.memory_space<vmem>> -> memref<100x64xf32, #tpu.memory_space<vmem>>
        %dma_start3A_453 = arith.constant 0 : i32
        %dma_start3A_454 = tpu.memref_slice %arg8[%add3A_316, %dma_start3A_453] : memref<200x100xi32, #tpu.memory_space<vmem>> -> memref<1x100xi32, #tpu.memory_space<vmem>>
        %dma_start3A_455 = tpu.memref_squeeze %dma_start3A_454 : memref<1x100xi32, #tpu.memory_space<vmem>> -> memref<100xi32, #tpu.memory_space<vmem>>
        %dma_start3A_456 = arith.constant 0 : i32
        %dma_start3A_457 = arith.constant 0 : i32
        %dma_start3A_458 = tpu.memref_slice %arg10[%dma_start3A_456, %dma_start3A_457] : memref<10008x64xf32, #tpu.memory_space<vmem_shared>> -> memref<10008x64xf32, #tpu.memory_space<vmem_shared>>
        tpu.enqueue_indirect_dma source(%dma_start3A_452 : memref<100x64xf32, #tpu.memory_space<vmem>>) target(%dma_start3A_458 : memref<10008x64xf32, #tpu.memory_space<vmem_shared>>) offsets(%dma_start3A_455 : memref<100xi32, #tpu.memory_space<vmem>>) semaphore(%run_scoped3A_448 : memref<!tpu.dma_semaphore, #tpu.memory_space<semaphore_mem>>) {add = true}
        %dma_wait3A_459 = arith.constant 0 : i32
        %dma_wait3A_460 = arith.constant 0 : i32
        %dma_wait3A_461 = tpu.memref_slice %arg9[%run_scoped3A_340, %dma_wait3A_459, %dma_wait3A_460] : memref<5x100x64xf32, #tpu.memory_space<vmem>> -> memref<1x100x64xf32, #tpu.memory_space<vmem>>
        %dma_wait3A_462 = tpu.memref_squeeze %dma_wait3A_461 : memref<1x100x64xf32, #tpu.memory_space<vmem>> -> memref<100x64xf32, #tpu.memory_space<vmem>>
        %dma_wait3A_463 = arith.constant 0 : i32
        %dma_wait3A_464 = tpu.memref_slice %arg8[%add3A_316, %dma_wait3A_463] : memref<200x100xi32, #tpu.memory_space<vmem>> -> memref<1x100xi32, #tpu.memory_space<vmem>>
        %dma_wait3A_465 = tpu.memref_squeeze %dma_wait3A_464 : memref<1x100xi32, #tpu.memory_space<vmem>> -> memref<100xi32, #tpu.memory_space<vmem>>
        %dma_wait3A_466 = arith.constant 0 : i32
        %dma_wait3A_467 = arith.constant 0 : i32
        %dma_wait3A_468 = tpu.memref_slice %arg10[%dma_wait3A_466, %dma_wait3A_467] : memref<10008x64xf32, #tpu.memory_space<vmem_shared>> -> memref<10008x64xf32, #tpu.memory_space<vmem_shared>>
        tpu.wait_indirect_dma semaphore(%run_scoped3A_448 : memref<!tpu.dma_semaphore, #tpu.memory_space<semaphore_mem>>) src(%dma_wait3A_462 : memref<100x64xf32, #tpu.memory_space<vmem>>) dst(%dma_wait3A_468 : memref<10008x64xf32, #tpu.memory_space<vmem_shared>>)
        tpu.yield
      }) : () -> ()
      %add3A_341 = arith.constant 5 : i32
      %add3A_342 = arith.addi %add3A_316, %add3A_341 : i32
      %dma_start3A_343 = arith.constant 2 : i32
      %dma_start3A_344 = arith.constant 0 : i32
      %dma_start3A_345 = arith.constant 0 : i32
      %dma_start3A_346 = tpu.memref_slice %arg9[%dma_start3A_343, %dma_start3A_344, %dma_start3A_345] : memref<5x100x64xf32, #tpu.memory_space<vmem>> -> memref<1x100x64xf32, #tpu.memory_space<vmem>>
      %dma_start3A_347 = tpu.memref_squeeze %dma_start3A_346 : memref<1x100x64xf32, #tpu.memory_space<vmem>> -> memref<100x64xf32, #tpu.memory_space<vmem>>
      %dma_start3A_348 = arith.constant 0 : i32
      %dma_start3A_349 = tpu.memref_slice %arg7[%add3A_342, %dma_start3A_348] : memref<200x100xi32, #tpu.memory_space<vmem>> -> memref<1x100xi32, #tpu.memory_space<vmem>>
      %dma_start3A_350 = tpu.memref_squeeze %dma_start3A_349 : memref<1x100xi32, #tpu.memory_space<vmem>> -> memref<100xi32, #tpu.memory_space<vmem>>
      %dma_start3A_351 = arith.constant 0 : i32
      %dma_start3A_352 = arith.constant 0 : i32
      %dma_start3A_353 = tpu.memref_slice %arg2[%arg0, %dma_start3A_351, %dma_start3A_352] : memref<2x10000x64xf32, #tpu.memory_space<hbm>> -> memref<1x10000x64xf32, #tpu.memory_space<hbm>>
      %dma_start3A_354 = tpu.memref_squeeze %dma_start3A_353 : memref<1x10000x64xf32, #tpu.memory_space<hbm>> -> memref<10000x64xf32, #tpu.memory_space<hbm>>
      %dma_start3A_355 = arith.constant 0 : i32
      %dma_start3A_356 = arith.constant 0 : i32
      %dma_start3A_357 = tpu.memref_slice %dma_start3A_354[%dma_start3A_355, %dma_start3A_356] : memref<10000x64xf32, #tpu.memory_space<hbm>> -> memref<10000x64xf32, #tpu.memory_space<hbm>>
      tpu.enqueue_indirect_dma source(%dma_start3A_357 : memref<10000x64xf32, #tpu.memory_space<hbm>>) target(%dma_start3A_347 : memref<100x64xf32, #tpu.memory_space<vmem>>) offsets(%dma_start3A_350 : memref<100xi32, #tpu.memory_space<vmem>>) semaphore(%arg13 : memref<!tpu.dma_semaphore, #tpu.memory_space<semaphore_mem>>)
      %mul3A_358 = arith.constant 5 : i32
      %mul3A_359 = arith.muli %scan3A_224, %mul3A_358 : i32
      %add3A_360 = arith.constant 3 : i32
      %add3A_361 = arith.addi %mul3A_359, %add3A_360 : i32
      %dma_wait3A_362 = arith.constant 3 : i32
      %dma_wait3A_363 = arith.constant 0 : i32
      %dma_wait3A_364 = arith.constant 0 : i32
      %dma_wait3A_365 = tpu.memref_slice %arg9[%dma_wait3A_362, %dma_wait3A_363, %dma_wait3A_364] : memref<5x100x64xf32, #tpu.memory_space<vmem>> -> memref<1x100x64xf32, #tpu.memory_space<vmem>>
      %dma_wait3A_366 = tpu.memref_squeeze %dma_wait3A_365 : memref<1x100x64xf32, #tpu.memory_space<vmem>> -> memref<100x64xf32, #tpu.memory_space<vmem>>
      %dma_wait3A_367 = arith.constant 0 : i32
      %dma_wait3A_368 = arith.constant 0 : i32
      %dma_wait3A_369 = tpu.memref_slice %arg2[%arg0, %dma_wait3A_367, %dma_wait3A_368] : memref<2x10000x64xf32, #tpu.memory_space<hbm>> -> memref<1x10000x64xf32, #tpu.memory_space<hbm>>
      %dma_wait3A_370 = tpu.memref_squeeze %dma_wait3A_369 : memref<1x10000x64xf32, #tpu.memory_space<hbm>> -> memref<10000x64xf32, #tpu.memory_space<hbm>>
      %dma_wait3A_371 = arith.constant 0 : i32
      %dma_wait3A_372 = arith.constant 0 : i32
      %dma_wait3A_373 = tpu.memref_slice %dma_wait3A_370[%dma_wait3A_371, %dma_wait3A_372] : memref<10000x64xf32, #tpu.memory_space<hbm>> -> memref<100x64xf32, #tpu.memory_space<hbm>>
      %dma_wait3A_374 = arith.constant 0 : i32
      %dma_wait3A_375 = arith.constant 0 : i32
      %dma_wait3A_376 = tpu.memref_slice %arg9[%dma_wait3A_362, %dma_wait3A_374, %dma_wait3A_375] : memref<5x100x64xf32, #tpu.memory_space<vmem>> -> memref<1x100x64xf32, #tpu.memory_space<vmem>>
      %dma_wait3A_377 = tpu.memref_squeeze %dma_wait3A_376 : memref<1x100x64xf32, #tpu.memory_space<vmem>> -> memref<100x64xf32, #tpu.memory_space<vmem>>
      %dma_wait3A_378 = arith.constant 0 : i32
      %dma_wait3A_379 = arith.constant 0 : i32
      %dma_wait3A_380 = tpu.memref_slice %arg2[%arg0, %dma_wait3A_378, %dma_wait3A_379] : memref<2x10000x64xf32, #tpu.memory_space<hbm>> -> memref<1x10000x64xf32, #tpu.memory_space<hbm>>
      %dma_wait3A_381 = tpu.memref_squeeze %dma_wait3A_380 : memref<1x10000x64xf32, #tpu.memory_space<hbm>> -> memref<10000x64xf32, #tpu.memory_space<hbm>>
      %dma_wait3A_382 = arith.constant 0 : i32
      %dma_wait3A_383 = arith.constant 0 : i32
      %dma_wait3A_384 = tpu.memref_slice %dma_wait3A_381[%dma_wait3A_382, %dma_wait3A_383] : memref<10000x64xf32, #tpu.memory_space<hbm>> -> memref<100x64xf32, #tpu.memory_space<hbm>>
      tpu.wait_dma2 semaphore(%arg14 : memref<!tpu.dma_semaphore, #tpu.memory_space<semaphore_mem>>) src(%dma_wait3A_384 : memref<100x64xf32, #tpu.memory_space<hbm>>) dst(%dma_wait3A_377 : memref<100x64xf32, #tpu.memory_space<vmem>>)
      %run_scoped3A_385 = arith.constant 3 : i32
      "tpu.region"() ({
        %run_scoped3A_448 = tpu.sem_alloc : memref<!tpu.dma_semaphore, #tpu.memory_space<semaphore_mem>>
        %dma_start3A_449 = arith.constant 0 : i32
        %dma_start3A_450 = arith.constant 0 : i32
        %dma_start3A_451 = tpu.memref_slice %arg9[%run_scoped3A_385, %dma_start3A_449, %dma_start3A_450] : memref<5x100x64xf32, #tpu.memory_space<vmem>> -> memref<1x100x64xf32, #tpu.memory_space<vmem>>
        %dma_start3A_452 = tpu.memref_squeeze %dma_start3A_451 : memref<1x100x64xf32, #tpu.memory_space<vmem>> -> memref<100x64xf32, #tpu.memory_space<vmem>>
        %dma_start3A_453 = arith.constant 0 : i32
        %dma_start3A_454 = tpu.memref_slice %arg8[%add3A_361, %dma_start3A_453] : memref<200x100xi32, #tpu.memory_space<vmem>> -> memref<1x100xi32, #tpu.memory_space<vmem>>
        %dma_start3A_455 = tpu.memref_squeeze %dma_start3A_454 : memref<1x100xi32, #tpu.memory_space<vmem>> -> memref<100xi32, #tpu.memory_space<vmem>>
        %dma_start3A_456 = arith.constant 0 : i32
        %dma_start3A_457 = arith.constant 0 : i32
        %dma_start3A_458 = tpu.memref_slice %arg10[%dma_start3A_456, %dma_start3A_457] : memref<10008x64xf32, #tpu.memory_space<vmem_shared>> -> memref<10008x64xf32, #tpu.memory_space<vmem_shared>>
        tpu.enqueue_indirect_dma source(%dma_start3A_452 : memref<100x64xf32, #tpu.memory_space<vmem>>) target(%dma_start3A_458 : memref<10008x64xf32, #tpu.memory_space<vmem_shared>>) offsets(%dma_start3A_455 : memref<100xi32, #tpu.memory_space<vmem>>) semaphore(%run_scoped3A_448 : memref<!tpu.dma_semaphore, #tpu.memory_space<semaphore_mem>>) {add = true}
        %dma_wait3A_459 = arith.constant 0 : i32
        %dma_wait3A_460 = arith.constant 0 : i32
        %dma_wait3A_461 = tpu.memref_slice %arg9[%run_scoped3A_385, %dma_wait3A_459, %dma_wait3A_460] : memref<5x100x64xf32, #tpu.memory_space<vmem>> -> memref<1x100x64xf32, #tpu.memory_space<vmem>>
        %dma_wait3A_462 = tpu.memref_squeeze %dma_wait3A_461 : memref<1x100x64xf32, #tpu.memory_space<vmem>> -> memref<100x64xf32, #tpu.memory_space<vmem>>
        %dma_wait3A_463 = arith.constant 0 : i32
        %dma_wait3A_464 = tpu.memref_slice %arg8[%add3A_361, %dma_wait3A_463] : memref<200x100xi32, #tpu.memory_space<vmem>> -> memref<1x100xi32, #tpu.memory_space<vmem>>
        %dma_wait3A_465 = tpu.memref_squeeze %dma_wait3A_464 : memref<1x100xi32, #tpu.memory_space<vmem>> -> memref<100xi32, #tpu.memory_space<vmem>>
        %dma_wait3A_466 = arith.constant 0 : i32
        %dma_wait3A_467 = arith.constant 0 : i32
        %dma_wait3A_468 = tpu.memref_slice %arg10[%dma_wait3A_466, %dma_wait3A_467] : memref<10008x64xf32, #tpu.memory_space<vmem_shared>> -> memref<10008x64xf32, #tpu.memory_space<vmem_shared>>
        tpu.wait_indirect_dma semaphore(%run_scoped3A_448 : memref<!tpu.dma_semaphore, #tpu.memory_space<semaphore_mem>>) src(%dma_wait3A_462 : memref<100x64xf32, #tpu.memory_space<vmem>>) dst(%dma_wait3A_468 : memref<10008x64xf32, #tpu.memory_space<vmem_shared>>)
        tpu.yield
      }) : () -> ()
      %add3A_386 = arith.constant 5 : i32
      %add3A_387 = arith.addi %add3A_361, %add3A_386 : i32
      %dma_start3A_388 = arith.constant 3 : i32
      %dma_start3A_389 = arith.constant 0 : i32
      %dma_start3A_390 = arith.constant 0 : i32
      %dma_start3A_391 = tpu.memref_slice %arg9[%dma_start3A_388, %dma_start3A_389, %dma_start3A_390] : memref<5x100x64xf32, #tpu.memory_space<vmem>> -> memref<1x100x64xf32, #tpu.memory_space<vmem>>
      %dma_start3A_392 = tpu.memref_squeeze %dma_start3A_391 : memref<1x100x64xf32, #tpu.memory_space<vmem>> -> memref<100x64xf32, #tpu.memory_space<vmem>>
      %dma_start3A_393 = arith.constant 0 : i32
      %dma_start3A_394 = tpu.memref_slice %arg7[%add3A_387, %dma_start3A_393] : memref<200x100xi32, #tpu.memory_space<vmem>> -> memref<1x100xi32, #tpu.memory_space<vmem>>
      %dma_start3A_395 = tpu.memref_squeeze %dma_start3A_394 : memref<1x100xi32, #tpu.memory_space<vmem>> -> memref<100xi32, #tpu.memory_space<vmem>>
      %dma_start3A_396 = arith.constant 0 : i32
      %dma_start3A_397 = arith.constant 0 : i32
      %dma_start3A_398 = tpu.memref_slice %arg2[%arg0, %dma_start3A_396, %dma_start3A_397] : memref<2x10000x64xf32, #tpu.memory_space<hbm>> -> memref<1x10000x64xf32, #tpu.memory_space<hbm>>
      %dma_start3A_399 = tpu.memref_squeeze %dma_start3A_398 : memref<1x10000x64xf32, #tpu.memory_space<hbm>> -> memref<10000x64xf32, #tpu.memory_space<hbm>>
      %dma_start3A_400 = arith.constant 0 : i32
      %dma_start3A_401 = arith.constant 0 : i32
      %dma_start3A_402 = tpu.memref_slice %dma_start3A_399[%dma_start3A_400, %dma_start3A_401] : memref<10000x64xf32, #tpu.memory_space<hbm>> -> memref<10000x64xf32, #tpu.memory_space<hbm>>
      tpu.enqueue_indirect_dma source(%dma_start3A_402 : memref<10000x64xf32, #tpu.memory_space<hbm>>) target(%dma_start3A_392 : memref<100x64xf32, #tpu.memory_space<vmem>>) offsets(%dma_start3A_395 : memref<100xi32, #tpu.memory_space<vmem>>) semaphore(%arg14 : memref<!tpu.dma_semaphore, #tpu.memory_space<semaphore_mem>>)
      %mul3A_403 = arith.constant 5 : i32
      %mul3A_404 = arith.muli %scan3A_224, %mul3A_403 : i32
      %add3A_405 = arith.constant 4 : i32
      %add3A_406 = arith.addi %mul3A_404, %add3A_405 : i32
      %dma_wait3A_407 = arith.constant 4 : i32
      %dma_wait3A_408 = arith.constant 0 : i32
      %dma_wait3A_409 = arith.constant 0 : i32
      %dma_wait3A_410 = tpu.memref_slice %arg9[%dma_wait3A_407, %dma_wait3A_408, %dma_wait3A_409] : memref<5x100x64xf32, #tpu.memory_space<vmem>> -> memref<1x100x64xf32, #tpu.memory_space<vmem>>
      %dma_wait3A_411 = tpu.memref_squeeze %dma_wait3A_410 : memref<1x100x64xf32, #tpu.memory_space<vmem>> -> memref<100x64xf32, #tpu.memory_space<vmem>>
      %dma_wait3A_412 = arith.constant 0 : i32
      %dma_wait3A_413 = arith.constant 0 : i32
      %dma_wait3A_414 = tpu.memref_slice %arg2[%arg0, %dma_wait3A_412, %dma_wait3A_413] : memref<2x10000x64xf32, #tpu.memory_space<hbm>> -> memref<1x10000x64xf32, #tpu.memory_space<hbm>>
      %dma_wait3A_415 = tpu.memref_squeeze %dma_wait3A_414 : memref<1x10000x64xf32, #tpu.memory_space<hbm>> -> memref<10000x64xf32, #tpu.memory_space<hbm>>
      %dma_wait3A_416 = arith.constant 0 : i32
      %dma_wait3A_417 = arith.constant 0 : i32
      %dma_wait3A_418 = tpu.memref_slice %dma_wait3A_415[%dma_wait3A_416, %dma_wait3A_417] : memref<10000x64xf32, #tpu.memory_space<hbm>> -> memref<100x64xf32, #tpu.memory_space<hbm>>
      %dma_wait3A_419 = arith.constant 0 : i32
      %dma_wait3A_420 = arith.constant 0 : i32
      %dma_wait3A_421 = tpu.memref_slice %arg9[%dma_wait3A_407, %dma_wait3A_419, %dma_wait3A_420] : memref<5x100x64xf32, #tpu.memory_space<vmem>> -> memref<1x100x64xf32, #tpu.memory_space<vmem>>
      %dma_wait3A_422 = tpu.memref_squeeze %dma_wait3A_421 : memref<1x100x64xf32, #tpu.memory_space<vmem>> -> memref<100x64xf32, #tpu.memory_space<vmem>>
      %dma_wait3A_423 = arith.constant 0 : i32
      %dma_wait3A_424 = arith.constant 0 : i32
      %dma_wait3A_425 = tpu.memref_slice %arg2[%arg0, %dma_wait3A_423, %dma_wait3A_424] : memref<2x10000x64xf32, #tpu.memory_space<hbm>> -> memref<1x10000x64xf32, #tpu.memory_space<hbm>>
      %dma_wait3A_426 = tpu.memref_squeeze %dma_wait3A_425 : memref<1x10000x64xf32, #tpu.memory_space<hbm>> -> memref<10000x64xf32, #tpu.memory_space<hbm>>
      %dma_wait3A_427 = arith.constant 0 : i32
      %dma_wait3A_428 = arith.constant 0 : i32
      %dma_wait3A_429 = tpu.memref_slice %dma_wait3A_426[%dma_wait3A_427, %dma_wait3A_428] : memref<10000x64xf32, #tpu.memory_space<hbm>> -> memref<100x64xf32, #tpu.memory_space<hbm>>
      tpu.wait_dma2 semaphore(%arg15 : memref<!tpu.dma_semaphore, #tpu.memory_space<semaphore_mem>>) src(%dma_wait3A_429 : memref<100x64xf32, #tpu.memory_space<hbm>>) dst(%dma_wait3A_422 : memref<100x64xf32, #tpu.memory_space<vmem>>)
      %run_scoped3A_430 = arith.constant 4 : i32
      "tpu.region"() ({
        %run_scoped3A_448 = tpu.sem_alloc : memref<!tpu.dma_semaphore, #tpu.memory_space<semaphore_mem>>
        %dma_start3A_449 = arith.constant 0 : i32
        %dma_start3A_450 = arith.constant 0 : i32
        %dma_start3A_451 = tpu.memref_slice %arg9[%run_scoped3A_430, %dma_start3A_449, %dma_start3A_450] : memref<5x100x64xf32, #tpu.memory_space<vmem>> -> memref<1x100x64xf32, #tpu.memory_space<vmem>>
        %dma_start3A_452 = tpu.memref_squeeze %dma_start3A_451 : memref<1x100x64xf32, #tpu.memory_space<vmem>> -> memref<100x64xf32, #tpu.memory_space<vmem>>
        %dma_start3A_453 = arith.constant 0 : i32
        %dma_start3A_454 = tpu.memref_slice %arg8[%add3A_406, %dma_start3A_453] : memref<200x100xi32, #tpu.memory_space<vmem>> -> memref<1x100xi32, #tpu.memory_space<vmem>>
        %dma_start3A_455 = tpu.memref_squeeze %dma_start3A_454 : memref<1x100xi32, #tpu.memory_space<vmem>> -> memref<100xi32, #tpu.memory_space<vmem>>
        %dma_start3A_456 = arith.constant 0 : i32
        %dma_start3A_457 = arith.constant 0 : i32
        %dma_start3A_458 = tpu.memref_slice %arg10[%dma_start3A_456, %dma_start3A_457] : memref<10008x64xf32, #tpu.memory_space<vmem_shared>> -> memref<10008x64xf32, #tpu.memory_space<vmem_shared>>
        tpu.enqueue_indirect_dma source(%dma_start3A_452 : memref<100x64xf32, #tpu.memory_space<vmem>>) target(%dma_start3A_458 : memref<10008x64xf32, #tpu.memory_space<vmem_shared>>) offsets(%dma_start3A_455 : memref<100xi32, #tpu.memory_space<vmem>>) semaphore(%run_scoped3A_448 : memref<!tpu.dma_semaphore, #tpu.memory_space<semaphore_mem>>) {add = true}
        %dma_wait3A_459 = arith.constant 0 : i32
        %dma_wait3A_460 = arith.constant 0 : i32
        %dma_wait3A_461 = tpu.memref_slice %arg9[%run_scoped3A_430, %dma_wait3A_459, %dma_wait3A_460] : memref<5x100x64xf32, #tpu.memory_space<vmem>> -> memref<1x100x64xf32, #tpu.memory_space<vmem>>
        %dma_wait3A_462 = tpu.memref_squeeze %dma_wait3A_461 : memref<1x100x64xf32, #tpu.memory_space<vmem>> -> memref<100x64xf32, #tpu.memory_space<vmem>>
        %dma_wait3A_463 = arith.constant 0 : i32
        %dma_wait3A_464 = tpu.memref_slice %arg8[%add3A_406, %dma_wait3A_463] : memref<200x100xi32, #tpu.memory_space<vmem>> -> memref<1x100xi32, #tpu.memory_space<vmem>>
        %dma_wait3A_465 = tpu.memref_squeeze %dma_wait3A_464 : memref<1x100xi32, #tpu.memory_space<vmem>> -> memref<100xi32, #tpu.memory_space<vmem>>
        %dma_wait3A_466 = arith.constant 0 : i32
        %dma_wait3A_467 = arith.constant 0 : i32
        %dma_wait3A_468 = tpu.memref_slice %arg10[%dma_wait3A_466, %dma_wait3A_467] : memref<10008x64xf32, #tpu.memory_space<vmem_shared>> -> memref<10008x64xf32, #tpu.memory_space<vmem_shared>>
        tpu.wait_indirect_dma semaphore(%run_scoped3A_448 : memref<!tpu.dma_semaphore, #tpu.memory_space<semaphore_mem>>) src(%dma_wait3A_462 : memref<100x64xf32, #tpu.memory_space<vmem>>) dst(%dma_wait3A_468 : memref<10008x64xf32, #tpu.memory_space<vmem_shared>>)
        tpu.yield
      }) : () -> ()
      %add3A_431 = arith.constant 5 : i32
      %add3A_432 = arith.addi %add3A_406, %add3A_431 : i32
      %dma_start3A_433 = arith.constant 4 : i32
      %dma_start3A_434 = arith.constant 0 : i32
      %dma_start3A_435 = arith.constant 0 : i32
      %dma_start3A_436 = tpu.memref_slice %arg9[%dma_start3A_433, %dma_start3A_434, %dma_start3A_435] : memref<5x100x64xf32, #tpu.memory_space<vmem>> -> memref<1x100x64xf32, #tpu.memory_space<vmem>>
      %dma_start3A_437 = tpu.memref_squeeze %dma_start3A_436 : memref<1x100x64xf32, #tpu.memory_space<vmem>> -> memref<100x64xf32, #tpu.memory_space<vmem>>
      %dma_start3A_438 = arith.constant 0 : i32
      %dma_start3A_439 = tpu.memref_slice %arg7[%add3A_432, %dma_start3A_438] : memref<200x100xi32, #tpu.memory_space<vmem>> -> memref<1x100xi32, #tpu.memory_space<vmem>>
      %dma_start3A_440 = tpu.memref_squeeze %dma_start3A_439 : memref<1x100xi32, #tpu.memory_space<vmem>> -> memref<100xi32, #tpu.memory_space<vmem>>
      %dma_start3A_441 = arith.constant 0 : i32
      %dma_start3A_442 = arith.constant 0 : i32
      %dma_start3A_443 = tpu.memref_slice %arg2[%arg0, %dma_start3A_441, %dma_start3A_442] : memref<2x10000x64xf32, #tpu.memory_space<hbm>> -> memref<1x10000x64xf32, #tpu.memory_space<hbm>>
      %dma_start3A_444 = tpu.memref_squeeze %dma_start3A_443 : memref<1x10000x64xf32, #tpu.memory_space<hbm>> -> memref<10000x64xf32, #tpu.memory_space<hbm>>
      %dma_start3A_445 = arith.constant 0 : i32
      %dma_start3A_446 = arith.constant 0 : i32
      %dma_start3A_447 = tpu.memref_slice %dma_start3A_444[%dma_start3A_445, %dma_start3A_446] : memref<10000x64xf32, #tpu.memory_space<hbm>> -> memref<10000x64xf32, #tpu.memory_space<hbm>>
      tpu.enqueue_indirect_dma source(%dma_start3A_447 : memref<10000x64xf32, #tpu.memory_space<hbm>>) target(%dma_start3A_437 : memref<100x64xf32, #tpu.memory_space<vmem>>) offsets(%dma_start3A_440 : memref<100xi32, #tpu.memory_space<vmem>>) semaphore(%arg15 : memref<!tpu.dma_semaphore, #tpu.memory_space<semaphore_mem>>)
    }
    %scan3A_89 = arith.constant 39 : i32
    %dma_wait3A = arith.constant 0 : i32
    %dma_wait3A_90 = arith.constant 0 : i32
    %dma_wait3A_91 = arith.constant 0 : i32
    %dma_wait3A_92 = tpu.memref_slice %arg9[%dma_wait3A, %dma_wait3A_90, %dma_wait3A_91] : memref<5x100x64xf32, #tpu.memory_space<vmem>> -> memref<1x100x64xf32, #tpu.memory_space<vmem>>
    %dma_wait3A_93 = tpu.memref_squeeze %dma_wait3A_92 : memref<1x100x64xf32, #tpu.memory_space<vmem>> -> memref<100x64xf32, #tpu.memory_space<vmem>>
    %dma_wait3A_94 = arith.constant 0 : i32
    %dma_wait3A_95 = arith.constant 0 : i32
    %dma_wait3A_96 = tpu.memref_slice %arg2[%arg0, %dma_wait3A_94, %dma_wait3A_95] : memref<2x10000x64xf32, #tpu.memory_space<hbm>> -> memref<1x10000x64xf32, #tpu.memory_space<hbm>>
    %dma_wait3A_97 = tpu.memref_squeeze %dma_wait3A_96 : memref<1x10000x64xf32, #tpu.memory_space<hbm>> -> memref<10000x64xf32, #tpu.memory_space<hbm>>
    %dma_wait3A_98 = arith.constant 0 : i32
    %dma_wait3A_99 = arith.constant 0 : i32
    %dma_wait3A_100 = tpu.memref_slice %dma_wait3A_97[%dma_wait3A_98, %dma_wait3A_99] : memref<10000x64xf32, #tpu.memory_space<hbm>> -> memref<100x64xf32, #tpu.memory_space<hbm>>
    %dma_wait3A_101 = arith.constant 0 : i32
    %dma_wait3A_102 = arith.constant 0 : i32
    %dma_wait3A_103 = tpu.memref_slice %arg9[%dma_wait3A, %dma_wait3A_101, %dma_wait3A_102] : memref<5x100x64xf32, #tpu.memory_space<vmem>> -> memref<1x100x64xf32, #tpu.memory_space<vmem>>
    %dma_wait3A_104 = tpu.memref_squeeze %dma_wait3A_103 : memref<1x100x64xf32, #tpu.memory_space<vmem>> -> memref<100x64xf32, #tpu.memory_space<vmem>>
    %dma_wait3A_105 = arith.constant 0 : i32
    %dma_wait3A_106 = arith.constant 0 : i32
    %dma_wait3A_107 = tpu.memref_slice %arg2[%arg0, %dma_wait3A_105, %dma_wait3A_106] : memref<2x10000x64xf32, #tpu.memory_space<hbm>> -> memref<1x10000x64xf32, #tpu.memory_space<hbm>>
    %dma_wait3A_108 = tpu.memref_squeeze %dma_wait3A_107 : memref<1x10000x64xf32, #tpu.memory_space<hbm>> -> memref<10000x64xf32, #tpu.memory_space<hbm>>
    %dma_wait3A_109 = arith.constant 0 : i32
    %dma_wait3A_110 = arith.constant 0 : i32
    %dma_wait3A_111 = tpu.memref_slice %dma_wait3A_108[%dma_wait3A_109, %dma_wait3A_110] : memref<10000x64xf32, #tpu.memory_space<hbm>> -> memref<100x64xf32, #tpu.memory_space<hbm>>
    tpu.wait_dma2 semaphore(%arg11 : memref<!tpu.dma_semaphore, #tpu.memory_space<semaphore_mem>>) src(%dma_wait3A_111 : memref<100x64xf32, #tpu.memory_space<hbm>>) dst(%dma_wait3A_104 : memref<100x64xf32, #tpu.memory_space<vmem>>)
    %run_scoped3A = arith.constant 0 : i32
    %run_scoped3A_112 = arith.constant 195 : i32
    "tpu.region"() ({
      %run_scoped3A_224 = tpu.sem_alloc : memref<!tpu.dma_semaphore, #tpu.memory_space<semaphore_mem>>
      %dma_start3A_225 = arith.constant 0 : i32
      %dma_start3A_226 = arith.constant 0 : i32
      %dma_start3A_227 = tpu.memref_slice %arg9[%run_scoped3A, %dma_start3A_225, %dma_start3A_226] : memref<5x100x64xf32, #tpu.memory_space<vmem>> -> memref<1x100x64xf32, #tpu.memory_space<vmem>>
      %dma_start3A_228 = tpu.memref_squeeze %dma_start3A_227 : memref<1x100x64xf32, #tpu.memory_space<vmem>> -> memref<100x64xf32, #tpu.memory_space<vmem>>
      %dma_start3A_229 = arith.constant 0 : i32
      %dma_start3A_230 = tpu.memref_slice %arg8[%run_scoped3A_112, %dma_start3A_229] : memref<200x100xi32, #tpu.memory_space<vmem>> -> memref<1x100xi32, #tpu.memory_space<vmem>>
      %dma_start3A_231 = tpu.memref_squeeze %dma_start3A_230 : memref<1x100xi32, #tpu.memory_space<vmem>> -> memref<100xi32, #tpu.memory_space<vmem>>
      %dma_start3A_232 = arith.constant 0 : i32
      %dma_start3A_233 = arith.constant 0 : i32
      %dma_start3A_234 = tpu.memref_slice %arg10[%dma_start3A_232, %dma_start3A_233] : memref<10008x64xf32, #tpu.memory_space<vmem_shared>> -> memref<10008x64xf32, #tpu.memory_space<vmem_shared>>
      tpu.enqueue_indirect_dma source(%dma_start3A_228 : memref<100x64xf32, #tpu.memory_space<vmem>>) target(%dma_start3A_234 : memref<10008x64xf32, #tpu.memory_space<vmem_shared>>) offsets(%dma_start3A_231 : memref<100xi32, #tpu.memory_space<vmem>>) semaphore(%run_scoped3A_224 : memref<!tpu.dma_semaphore, #tpu.memory_space<semaphore_mem>>) {add = true}
      %dma_wait3A_235 = arith.constant 0 : i32
      %dma_wait3A_236 = arith.constant 0 : i32
      %dma_wait3A_237 = tpu.memref_slice %arg9[%run_scoped3A, %dma_wait3A_235, %dma_wait3A_236] : memref<5x100x64xf32, #tpu.memory_space<vmem>> -> memref<1x100x64xf32, #tpu.memory_space<vmem>>
      %dma_wait3A_238 = tpu.memref_squeeze %dma_wait3A_237 : memref<1x100x64xf32, #tpu.memory_space<vmem>> -> memref<100x64xf32, #tpu.memory_space<vmem>>
      %dma_wait3A_239 = arith.constant 0 : i32
      %dma_wait3A_240 = tpu.memref_slice %arg8[%run_scoped3A_112, %dma_wait3A_239] : memref<200x100xi32, #tpu.memory_space<vmem>> -> memref<1x100xi32, #tpu.memory_space<vmem>>
      %dma_wait3A_241 = tpu.memref_squeeze %dma_wait3A_240 : memref<1x100xi32, #tpu.memory_space<vmem>> -> memref<100xi32, #tpu.memory_space<vmem>>
      %dma_wait3A_242 = arith.constant 0 : i32
      %dma_wait3A_243 = arith.constant 0 : i32
      %dma_wait3A_244 = tpu.memref_slice %arg10[%dma_wait3A_242, %dma_wait3A_243] : memref<10008x64xf32, #tpu.memory_space<vmem_shared>> -> memref<10008x64xf32, #tpu.memory_space<vmem_shared>>
      tpu.wait_indirect_dma semaphore(%run_scoped3A_224 : memref<!tpu.dma_semaphore, #tpu.memory_space<semaphore_mem>>) src(%dma_wait3A_238 : memref<100x64xf32, #tpu.memory_space<vmem>>) dst(%dma_wait3A_244 : memref<10008x64xf32, #tpu.memory_space<vmem_shared>>)
      tpu.yield
    }) : () -> ()
    %dma_wait3A_113 = arith.constant 1 : i32
    %dma_wait3A_114 = arith.constant 0 : i32
    %dma_wait3A_115 = arith.constant 0 : i32
    %dma_wait3A_116 = tpu.memref_slice %arg9[%dma_wait3A_113, %dma_wait3A_114, %dma_wait3A_115] : memref<5x100x64xf32, #tpu.memory_space<vmem>> -> memref<1x100x64xf32, #tpu.memory_space<vmem>>
    %dma_wait3A_117 = tpu.memref_squeeze %dma_wait3A_116 : memref<1x100x64xf32, #tpu.memory_space<vmem>> -> memref<100x64xf32, #tpu.memory_space<vmem>>
    %dma_wait3A_118 = arith.constant 0 : i32
    %dma_wait3A_119 = arith.constant 0 : i32
    %dma_wait3A_120 = tpu.memref_slice %arg2[%arg0, %dma_wait3A_118, %dma_wait3A_119] : memref<2x10000x64xf32, #tpu.memory_space<hbm>> -> memref<1x10000x64xf32, #tpu.memory_space<hbm>>
    %dma_wait3A_121 = tpu.memref_squeeze %dma_wait3A_120 : memref<1x10000x64xf32, #tpu.memory_space<hbm>> -> memref<10000x64xf32, #tpu.memory_space<hbm>>
    %dma_wait3A_122 = arith.constant 0 : i32
    %dma_wait3A_123 = arith.constant 0 : i32
    %dma_wait3A_124 = tpu.memref_slice %dma_wait3A_121[%dma_wait3A_122, %dma_wait3A_123] : memref<10000x64xf32, #tpu.memory_space<hbm>> -> memref<100x64xf32, #tpu.memory_space<hbm>>
    %dma_wait3A_125 = arith.constant 0 : i32
    %dma_wait3A_126 = arith.constant 0 : i32
    %dma_wait3A_127 = tpu.memref_slice %arg9[%dma_wait3A_113, %dma_wait3A_125, %dma_wait3A_126] : memref<5x100x64xf32, #tpu.memory_space<vmem>> -> memref<1x100x64xf32, #tpu.memory_space<vmem>>
    %dma_wait3A_128 = tpu.memref_squeeze %dma_wait3A_127 : memref<1x100x64xf32, #tpu.memory_space<vmem>> -> memref<100x64xf32, #tpu.memory_space<vmem>>
    %dma_wait3A_129 = arith.constant 0 : i32
    %dma_wait3A_130 = arith.constant 0 : i32
    %dma_wait3A_131 = tpu.memref_slice %arg2[%arg0, %dma_wait3A_129, %dma_wait3A_130] : memref<2x10000x64xf32, #tpu.memory_space<hbm>> -> memref<1x10000x64xf32, #tpu.memory_space<hbm>>
    %dma_wait3A_132 = tpu.memref_squeeze %dma_wait3A_131 : memref<1x10000x64xf32, #tpu.memory_space<hbm>> -> memref<10000x64xf32, #tpu.memory_space<hbm>>
    %dma_wait3A_133 = arith.constant 0 : i32
    %dma_wait3A_134 = arith.constant 0 : i32
    %dma_wait3A_135 = tpu.memref_slice %dma_wait3A_132[%dma_wait3A_133, %dma_wait3A_134] : memref<10000x64xf32, #tpu.memory_space<hbm>> -> memref<100x64xf32, #tpu.memory_space<hbm>>
    tpu.wait_dma2 semaphore(%arg12 : memref<!tpu.dma_semaphore, #tpu.memory_space<semaphore_mem>>) src(%dma_wait3A_135 : memref<100x64xf32, #tpu.memory_space<hbm>>) dst(%dma_wait3A_128 : memref<100x64xf32, #tpu.memory_space<vmem>>)
    %run_scoped3A_136 = arith.constant 1 : i32
    %run_scoped3A_137 = arith.constant 196 : i32
    "tpu.region"() ({
      %run_scoped3A_224 = tpu.sem_alloc : memref<!tpu.dma_semaphore, #tpu.memory_space<semaphore_mem>>
      %dma_start3A_225 = arith.constant 0 : i32
      %dma_start3A_226 = arith.constant 0 : i32
      %dma_start3A_227 = tpu.memref_slice %arg9[%run_scoped3A_136, %dma_start3A_225, %dma_start3A_226] : memref<5x100x64xf32, #tpu.memory_space<vmem>> -> memref<1x100x64xf32, #tpu.memory_space<vmem>>
      %dma_start3A_228 = tpu.memref_squeeze %dma_start3A_227 : memref<1x100x64xf32, #tpu.memory_space<vmem>> -> memref<100x64xf32, #tpu.memory_space<vmem>>
      %dma_start3A_229 = arith.constant 0 : i32
      %dma_start3A_230 = tpu.memref_slice %arg8[%run_scoped3A_137, %dma_start3A_229] : memref<200x100xi32, #tpu.memory_space<vmem>> -> memref<1x100xi32, #tpu.memory_space<vmem>>
      %dma_start3A_231 = tpu.memref_squeeze %dma_start3A_230 : memref<1x100xi32, #tpu.memory_space<vmem>> -> memref<100xi32, #tpu.memory_space<vmem>>
      %dma_start3A_232 = arith.constant 0 : i32
      %dma_start3A_233 = arith.constant 0 : i32
      %dma_start3A_234 = tpu.memref_slice %arg10[%dma_start3A_232, %dma_start3A_233] : memref<10008x64xf32, #tpu.memory_space<vmem_shared>> -> memref<10008x64xf32, #tpu.memory_space<vmem_shared>>
      tpu.enqueue_indirect_dma source(%dma_start3A_228 : memref<100x64xf32, #tpu.memory_space<vmem>>) target(%dma_start3A_234 : memref<10008x64xf32, #tpu.memory_space<vmem_shared>>) offsets(%dma_start3A_231 : memref<100xi32, #tpu.memory_space<vmem>>) semaphore(%run_scoped3A_224 : memref<!tpu.dma_semaphore, #tpu.memory_space<semaphore_mem>>) {add = true}
      %dma_wait3A_235 = arith.constant 0 : i32
      %dma_wait3A_236 = arith.constant 0 : i32
      %dma_wait3A_237 = tpu.memref_slice %arg9[%run_scoped3A_136, %dma_wait3A_235, %dma_wait3A_236] : memref<5x100x64xf32, #tpu.memory_space<vmem>> -> memref<1x100x64xf32, #tpu.memory_space<vmem>>
      %dma_wait3A_238 = tpu.memref_squeeze %dma_wait3A_237 : memref<1x100x64xf32, #tpu.memory_space<vmem>> -> memref<100x64xf32, #tpu.memory_space<vmem>>
      %dma_wait3A_239 = arith.constant 0 : i32
      %dma_wait3A_240 = tpu.memref_slice %arg8[%run_scoped3A_137, %dma_wait3A_239] : memref<200x100xi32, #tpu.memory_space<vmem>> -> memref<1x100xi32, #tpu.memory_space<vmem>>
      %dma_wait3A_241 = tpu.memref_squeeze %dma_wait3A_240 : memref<1x100xi32, #tpu.memory_space<vmem>> -> memref<100xi32, #tpu.memory_space<vmem>>
      %dma_wait3A_242 = arith.constant 0 : i32
      %dma_wait3A_243 = arith.constant 0 : i32
      %dma_wait3A_244 = tpu.memref_slice %arg10[%dma_wait3A_242, %dma_wait3A_243] : memref<10008x64xf32, #tpu.memory_space<vmem_shared>> -> memref<10008x64xf32, #tpu.memory_space<vmem_shared>>
      tpu.wait_indirect_dma semaphore(%run_scoped3A_224 : memref<!tpu.dma_semaphore, #tpu.memory_space<semaphore_mem>>) src(%dma_wait3A_238 : memref<100x64xf32, #tpu.memory_space<vmem>>) dst(%dma_wait3A_244 : memref<10008x64xf32, #tpu.memory_space<vmem_shared>>)
      tpu.yield
    }) : () -> ()
    %dma_wait3A_138 = arith.constant 2 : i32
    %dma_wait3A_139 = arith.constant 0 : i32
    %dma_wait3A_140 = arith.constant 0 : i32
    %dma_wait3A_141 = tpu.memref_slice %arg9[%dma_wait3A_138, %dma_wait3A_139, %dma_wait3A_140] : memref<5x100x64xf32, #tpu.memory_space<vmem>> -> memref<1x100x64xf32, #tpu.memory_space<vmem>>
    %dma_wait3A_142 = tpu.memref_squeeze %dma_wait3A_141 : memref<1x100x64xf32, #tpu.memory_space<vmem>> -> memref<100x64xf32, #tpu.memory_space<vmem>>
    %dma_wait3A_143 = arith.constant 0 : i32
    %dma_wait3A_144 = arith.constant 0 : i32
    %dma_wait3A_145 = tpu.memref_slice %arg2[%arg0, %dma_wait3A_143, %dma_wait3A_144] : memref<2x10000x64xf32, #tpu.memory_space<hbm>> -> memref<1x10000x64xf32, #tpu.memory_space<hbm>>
    %dma_wait3A_146 = tpu.memref_squeeze %dma_wait3A_145 : memref<1x10000x64xf32, #tpu.memory_space<hbm>> -> memref<10000x64xf32, #tpu.memory_space<hbm>>
    %dma_wait3A_147 = arith.constant 0 : i32
    %dma_wait3A_148 = arith.constant 0 : i32
    %dma_wait3A_149 = tpu.memref_slice %dma_wait3A_146[%dma_wait3A_147, %dma_wait3A_148] : memref<10000x64xf32, #tpu.memory_space<hbm>> -> memref<100x64xf32, #tpu.memory_space<hbm>>
    %dma_wait3A_150 = arith.constant 0 : i32
    %dma_wait3A_151 = arith.constant 0 : i32
    %dma_wait3A_152 = tpu.memref_slice %arg9[%dma_wait3A_138, %dma_wait3A_150, %dma_wait3A_151] : memref<5x100x64xf32, #tpu.memory_space<vmem>> -> memref<1x100x64xf32, #tpu.memory_space<vmem>>
    %dma_wait3A_153 = tpu.memref_squeeze %dma_wait3A_152 : memref<1x100x64xf32, #tpu.memory_space<vmem>> -> memref<100x64xf32, #tpu.memory_space<vmem>>
    %dma_wait3A_154 = arith.constant 0 : i32
    %dma_wait3A_155 = arith.constant 0 : i32
    %dma_wait3A_156 = tpu.memref_slice %arg2[%arg0, %dma_wait3A_154, %dma_wait3A_155] : memref<2x10000x64xf32, #tpu.memory_space<hbm>> -> memref<1x10000x64xf32, #tpu.memory_space<hbm>>
    %dma_wait3A_157 = tpu.memref_squeeze %dma_wait3A_156 : memref<1x10000x64xf32, #tpu.memory_space<hbm>> -> memref<10000x64xf32, #tpu.memory_space<hbm>>
    %dma_wait3A_158 = arith.constant 0 : i32
    %dma_wait3A_159 = arith.constant 0 : i32
    %dma_wait3A_160 = tpu.memref_slice %dma_wait3A_157[%dma_wait3A_158, %dma_wait3A_159] : memref<10000x64xf32, #tpu.memory_space<hbm>> -> memref<100x64xf32, #tpu.memory_space<hbm>>
    tpu.wait_dma2 semaphore(%arg13 : memref<!tpu.dma_semaphore, #tpu.memory_space<semaphore_mem>>) src(%dma_wait3A_160 : memref<100x64xf32, #tpu.memory_space<hbm>>) dst(%dma_wait3A_153 : memref<100x64xf32, #tpu.memory_space<vmem>>)
    %run_scoped3A_161 = arith.constant 2 : i32
    %run_scoped3A_162 = arith.constant 197 : i32
    "tpu.region"() ({
      %run_scoped3A_224 = tpu.sem_alloc : memref<!tpu.dma_semaphore, #tpu.memory_space<semaphore_mem>>
      %dma_start3A_225 = arith.constant 0 : i32
      %dma_start3A_226 = arith.constant 0 : i32
      %dma_start3A_227 = tpu.memref_slice %arg9[%run_scoped3A_161, %dma_start3A_225, %dma_start3A_226] : memref<5x100x64xf32, #tpu.memory_space<vmem>> -> memref<1x100x64xf32, #tpu.memory_space<vmem>>
      %dma_start3A_228 = tpu.memref_squeeze %dma_start3A_227 : memref<1x100x64xf32, #tpu.memory_space<vmem>> -> memref<100x64xf32, #tpu.memory_space<vmem>>
      %dma_start3A_229 = arith.constant 0 : i32
      %dma_start3A_230 = tpu.memref_slice %arg8[%run_scoped3A_162, %dma_start3A_229] : memref<200x100xi32, #tpu.memory_space<vmem>> -> memref<1x100xi32, #tpu.memory_space<vmem>>
      %dma_start3A_231 = tpu.memref_squeeze %dma_start3A_230 : memref<1x100xi32, #tpu.memory_space<vmem>> -> memref<100xi32, #tpu.memory_space<vmem>>
      %dma_start3A_232 = arith.constant 0 : i32
      %dma_start3A_233 = arith.constant 0 : i32
      %dma_start3A_234 = tpu.memref_slice %arg10[%dma_start3A_232, %dma_start3A_233] : memref<10008x64xf32, #tpu.memory_space<vmem_shared>> -> memref<10008x64xf32, #tpu.memory_space<vmem_shared>>
      tpu.enqueue_indirect_dma source(%dma_start3A_228 : memref<100x64xf32, #tpu.memory_space<vmem>>) target(%dma_start3A_234 : memref<10008x64xf32, #tpu.memory_space<vmem_shared>>) offsets(%dma_start3A_231 : memref<100xi32, #tpu.memory_space<vmem>>) semaphore(%run_scoped3A_224 : memref<!tpu.dma_semaphore, #tpu.memory_space<semaphore_mem>>) {add = true}
      %dma_wait3A_235 = arith.constant 0 : i32
      %dma_wait3A_236 = arith.constant 0 : i32
      %dma_wait3A_237 = tpu.memref_slice %arg9[%run_scoped3A_161, %dma_wait3A_235, %dma_wait3A_236] : memref<5x100x64xf32, #tpu.memory_space<vmem>> -> memref<1x100x64xf32, #tpu.memory_space<vmem>>
      %dma_wait3A_238 = tpu.memref_squeeze %dma_wait3A_237 : memref<1x100x64xf32, #tpu.memory_space<vmem>> -> memref<100x64xf32, #tpu.memory_space<vmem>>
      %dma_wait3A_239 = arith.constant 0 : i32
      %dma_wait3A_240 = tpu.memref_slice %arg8[%run_scoped3A_162, %dma_wait3A_239] : memref<200x100xi32, #tpu.memory_space<vmem>> -> memref<1x100xi32, #tpu.memory_space<vmem>>
      %dma_wait3A_241 = tpu.memref_squeeze %dma_wait3A_240 : memref<1x100xi32, #tpu.memory_space<vmem>> -> memref<100xi32, #tpu.memory_space<vmem>>
      %dma_wait3A_242 = arith.constant 0 : i32
      %dma_wait3A_243 = arith.constant 0 : i32
      %dma_wait3A_244 = tpu.memref_slice %arg10[%dma_wait3A_242, %dma_wait3A_243] : memref<10008x64xf32, #tpu.memory_space<vmem_shared>> -> memref<10008x64xf32, #tpu.memory_space<vmem_shared>>
      tpu.wait_indirect_dma semaphore(%run_scoped3A_224 : memref<!tpu.dma_semaphore, #tpu.memory_space<semaphore_mem>>) src(%dma_wait3A_238 : memref<100x64xf32, #tpu.memory_space<vmem>>) dst(%dma_wait3A_244 : memref<10008x64xf32, #tpu.memory_space<vmem_shared>>)
      tpu.yield
    }) : () -> ()
    %dma_wait3A_163 = arith.constant 3 : i32
    %dma_wait3A_164 = arith.constant 0 : i32
    %dma_wait3A_165 = arith.constant 0 : i32
    %dma_wait3A_166 = tpu.memref_slice %arg9[%dma_wait3A_163, %dma_wait3A_164, %dma_wait3A_165] : memref<5x100x64xf32, #tpu.memory_space<vmem>> -> memref<1x100x64xf32, #tpu.memory_space<vmem>>
    %dma_wait3A_167 = tpu.memref_squeeze %dma_wait3A_166 : memref<1x100x64xf32, #tpu.memory_space<vmem>> -> memref<100x64xf32, #tpu.memory_space<vmem>>
    %dma_wait3A_168 = arith.constant 0 : i32
    %dma_wait3A_169 = arith.constant 0 : i32
    %dma_wait3A_170 = tpu.memref_slice %arg2[%arg0, %dma_wait3A_168, %dma_wait3A_169] : memref<2x10000x64xf32, #tpu.memory_space<hbm>> -> memref<1x10000x64xf32, #tpu.memory_space<hbm>>
    %dma_wait3A_171 = tpu.memref_squeeze %dma_wait3A_170 : memref<1x10000x64xf32, #tpu.memory_space<hbm>> -> memref<10000x64xf32, #tpu.memory_space<hbm>>
    %dma_wait3A_172 = arith.constant 0 : i32
    %dma_wait3A_173 = arith.constant 0 : i32
    %dma_wait3A_174 = tpu.memref_slice %dma_wait3A_171[%dma_wait3A_172, %dma_wait3A_173] : memref<10000x64xf32, #tpu.memory_space<hbm>> -> memref<100x64xf32, #tpu.memory_space<hbm>>
    %dma_wait3A_175 = arith.constant 0 : i32
    %dma_wait3A_176 = arith.constant 0 : i32
    %dma_wait3A_177 = tpu.memref_slice %arg9[%dma_wait3A_163, %dma_wait3A_175, %dma_wait3A_176] : memref<5x100x64xf32, #tpu.memory_space<vmem>> -> memref<1x100x64xf32, #tpu.memory_space<vmem>>
    %dma_wait3A_178 = tpu.memref_squeeze %dma_wait3A_177 : memref<1x100x64xf32, #tpu.memory_space<vmem>> -> memref<100x64xf32, #tpu.memory_space<vmem>>
    %dma_wait3A_179 = arith.constant 0 : i32
    %dma_wait3A_180 = arith.constant 0 : i32
    %dma_wait3A_181 = tpu.memref_slice %arg2[%arg0, %dma_wait3A_179, %dma_wait3A_180] : memref<2x10000x64xf32, #tpu.memory_space<hbm>> -> memref<1x10000x64xf32, #tpu.memory_space<hbm>>
    %dma_wait3A_182 = tpu.memref_squeeze %dma_wait3A_181 : memref<1x10000x64xf32, #tpu.memory_space<hbm>> -> memref<10000x64xf32, #tpu.memory_space<hbm>>
    %dma_wait3A_183 = arith.constant 0 : i32
    %dma_wait3A_184 = arith.constant 0 : i32
    %dma_wait3A_185 = tpu.memref_slice %dma_wait3A_182[%dma_wait3A_183, %dma_wait3A_184] : memref<10000x64xf32, #tpu.memory_space<hbm>> -> memref<100x64xf32, #tpu.memory_space<hbm>>
    tpu.wait_dma2 semaphore(%arg14 : memref<!tpu.dma_semaphore, #tpu.memory_space<semaphore_mem>>) src(%dma_wait3A_185 : memref<100x64xf32, #tpu.memory_space<hbm>>) dst(%dma_wait3A_178 : memref<100x64xf32, #tpu.memory_space<vmem>>)
    %run_scoped3A_186 = arith.constant 3 : i32
    %run_scoped3A_187 = arith.constant 198 : i32
    "tpu.region"() ({
      %run_scoped3A_224 = tpu.sem_alloc : memref<!tpu.dma_semaphore, #tpu.memory_space<semaphore_mem>>
      %dma_start3A_225 = arith.constant 0 : i32
      %dma_start3A_226 = arith.constant 0 : i32
      %dma_start3A_227 = tpu.memref_slice %arg9[%run_scoped3A_186, %dma_start3A_225, %dma_start3A_226] : memref<5x100x64xf32, #tpu.memory_space<vmem>> -> memref<1x100x64xf32, #tpu.memory_space<vmem>>
      %dma_start3A_228 = tpu.memref_squeeze %dma_start3A_227 : memref<1x100x64xf32, #tpu.memory_space<vmem>> -> memref<100x64xf32, #tpu.memory_space<vmem>>
      %dma_start3A_229 = arith.constant 0 : i32
      %dma_start3A_230 = tpu.memref_slice %arg8[%run_scoped3A_187, %dma_start3A_229] : memref<200x100xi32, #tpu.memory_space<vmem>> -> memref<1x100xi32, #tpu.memory_space<vmem>>
      %dma_start3A_231 = tpu.memref_squeeze %dma_start3A_230 : memref<1x100xi32, #tpu.memory_space<vmem>> -> memref<100xi32, #tpu.memory_space<vmem>>
      %dma_start3A_232 = arith.constant 0 : i32
      %dma_start3A_233 = arith.constant 0 : i32
      %dma_start3A_234 = tpu.memref_slice %arg10[%dma_start3A_232, %dma_start3A_233] : memref<10008x64xf32, #tpu.memory_space<vmem_shared>> -> memref<10008x64xf32, #tpu.memory_space<vmem_shared>>
      tpu.enqueue_indirect_dma source(%dma_start3A_228 : memref<100x64xf32, #tpu.memory_space<vmem>>) target(%dma_start3A_234 : memref<10008x64xf32, #tpu.memory_space<vmem_shared>>) offsets(%dma_start3A_231 : memref<100xi32, #tpu.memory_space<vmem>>) semaphore(%run_scoped3A_224 : memref<!tpu.dma_semaphore, #tpu.memory_space<semaphore_mem>>) {add = true}
      %dma_wait3A_235 = arith.constant 0 : i32
      %dma_wait3A_236 = arith.constant 0 : i32
      %dma_wait3A_237 = tpu.memref_slice %arg9[%run_scoped3A_186, %dma_wait3A_235, %dma_wait3A_236] : memref<5x100x64xf32, #tpu.memory_space<vmem>> -> memref<1x100x64xf32, #tpu.memory_space<vmem>>
      %dma_wait3A_238 = tpu.memref_squeeze %dma_wait3A_237 : memref<1x100x64xf32, #tpu.memory_space<vmem>> -> memref<100x64xf32, #tpu.memory_space<vmem>>
      %dma_wait3A_239 = arith.constant 0 : i32
      %dma_wait3A_240 = tpu.memref_slice %arg8[%run_scoped3A_187, %dma_wait3A_239] : memref<200x100xi32, #tpu.memory_space<vmem>> -> memref<1x100xi32, #tpu.memory_space<vmem>>
      %dma_wait3A_241 = tpu.memref_squeeze %dma_wait3A_240 : memref<1x100xi32, #tpu.memory_space<vmem>> -> memref<100xi32, #tpu.memory_space<vmem>>
      %dma_wait3A_242 = arith.constant 0 : i32
      %dma_wait3A_243 = arith.constant 0 : i32
      %dma_wait3A_244 = tpu.memref_slice %arg10[%dma_wait3A_242, %dma_wait3A_243] : memref<10008x64xf32, #tpu.memory_space<vmem_shared>> -> memref<10008x64xf32, #tpu.memory_space<vmem_shared>>
      tpu.wait_indirect_dma semaphore(%run_scoped3A_224 : memref<!tpu.dma_semaphore, #tpu.memory_space<semaphore_mem>>) src(%dma_wait3A_238 : memref<100x64xf32, #tpu.memory_space<vmem>>) dst(%dma_wait3A_244 : memref<10008x64xf32, #tpu.memory_space<vmem_shared>>)
      tpu.yield
    }) : () -> ()
    %dma_wait3A_188 = arith.constant 4 : i32
    %dma_wait3A_189 = arith.constant 0 : i32
    %dma_wait3A_190 = arith.constant 0 : i32
    %dma_wait3A_191 = tpu.memref_slice %arg9[%dma_wait3A_188, %dma_wait3A_189, %dma_wait3A_190] : memref<5x100x64xf32, #tpu.memory_space<vmem>> -> memref<1x100x64xf32, #tpu.memory_space<vmem>>
    %dma_wait3A_192 = tpu.memref_squeeze %dma_wait3A_191 : memref<1x100x64xf32, #tpu.memory_space<vmem>> -> memref<100x64xf32, #tpu.memory_space<vmem>>
    %dma_wait3A_193 = arith.constant 0 : i32
    %dma_wait3A_194 = arith.constant 0 : i32
    %dma_wait3A_195 = tpu.memref_slice %arg2[%arg0, %dma_wait3A_193, %dma_wait3A_194] : memref<2x10000x64xf32, #tpu.memory_space<hbm>> -> memref<1x10000x64xf32, #tpu.memory_space<hbm>>
    %dma_wait3A_196 = tpu.memref_squeeze %dma_wait3A_195 : memref<1x10000x64xf32, #tpu.memory_space<hbm>> -> memref<10000x64xf32, #tpu.memory_space<hbm>>
    %dma_wait3A_197 = arith.constant 0 : i32
    %dma_wait3A_198 = arith.constant 0 : i32
    %dma_wait3A_199 = tpu.memref_slice %dma_wait3A_196[%dma_wait3A_197, %dma_wait3A_198] : memref<10000x64xf32, #tpu.memory_space<hbm>> -> memref<100x64xf32, #tpu.memory_space<hbm>>
    %dma_wait3A_200 = arith.constant 0 : i32
    %dma_wait3A_201 = arith.constant 0 : i32
    %dma_wait3A_202 = tpu.memref_slice %arg9[%dma_wait3A_188, %dma_wait3A_200, %dma_wait3A_201] : memref<5x100x64xf32, #tpu.memory_space<vmem>> -> memref<1x100x64xf32, #tpu.memory_space<vmem>>
    %dma_wait3A_203 = tpu.memref_squeeze %dma_wait3A_202 : memref<1x100x64xf32, #tpu.memory_space<vmem>> -> memref<100x64xf32, #tpu.memory_space<vmem>>
    %dma_wait3A_204 = arith.constant 0 : i32
    %dma_wait3A_205 = arith.constant 0 : i32
    %dma_wait3A_206 = tpu.memref_slice %arg2[%arg0, %dma_wait3A_204, %dma_wait3A_205] : memref<2x10000x64xf32, #tpu.memory_space<hbm>> -> memref<1x10000x64xf32, #tpu.memory_space<hbm>>
    %dma_wait3A_207 = tpu.memref_squeeze %dma_wait3A_206 : memref<1x10000x64xf32, #tpu.memory_space<hbm>> -> memref<10000x64xf32, #tpu.memory_space<hbm>>
    %dma_wait3A_208 = arith.constant 0 : i32
    %dma_wait3A_209 = arith.constant 0 : i32
    %dma_wait3A_210 = tpu.memref_slice %dma_wait3A_207[%dma_wait3A_208, %dma_wait3A_209] : memref<10000x64xf32, #tpu.memory_space<hbm>> -> memref<100x64xf32, #tpu.memory_space<hbm>>
    tpu.wait_dma2 semaphore(%arg15 : memref<!tpu.dma_semaphore, #tpu.memory_space<semaphore_mem>>) src(%dma_wait3A_210 : memref<100x64xf32, #tpu.memory_space<hbm>>) dst(%dma_wait3A_203 : memref<100x64xf32, #tpu.memory_space<vmem>>)
    %run_scoped3A_211 = arith.constant 4 : i32
    %run_scoped3A_212 = arith.constant 199 : i32
    "tpu.region"() ({
      %run_scoped3A_224 = tpu.sem_alloc : memref<!tpu.dma_semaphore, #tpu.memory_space<semaphore_mem>>
      %dma_start3A_225 = arith.constant 0 : i32
      %dma_start3A_226 = arith.constant 0 : i32
      %dma_start3A_227 = tpu.memref_slice %arg9[%run_scoped3A_211, %dma_start3A_225, %dma_start3A_226] : memref<5x100x64xf32, #tpu.memory_space<vmem>> -> memref<1x100x64xf32, #tpu.memory_space<vmem>>
      %dma_start3A_228 = tpu.memref_squeeze %dma_start3A_227 : memref<1x100x64xf32, #tpu.memory_space<vmem>> -> memref<100x64xf32, #tpu.memory_space<vmem>>
      %dma_start3A_229 = arith.constant 0 : i32
      %dma_start3A_230 = tpu.memref_slice %arg8[%run_scoped3A_212, %dma_start3A_229] : memref<200x100xi32, #tpu.memory_space<vmem>> -> memref<1x100xi32, #tpu.memory_space<vmem>>
      %dma_start3A_231 = tpu.memref_squeeze %dma_start3A_230 : memref<1x100xi32, #tpu.memory_space<vmem>> -> memref<100xi32, #tpu.memory_space<vmem>>
      %dma_start3A_232 = arith.constant 0 : i32
      %dma_start3A_233 = arith.constant 0 : i32
      %dma_start3A_234 = tpu.memref_slice %arg10[%dma_start3A_232, %dma_start3A_233] : memref<10008x64xf32, #tpu.memory_space<vmem_shared>> -> memref<10008x64xf32, #tpu.memory_space<vmem_shared>>
      tpu.enqueue_indirect_dma source(%dma_start3A_228 : memref<100x64xf32, #tpu.memory_space<vmem>>) target(%dma_start3A_234 : memref<10008x64xf32, #tpu.memory_space<vmem_shared>>) offsets(%dma_start3A_231 : memref<100xi32, #tpu.memory_space<vmem>>) semaphore(%run_scoped3A_224 : memref<!tpu.dma_semaphore, #tpu.memory_space<semaphore_mem>>) {add = true}
      %dma_wait3A_235 = arith.constant 0 : i32
      %dma_wait3A_236 = arith.constant 0 : i32
      %dma_wait3A_237 = tpu.memref_slice %arg9[%run_scoped3A_211, %dma_wait3A_235, %dma_wait3A_236] : memref<5x100x64xf32, #tpu.memory_space<vmem>> -> memref<1x100x64xf32, #tpu.memory_space<vmem>>
      %dma_wait3A_238 = tpu.memref_squeeze %dma_wait3A_237 : memref<1x100x64xf32, #tpu.memory_space<vmem>> -> memref<100x64xf32, #tpu.memory_space<vmem>>
      %dma_wait3A_239 = arith.constant 0 : i32
      %dma_wait3A_240 = tpu.memref_slice %arg8[%run_scoped3A_212, %dma_wait3A_239] : memref<200x100xi32, #tpu.memory_space<vmem>> -> memref<1x100xi32, #tpu.memory_space<vmem>>
      %dma_wait3A_241 = tpu.memref_squeeze %dma_wait3A_240 : memref<1x100xi32, #tpu.memory_space<vmem>> -> memref<100xi32, #tpu.memory_space<vmem>>
      %dma_wait3A_242 = arith.constant 0 : i32
      %dma_wait3A_243 = arith.constant 0 : i32
      %dma_wait3A_244 = tpu.memref_slice %arg10[%dma_wait3A_242, %dma_wait3A_243] : memref<10008x64xf32, #tpu.memory_space<vmem_shared>> -> memref<10008x64xf32, #tpu.memory_space<vmem_shared>>
      tpu.wait_indirect_dma semaphore(%run_scoped3A_224 : memref<!tpu.dma_semaphore, #tpu.memory_space<semaphore_mem>>) src(%dma_wait3A_238 : memref<100x64xf32, #tpu.memory_space<vmem>>) dst(%dma_wait3A_244 : memref<10008x64xf32, #tpu.memory_space<vmem_shared>>)
      tpu.yield
    }) : () -> ()
    %barrier3A_213 = arith.constant 0 : index
    tpu.barrier barrier_id(%barrier3A_213)
    %lt3A_214 = arith.constant 15 : i32
    %lt3A_215 = arith.cmpi slt, %arg1, %lt3A_214 : i32
    %convert_element_type3A_216 = arith.extui %lt3A_215 : i1 to i32
    %cond3A_217 = arith.constant 0 : i32
    %cond3A_218 = arith.cmpi ne, %convert_element_type3A_216, %cond3A_217 : i32
    scf.if %cond3A_218 {
      %mul3A = arith.constant 640 : i32
      %mul3A_224 = arith.muli %arg1, %mul3A : i32
      %mul3A_225 = arith.constant 640 : i32
      %mul3A_226 = arith.muli %arg1, %mul3A_225 : i32
      "tpu.region"() ({
        %run_scoped3A_227 = tpu.sem_alloc : memref<!tpu.dma_semaphore, #tpu.memory_space<semaphore_mem>>
        %dma_start3A_228 = arith.constant 0 : i32
        %dma_start3A_229 = tpu.memref_slice %arg6[%arg0, %mul3A_226, %dma_start3A_228] : memref<2x10000x64xf32, #tpu.memory_space<hbm>> -> memref<1x640x64xf32, #tpu.memory_space<hbm>>
        %dma_start3A_230 = tpu.memref_squeeze %dma_start3A_229 : memref<1x640x64xf32, #tpu.memory_space<hbm>> -> memref<640x64xf32, #tpu.memory_space<hbm>>
        %dma_start3A_231 = arith.constant 0 : i32
        %dma_start3A_232 = tpu.memref_slice %arg10[%mul3A_224, %dma_start3A_231] : memref<10008x64xf32, #tpu.memory_space<vmem_shared>> -> memref<640x64xf32, #tpu.memory_space<vmem_shared>>
        tpu.enqueue_dma source(%dma_start3A_232 : memref<640x64xf32, #tpu.memory_space<vmem_shared>>) target(%dma_start3A_230 : memref<640x64xf32, #tpu.memory_space<hbm>>) target_semaphore(%run_scoped3A_227 : memref<!tpu.dma_semaphore, #tpu.memory_space<semaphore_mem>>)
        %dma_wait3A_233 = arith.constant 0 : i32
        %dma_wait3A_234 = tpu.memref_slice %arg6[%arg0, %mul3A_226, %dma_wait3A_233] : memref<2x10000x64xf32, #tpu.memory_space<hbm>> -> memref<1x640x64xf32, #tpu.memory_space<hbm>>
        %dma_wait3A_235 = tpu.memref_squeeze %dma_wait3A_234 : memref<1x640x64xf32, #tpu.memory_space<hbm>> -> memref<640x64xf32, #tpu.memory_space<hbm>>
        %dma_wait3A_236 = arith.constant 0 : i32
        %dma_wait3A_237 = tpu.memref_slice %arg10[%mul3A_224, %dma_wait3A_236] : memref<10008x64xf32, #tpu.memory_space<vmem_shared>> -> memref<640x64xf32, #tpu.memory_space<vmem_shared>>
        tpu.wait_dma2 semaphore(%run_scoped3A_227 : memref<!tpu.dma_semaphore, #tpu.memory_space<semaphore_mem>>) src(%dma_wait3A_237 : memref<640x64xf32, #tpu.memory_space<vmem_shared>>) dst(%dma_wait3A_235 : memref<640x64xf32, #tpu.memory_space<hbm>>)
        tpu.yield
      }) : () -> ()
    } else {
    }
    %eq3A_219 = arith.constant 15 : i32
    %eq3A_220 = arith.cmpi eq, %arg1, %eq3A_219 : i32
    %convert_element_type3A_221 = arith.extui %eq3A_220 : i1 to i32
    %cond3A_222 = arith.constant 0 : i32
    %cond3A_223 = arith.cmpi ne, %convert_element_type3A_221, %cond3A_222 : i32
    scf.if %cond3A_223 {
      "tpu.region"() ({
        %run_scoped3A_224 = tpu.sem_alloc : memref<!tpu.dma_semaphore, #tpu.memory_space<semaphore_mem>>
        %dma_start3A_225 = arith.constant 9600 : i32
        %dma_start3A_226 = arith.constant 0 : i32
        %dma_start3A_227 = tpu.memref_slice %arg6[%arg0, %dma_start3A_225, %dma_start3A_226] : memref<2x10000x64xf32, #tpu.memory_space<hbm>> -> memref<1x400x64xf32, #tpu.memory_space<hbm>>
        %dma_start3A_228 = tpu.memref_squeeze %dma_start3A_227 : memref<1x400x64xf32, #tpu.memory_space<hbm>> -> memref<400x64xf32, #tpu.memory_space<hbm>>
        %dma_start3A_229 = arith.constant 9600 : i32
        %dma_start3A_230 = arith.constant 0 : i32
        %dma_start3A_231 = tpu.memref_slice %arg10[%dma_start3A_229, %dma_start3A_230] : memref<10008x64xf32, #tpu.memory_space<vmem_shared>> -> memref<400x64xf32, #tpu.memory_space<vmem_shared>>
        tpu.enqueue_dma source(%dma_start3A_231 : memref<400x64xf32, #tpu.memory_space<vmem_shared>>) target(%dma_start3A_228 : memref<400x64xf32, #tpu.memory_space<hbm>>) target_semaphore(%run_scoped3A_224 : memref<!tpu.dma_semaphore, #tpu.memory_space<semaphore_mem>>)
        %dma_wait3A_232 = arith.constant 9600 : i32
        %dma_wait3A_233 = arith.constant 0 : i32
        %dma_wait3A_234 = tpu.memref_slice %arg6[%arg0, %dma_wait3A_232, %dma_wait3A_233] : memref<2x10000x64xf32, #tpu.memory_space<hbm>> -> memref<1x400x64xf32, #tpu.memory_space<hbm>>
        %dma_wait3A_235 = tpu.memref_squeeze %dma_wait3A_234 : memref<1x400x64xf32, #tpu.memory_space<hbm>> -> memref<400x64xf32, #tpu.memory_space<hbm>>
        %dma_wait3A_236 = arith.constant 9600 : i32
        %dma_wait3A_237 = arith.constant 0 : i32
        %dma_wait3A_238 = tpu.memref_slice %arg10[%dma_wait3A_236, %dma_wait3A_237] : memref<10008x64xf32, #tpu.memory_space<vmem_shared>> -> memref<400x64xf32, #tpu.memory_space<vmem_shared>>
        tpu.wait_dma2 semaphore(%run_scoped3A_224 : memref<!tpu.dma_semaphore, #tpu.memory_space<semaphore_mem>>) src(%dma_wait3A_238 : memref<400x64xf32, #tpu.memory_space<vmem_shared>>) dst(%dma_wait3A_235 : memref<400x64xf32, #tpu.memory_space<hbm>>)
        tpu.yield
      }) : () -> ()
    } else {
    }
    return
  }
}

module attributes {stable_mosaic.version = 14 : i64} {
  func.func @_b_body(%arg0: i32, %arg1: memref<2x2000x16xf32, #tpu.memory_space<vmem>>, %arg2: memref<2000x128xf32, #tpu.memory_space<vmem>>, %arg3: memref<128x128xf32, #tpu.memory_space<vmem>>, %arg4: memref<2x2000x64xf32, #tpu.memory_space<vmem>>, %arg5: memref<2000x1xf32, #tpu.memory_space<vmem>>) attributes {dimension_semantics = [#tpu.dimension_semantics<arbitrary>], iteration_bounds = array<i64: 5>, scalar_prefetch = 0 : i64, scratch_operands = 0 : i64, tpu.core_type = #tpu.core_type<tc>, window_params = [{transform_indices = @transform_0, window_bounds = array<i64: 2, 2000, 16>}, {transform_indices = @transform_1, window_bounds = array<i64: 2000, 128>}, {pipeline_mode = #tpu.pipeline_mode<synchronous>, transform_indices = @transform_2, window_bounds = array<i64: 128, 128>}, {transform_indices = @transform_3, window_bounds = array<i64: 2, 2000, 64>}, {transform_indices = @transform_4, window_bounds = array<i64: 2000, 1>}]} {
    %get3A = arith.constant 0 : index
    %get3A_0 = arith.constant 0 : index
    %get3A_1 = arith.constant 0 : index
    %get3A_2 = vector.load %arg1[%get3A, %get3A_0, %get3A_1] : memref<2x2000x16xf32, #tpu.memory_space<vmem>>, vector<1x2000x16xf32>
    %get3A_3 = vector.shape_cast %get3A_2 : vector<1x2000x16xf32> to vector<2000x16xf32>
    %slice3A = vector.extract_strided_slice %get3A_3 {offsets = [0, 0], sizes = [2000, 1], strides = [1, 1]} : vector<2000x16xf32> to vector<2000x1xf32>
    %get3A_4 = arith.constant 1 : index
    %get3A_5 = arith.constant 0 : index
    %get3A_6 = arith.constant 0 : index
    %get3A_7 = vector.load %arg1[%get3A_4, %get3A_5, %get3A_6] : memref<2x2000x16xf32, #tpu.memory_space<vmem>>, vector<1x2000x16xf32>
    %get3A_8 = vector.shape_cast %get3A_7 : vector<1x2000x16xf32> to vector<2000x16xf32>
    %slice3A_9 = vector.extract_strided_slice %get3A_8 {offsets = [0, 0], sizes = [2000, 1], strides = [1, 1]} : vector<2000x16xf32> to vector<2000x1xf32>
    %add3A = arith.addf %slice3A, %slice3A_9 : vector<2000x1xf32>
    %add3A_10 = arith.constant 1.000000e+00 : f32
    %add3A_11 = vector.broadcast %add3A_10 : f32 to vector<2000x1xf32>
    %add3A_12 = arith.addf %add3A, %add3A_11 : vector<2000x1xf32>
    %rsqrt3A = math.rsqrt %add3A_12 : vector<2000x1xf32>
    %get3A_13 = arith.constant 0 : index
    %get3A_14 = arith.constant 0 : index
    %get3A_15 = vector.load %arg2[%get3A_13, %get3A_14] : memref<2000x128xf32, #tpu.memory_space<vmem>>, vector<2000x128xf32>
    %get3A_16 = arith.constant 0 : index
    %get3A_17 = arith.constant 0 : index
    %get3A_18 = vector.load %arg3[%get3A_16, %get3A_17] : memref<128x128xf32, #tpu.memory_space<vmem>>, vector<128x128xf32>
    %dot_general3A = arith.constant dense<0.000000e+00> : vector<2000x128xf32>
    %dot_general3A_19 = tpu.matmul %get3A_15, %get3A_18, %dot_general3A {dimension_numbers = #tpu.dot_dimension_numbers<[1], [0], [0], [1], [0, 0, 1, 1], [], []>, transpose_lhs_hint = false} : vector<2000x128xf32>, vector<128x128xf32>, vector<2000x128xf32> -> vector<2000x128xf32>
    %mul3A = vector.broadcast %rsqrt3A : vector<2000x1xf32> to vector<2000x128xf32>
    %mul3A_20 = arith.mulf %dot_general3A_19, %mul3A : vector<2000x128xf32>
    %slice3A_21 = vector.extract_strided_slice %mul3A_20 {offsets = [0, 0], sizes = [2000, 64], strides = [1, 1]} : vector<2000x128xf32> to vector<2000x64xf32>
    %swap3A = arith.constant 0 : index
    %swap3A_22 = arith.constant 0 : index
    %swap3A_23 = arith.constant 0 : index
    %swap3A_24 = vector.load %arg4[%swap3A, %swap3A_22, %swap3A_23] : memref<2x2000x64xf32, #tpu.memory_space<vmem>>, vector<1x2000x64xf32>
    %swap3A_25 = vector.shape_cast %swap3A_24 : vector<1x2000x64xf32> to vector<2000x64xf32>
    %swap3A_26 = vector.shape_cast %slice3A_21 : vector<2000x64xf32> to vector<1x2000x64xf32>
    tpu.vector_store %arg4[%swap3A, %swap3A_22, %swap3A_23], %swap3A_26 {strides = array<i32>} : memref<2x2000x64xf32, #tpu.memory_space<vmem>>, vector<1x2000x64xf32>,
    %slice3A_27 = vector.extract_strided_slice %mul3A_20 {offsets = [0, 64], sizes = [2000, 64], strides = [1, 1]} : vector<2000x128xf32> to vector<2000x64xf32>
    %swap3A_28 = arith.constant 1 : index
    %swap3A_29 = arith.constant 0 : index
    %swap3A_30 = arith.constant 0 : index
    %swap3A_31 = vector.load %arg4[%swap3A_28, %swap3A_29, %swap3A_30] : memref<2x2000x64xf32, #tpu.memory_space<vmem>>, vector<1x2000x64xf32>
    %swap3A_32 = vector.shape_cast %swap3A_31 : vector<1x2000x64xf32> to vector<2000x64xf32>
    %swap3A_33 = vector.shape_cast %slice3A_27 : vector<2000x64xf32> to vector<1x2000x64xf32>
    tpu.vector_store %arg4[%swap3A_28, %swap3A_29, %swap3A_30], %swap3A_33 {strides = array<i32>} : memref<2x2000x64xf32, #tpu.memory_space<vmem>>, vector<1x2000x64xf32>,
    %swap3A_34 = arith.constant 0 : index
    %swap3A_35 = arith.constant 0 : index
    %swap3A_36 = vector.load %arg5[%swap3A_34, %swap3A_35] : memref<2000x1xf32, #tpu.memory_space<vmem>>, vector<2000x1xf32>
    tpu.vector_store %arg5[%swap3A_34, %swap3A_35], %rsqrt3A {strides = array<i32>} : memref<2000x1xf32, #tpu.memory_space<vmem>>, vector<2000x1xf32>,
    return
  }
  func.func @transform_0(%arg0: i32) -> (i32, i32, i32) {
    %c0_i32 = arith.constant 0 : i32
    %c0_i32_0 = arith.constant 0 : i32
    %c0_i32_1 = arith.constant 0 : i32
    return %c0_i32, %arg0, %c0_i32_0 : i32, i32, i32
  }
  func.func @transform_1(%arg0: i32) -> (i32, i32) {
    %c0_i32 = arith.constant 0 : i32
    %c0_i32_0 = arith.constant 0 : i32
    return %arg0, %c0_i32 : i32, i32
  }
  func.func @transform_2(%arg0: i32) -> (i32, i32) {
    %c0_i32 = arith.constant 0 : i32
    %c0_i32_0 = arith.constant 0 : i32
    %c0_i32_1 = arith.constant 0 : i32
    return %c0_i32, %c0_i32_0 : i32, i32
  }
  func.func @transform_3(%arg0: i32) -> (i32, i32, i32) {
    %c0_i32 = arith.constant 0 : i32
    %c0_i32_0 = arith.constant 0 : i32
    %c0_i32_1 = arith.constant 0 : i32
    return %c0_i32, %arg0, %c0_i32_0 : i32, i32, i32
  }
  func.func @transform_4(%arg0: i32) -> (i32, i32) {
    %c0_i32 = arith.constant 0 : i32
    %c0_i32_0 = arith.constant 0 : i32
    return %arg0, %c0_i32 : i32, i32
  }
}

module attributes {stable_mosaic.version = 14 : i64} {
  func.func @_d_body(%arg0: i32, %arg1: memref<2x2000x64xf32, #tpu.memory_space<vmem>>, %arg2: memref<2x2000x64xf32, #tpu.memory_space<vmem>>, %arg3: memref<2000x1xf32, #tpu.memory_space<vmem>>, %arg4: memref<1x128xf32, #tpu.memory_space<vmem>>, %arg5: memref<128x128xf32, #tpu.memory_space<vmem>>, %arg6: memref<2x2000x64xf32, #tpu.memory_space<vmem>>) attributes {dimension_semantics = [#tpu.dimension_semantics<arbitrary>], iteration_bounds = array<i64: 5>, scalar_prefetch = 0 : i64, scratch_operands = 0 : i64, tpu.core_type = #tpu.core_type<tc>, window_params = [{transform_indices = @transform_0, window_bounds = array<i64: 2, 2000, 64>}, {transform_indices = @transform_1, window_bounds = array<i64: 2, 2000, 64>}, {transform_indices = @transform_2, window_bounds = array<i64: 2000, 1>}, {pipeline_mode = #tpu.pipeline_mode<synchronous>, transform_indices = @transform_3, window_bounds = array<i64: 1, 128>}, {pipeline_mode = #tpu.pipeline_mode<synchronous>, transform_indices = @transform_4, window_bounds = array<i64: 128, 128>}, {transform_indices = @transform_5, window_bounds = array<i64: 2, 2000, 64>}]} {
    %get3A = arith.constant 0 : index
    %get3A_0 = arith.constant 0 : index
    %get3A_1 = arith.constant 0 : index
    %get3A_2 = vector.load %arg1[%get3A, %get3A_0, %get3A_1] : memref<2x2000x64xf32, #tpu.memory_space<vmem>>, vector<1x2000x64xf32>
    %get3A_3 = vector.shape_cast %get3A_2 : vector<1x2000x64xf32> to vector<2000x64xf32>
    %get3A_4 = arith.constant 0 : index
    %get3A_5 = arith.constant 0 : index
    %get3A_6 = arith.constant 0 : index
    %get3A_7 = vector.load %arg2[%get3A_4, %get3A_5, %get3A_6] : memref<2x2000x64xf32, #tpu.memory_space<vmem>>, vector<1x2000x64xf32>
    %get3A_8 = vector.shape_cast %get3A_7 : vector<1x2000x64xf32> to vector<2000x64xf32>
    %add3A = arith.addf %get3A_3, %get3A_8 : vector<2000x64xf32>
    %get3A_9 = arith.constant 1 : index
    %get3A_10 = arith.constant 0 : index
    %get3A_11 = arith.constant 0 : index
    %get3A_12 = vector.load %arg1[%get3A_9, %get3A_10, %get3A_11] : memref<2x2000x64xf32, #tpu.memory_space<vmem>>, vector<1x2000x64xf32>
    %get3A_13 = vector.shape_cast %get3A_12 : vector<1x2000x64xf32> to vector<2000x64xf32>
    %get3A_14 = arith.constant 1 : index
    %get3A_15 = arith.constant 0 : index
    %get3A_16 = arith.constant 0 : index
    %get3A_17 = vector.load %arg2[%get3A_14, %get3A_15, %get3A_16] : memref<2x2000x64xf32, #tpu.memory_space<vmem>>, vector<1x2000x64xf32>
    %get3A_18 = vector.shape_cast %get3A_17 : vector<1x2000x64xf32> to vector<2000x64xf32>
    %add3A_19 = arith.addf %get3A_13, %get3A_18 : vector<2000x64xf32>
    %concatenate3A = tpu.concatenate %add3A, %add3A_19 in 1 : vector<2000x64xf32>, vector<2000x64xf32> -> vector<2000x128xf32>
    %get3A_20 = arith.constant 0 : index
    %get3A_21 = arith.constant 0 : index
    %get3A_22 = vector.load %arg3[%get3A_20, %get3A_21] : memref<2000x1xf32, #tpu.memory_space<vmem>>, vector<2000x1xf32>
    %mul3A = vector.broadcast %get3A_22 : vector<2000x1xf32> to vector<2000x128xf32>
    %mul3A_23 = arith.mulf %mul3A, %concatenate3A : vector<2000x128xf32>
    %get3A_24 = arith.constant 0 : index
    %get3A_25 = arith.constant 0 : index
    %get3A_26 = vector.load %arg4[%get3A_24, %get3A_25] : memref<1x128xf32, #tpu.memory_space<vmem>>, vector<1x128xf32>
    %add3A_27 = vector.broadcast %get3A_26 : vector<1x128xf32> to vector<2000x128xf32>
    %add3A_28 = arith.addf %mul3A_23, %add3A_27 : vector<2000x128xf32>
    %max3A = arith.constant 0.000000e+00 : f32
    %max3A_29 = vector.broadcast %max3A : f32 to vector<2000x128xf32>
    %max3A_30 = arith.maximumf %add3A_28, %max3A_29 : vector<2000x128xf32>
    %get3A_31 = arith.constant 0 : index
    %get3A_32 = arith.constant 0 : index
    %get3A_33 = vector.load %arg5[%get3A_31, %get3A_32] : memref<128x128xf32, #tpu.memory_space<vmem>>, vector<128x128xf32>
    %dot_general3A = arith.constant dense<0.000000e+00> : vector<2000x128xf32>
    %dot_general3A_34 = tpu.matmul %max3A_30, %get3A_33, %dot_general3A {dimension_numbers = #tpu.dot_dimension_numbers<[1], [0], [0], [1], [0, 0, 1, 1], [], []>, transpose_lhs_hint = false} : vector<2000x128xf32>, vector<128x128xf32>, vector<2000x128xf32> -> vector<2000x128xf32>
    %get3A_35 = arith.constant 0 : index
    %get3A_36 = arith.constant 0 : index
    %get3A_37 = vector.load %arg3[%get3A_35, %get3A_36] : memref<2000x1xf32, #tpu.memory_space<vmem>>, vector<2000x1xf32>
    %mul3A_38 = vector.broadcast %get3A_37 : vector<2000x1xf32> to vector<2000x128xf32>
    %mul3A_39 = arith.mulf %dot_general3A_34, %mul3A_38 : vector<2000x128xf32>
    %slice3A = vector.extract_strided_slice %mul3A_39 {offsets = [0, 0], sizes = [2000, 64], strides = [1, 1]} : vector<2000x128xf32> to vector<2000x64xf32>
    %swap3A = arith.constant 0 : index
    %swap3A_40 = arith.constant 0 : index
    %swap3A_41 = arith.constant 0 : index
    %swap3A_42 = vector.load %arg6[%swap3A, %swap3A_40, %swap3A_41] : memref<2x2000x64xf32, #tpu.memory_space<vmem>>, vector<1x2000x64xf32>
    %swap3A_43 = vector.shape_cast %swap3A_42 : vector<1x2000x64xf32> to vector<2000x64xf32>
    %swap3A_44 = vector.shape_cast %slice3A : vector<2000x64xf32> to vector<1x2000x64xf32>
    tpu.vector_store %arg6[%swap3A, %swap3A_40, %swap3A_41], %swap3A_44 {strides = array<i32>} : memref<2x2000x64xf32, #tpu.memory_space<vmem>>, vector<1x2000x64xf32>,
    %slice3A_45 = vector.extract_strided_slice %mul3A_39 {offsets = [0, 64], sizes = [2000, 64], strides = [1, 1]} : vector<2000x128xf32> to vector<2000x64xf32>
    %swap3A_46 = arith.constant 1 : index
    %swap3A_47 = arith.constant 0 : index
    %swap3A_48 = arith.constant 0 : index
    %swap3A_49 = vector.load %arg6[%swap3A_46, %swap3A_47, %swap3A_48] : memref<2x2000x64xf32, #tpu.memory_space<vmem>>, vector<1x2000x64xf32>
    %swap3A_50 = vector.shape_cast %swap3A_49 : vector<1x2000x64xf32> to vector<2000x64xf32>
    %swap3A_51 = vector.shape_cast %slice3A_45 : vector<2000x64xf32> to vector<1x2000x64xf32>
    tpu.vector_store %arg6[%swap3A_46, %swap3A_47, %swap3A_48], %swap3A_51 {strides = array<i32>} : memref<2x2000x64xf32, #tpu.memory_space<vmem>>, vector<1x2000x64xf32>,
    return
  }
  func.func @transform_0(%arg0: i32) -> (i32, i32, i32) {
    %c0_i32 = arith.constant 0 : i32
    %c0_i32_0 = arith.constant 0 : i32
    %c0_i32_1 = arith.constant 0 : i32
    return %c0_i32, %arg0, %c0_i32_0 : i32, i32, i32
  }
  func.func @transform_1(%arg0: i32) -> (i32, i32, i32) {
    %c0_i32 = arith.constant 0 : i32
    %c0_i32_0 = arith.constant 0 : i32
    %c0_i32_1 = arith.constant 0 : i32
    return %c0_i32, %arg0, %c0_i32_0 : i32, i32, i32
  }
  func.func @transform_2(%arg0: i32) -> (i32, i32) {
    %c0_i32 = arith.constant 0 : i32
    %c0_i32_0 = arith.constant 0 : i32
    return %arg0, %c0_i32 : i32, i32
  }
  func.func @transform_3(%arg0: i32) -> (i32, i32) {
    %c0_i32 = arith.constant 0 : i32
    %c0_i32_0 = arith.constant 0 : i32
    %c0_i32_1 = arith.constant 0 : i32
    return %c0_i32, %c0_i32_0 : i32, i32
  }
  func.func @transform_4(%arg0: i32) -> (i32, i32) {
    %c0_i32 = arith.constant 0 : i32
    %c0_i32_0 = arith.constant 0 : i32
    %c0_i32_1 = arith.constant 0 : i32
    return %c0_i32, %c0_i32_0 : i32, i32
  }
  func.func @transform_5(%arg0: i32) -> (i32, i32, i32) {
    %c0_i32 = arith.constant 0 : i32
    %c0_i32_0 = arith.constant 0 : i32
    %c0_i32_1 = arith.constant 0 : i32
    return %c0_i32, %arg0, %c0_i32_0 : i32, i32, i32
  }
}

module attributes {stable_mosaic.version = 14 : i64} {
  func.func @_e_body(%arg0: i32, %arg1: memref<2x2000x64xf32, #tpu.memory_space<vmem>>, %arg2: memref<2x2000x64xf32, #tpu.memory_space<vmem>>, %arg3: memref<2000x1xf32, #tpu.memory_space<vmem>>, %arg4: memref<1x128xf32, #tpu.memory_space<vmem>>, %arg5: memref<1x1x2000xi32, #tpu.memory_space<vmem>>, %arg6: memref<128x128xf32, #tpu.memory_space<vmem>>, %arg7: memref<1x128xf32, #tpu.memory_space<vmem>>, %arg8: memref<128x32xf32, #tpu.memory_space<vmem>>, %arg9: memref<1x32xf32, #tpu.memory_space<vmem>>, %arg10: memref<64x32xf32, #tpu.memory_space<vmem>>, %arg11: memref<64x128xf32, #tpu.memory_space<vmem>>, %arg12: memref<64x1xf32, #tpu.memory_space<vmem>>) attributes {dimension_semantics = [#tpu.dimension_semantics<arbitrary>], iteration_bounds = array<i64: 5>, scalar_prefetch = 0 : i64, scratch_operands = 2 : i64, tpu.core_type = #tpu.core_type<tc>, window_params = [{transform_indices = @transform_0, window_bounds = array<i64: 2, 2000, 64>}, {transform_indices = @transform_1, window_bounds = array<i64: 2, 2000, 64>}, {transform_indices = @transform_2, window_bounds = array<i64: 2000, 1>}, {pipeline_mode = #tpu.pipeline_mode<synchronous>, transform_indices = @transform_3, window_bounds = array<i64: 1, 128>}, {transform_indices = @transform_4, window_bounds = array<i64: 1, 1, 2000>}, {pipeline_mode = #tpu.pipeline_mode<synchronous>, transform_indices = @transform_5, window_bounds = array<i64: 128, 128>}, {pipeline_mode = #tpu.pipeline_mode<synchronous>, transform_indices = @transform_6, window_bounds = array<i64: 1, 128>}, {pipeline_mode = #tpu.pipeline_mode<synchronous>, transform_indices = @transform_7, window_bounds = array<i64: 128, 32>}, {pipeline_mode = #tpu.pipeline_mode<synchronous>, transform_indices = @transform_8, window_bounds = array<i64: 1, 32>}, {pipeline_mode = #tpu.pipeline_mode<synchronous>, transform_indices = @transform_9, window_bounds = array<i64: 64, 32>}]} {
    %get3A = arith.constant 0 : index
    %get3A_0 = arith.constant 0 : index
    %get3A_1 = arith.constant 0 : index
    %get3A_2 = vector.load %arg1[%get3A, %get3A_0, %get3A_1] : memref<2x2000x64xf32, #tpu.memory_space<vmem>>, vector<1x2000x64xf32>
    %get3A_3 = vector.shape_cast %get3A_2 : vector<1x2000x64xf32> to vector<2000x64xf32>
    %get3A_4 = arith.constant 0 : index
    %get3A_5 = arith.constant 0 : index
    %get3A_6 = arith.constant 0 : index
    %get3A_7 = vector.load %arg2[%get3A_4, %get3A_5, %get3A_6] : memref<2x2000x64xf32, #tpu.memory_space<vmem>>, vector<1x2000x64xf32>
    %get3A_8 = vector.shape_cast %get3A_7 : vector<1x2000x64xf32> to vector<2000x64xf32>
    %add3A = arith.addf %get3A_3, %get3A_8 : vector<2000x64xf32>
    %get3A_9 = arith.constant 1 : index
    %get3A_10 = arith.constant 0 : index
    %get3A_11 = arith.constant 0 : index
    %get3A_12 = vector.load %arg1[%get3A_9, %get3A_10, %get3A_11] : memref<2x2000x64xf32, #tpu.memory_space<vmem>>, vector<1x2000x64xf32>
    %get3A_13 = vector.shape_cast %get3A_12 : vector<1x2000x64xf32> to vector<2000x64xf32>
    %get3A_14 = arith.constant 1 : index
    %get3A_15 = arith.constant 0 : index
    %get3A_16 = arith.constant 0 : index
    %get3A_17 = vector.load %arg2[%get3A_14, %get3A_15, %get3A_16] : memref<2x2000x64xf32, #tpu.memory_space<vmem>>, vector<1x2000x64xf32>
    %get3A_18 = vector.shape_cast %get3A_17 : vector<1x2000x64xf32> to vector<2000x64xf32>
    %add3A_19 = arith.addf %get3A_13, %get3A_18 : vector<2000x64xf32>
    %concatenate3A = tpu.concatenate %add3A, %add3A_19 in 1 : vector<2000x64xf32>, vector<2000x64xf32> -> vector<2000x128xf32>
    %get3A_20 = arith.constant 0 : index
    %get3A_21 = arith.constant 0 : index
    %get3A_22 = vector.load %arg3[%get3A_20, %get3A_21] : memref<2000x1xf32, #tpu.memory_space<vmem>>, vector<2000x1xf32>
    %mul3A = vector.broadcast %get3A_22 : vector<2000x1xf32> to vector<2000x128xf32>
    %mul3A_23 = arith.mulf %mul3A, %concatenate3A : vector<2000x128xf32>
    %get3A_24 = arith.constant 0 : index
    %get3A_25 = arith.constant 0 : index
    %get3A_26 = vector.load %arg4[%get3A_24, %get3A_25] : memref<1x128xf32, #tpu.memory_space<vmem>>, vector<1x128xf32>
    %add3A_27 = vector.broadcast %get3A_26 : vector<1x128xf32> to vector<2000x128xf32>
    %add3A_28 = arith.addf %mul3A_23, %add3A_27 : vector<2000x128xf32>
    %max3A = arith.constant 0.000000e+00 : f32
    %max3A_29 = vector.broadcast %max3A : f32 to vector<2000x128xf32>
    %max3A_30 = arith.maximumf %add3A_28, %max3A_29 : vector<2000x128xf32>
    %get3A_31 = arith.constant 0 : index
    %get3A_32 = arith.constant 0 : index
    %get3A_33 = arith.constant 0 : index
    %get3A_34 = vector.load %arg5[%get3A_31, %get3A_32, %get3A_33] : memref<1x1x2000xi32, #tpu.memory_space<vmem>>, vector<1x1x2000xi32>
    %get3A_35 = vector.shape_cast %get3A_34 : vector<1x1x2000xi32> to vector<1x2000xi32>
    %iota3A = tpu.iota {dimensions = array<i32: 0>} : vector<64x2000xi32>
    %eq3A = vector.broadcast %get3A_35 : vector<1x2000xi32> to vector<64x2000xi32>
    %eq3A_36 = arith.cmpi eq, %iota3A, %eq3A : vector<64x2000xi32>
    %convert_element_type3A = arith.extui %eq3A_36 : vector<64x2000xi1> to vector<64x2000xi32>
    %convert_element_type3A_37 = arith.sitofp %convert_element_type3A : vector<64x2000xi32> to vector<64x2000xf32>
    %dot_general3A = arith.constant dense<0.000000e+00> : vector<64x128xf32>
    %dot_general3A_38 = tpu.matmul %convert_element_type3A_37, %max3A_30, %dot_general3A {dimension_numbers = #tpu.dot_dimension_numbers<[1], [0], [0], [1], [0, 0, 1, 1], [], []>, transpose_lhs_hint = false} : vector<64x2000xf32>, vector<2000x128xf32>, vector<64x128xf32> -> vector<64x128xf32>
    %reduce_sum3A = arith.constant dense<0.000000e+00> : vector<64xf32>
    %reduce_sum3A_39 = vector.multi_reduction <add>, %convert_element_type3A_37, %reduce_sum3A [1] : vector<64x2000xf32> to vector<64xf32>
    %broadcast_in_dim3A = vector.shape_cast %reduce_sum3A_39 : vector<64xf32> to vector<64x1xf32>
    %eq3A_40 = arith.constant 0 : i32
    %eq3A_41 = arith.cmpi eq, %arg0, %eq3A_40 : i32
    %convert_element_type3A_42 = arith.extui %eq3A_41 : i1 to i32
    %cond3A = arith.constant 0 : i32
    %cond3A_43 = arith.cmpi ne, %convert_element_type3A_42, %cond3A : i32
    scf.if %cond3A_43 {
      %swap3A = arith.constant 0 : index
      %swap3A_53 = arith.constant 0 : index
      %swap3A_54 = vector.load %arg11[%swap3A, %swap3A_53] : memref<64x128xf32, #tpu.memory_space<vmem>>, vector<64x128xf32>
      tpu.vector_store %arg11[%swap3A, %swap3A_53], %dot_general3A_38 {strides = array<i32>} : memref<64x128xf32, #tpu.memory_space<vmem>>, vector<64x128xf32>,
      %swap3A_55 = arith.constant 0 : index
      %swap3A_56 = arith.constant 0 : index
      %swap3A_57 = vector.load %arg12[%swap3A_55, %swap3A_56] : memref<64x1xf32, #tpu.memory_space<vmem>>, vector<64x1xf32>
      tpu.vector_store %arg12[%swap3A_55, %swap3A_56], %broadcast_in_dim3A {strides = array<i32>} : memref<64x1xf32, #tpu.memory_space<vmem>>, vector<64x1xf32>,
    } else {
    }
    %gt3A = arith.constant 0 : i32
    %gt3A_44 = arith.cmpi sgt, %arg0, %gt3A : i32
    %convert_element_type3A_45 = arith.extui %gt3A_44 : i1 to i32
    %cond3A_46 = arith.constant 0 : i32
    %cond3A_47 = arith.cmpi ne, %convert_element_type3A_45, %cond3A_46 : i32
    scf.if %cond3A_47 {
      %get3A_53 = arith.constant 0 : index
      %get3A_54 = arith.constant 0 : index
      %get3A_55 = vector.load %arg11[%get3A_53, %get3A_54] : memref<64x128xf32, #tpu.memory_space<vmem>>, vector<64x128xf32>
      %add3A_56 = arith.addf %get3A_55, %dot_general3A_38 : vector<64x128xf32>
      %swap3A = arith.constant 0 : index
      %swap3A_57 = arith.constant 0 : index
      %swap3A_58 = vector.load %arg11[%swap3A, %swap3A_57] : memref<64x128xf32, #tpu.memory_space<vmem>>, vector<64x128xf32>
      tpu.vector_store %arg11[%swap3A, %swap3A_57], %add3A_56 {strides = array<i32>} : memref<64x128xf32, #tpu.memory_space<vmem>>, vector<64x128xf32>,
      %get3A_59 = arith.constant 0 : index
      %get3A_60 = arith.constant 0 : index
      %get3A_61 = vector.load %arg12[%get3A_59, %get3A_60] : memref<64x1xf32, #tpu.memory_space<vmem>>, vector<64x1xf32>
      %add3A_62 = arith.addf %get3A_61, %broadcast_in_dim3A : vector<64x1xf32>
      %swap3A_63 = arith.constant 0 : index
      %swap3A_64 = arith.constant 0 : index
      %swap3A_65 = vector.load %arg12[%swap3A_63, %swap3A_64] : memref<64x1xf32, #tpu.memory_space<vmem>>, vector<64x1xf32>
      tpu.vector_store %arg12[%swap3A_63, %swap3A_64], %add3A_62 {strides = array<i32>} : memref<64x1xf32, #tpu.memory_space<vmem>>, vector<64x1xf32>,
    } else {
    }
    %eq3A_48 = arith.constant 4 : i32
    %eq3A_49 = arith.cmpi eq, %arg0, %eq3A_48 : i32
    %convert_element_type3A_50 = arith.extui %eq3A_49 : i1 to i32
    %cond3A_51 = arith.constant 0 : i32
    %cond3A_52 = arith.cmpi ne, %convert_element_type3A_50, %cond3A_51 : i32
    scf.if %cond3A_52 {
      %get3A_53 = arith.constant 0 : index
      %get3A_54 = arith.constant 0 : index
      %get3A_55 = vector.load %arg11[%get3A_53, %get3A_54] : memref<64x128xf32, #tpu.memory_space<vmem>>, vector<64x128xf32>
      %get3A_56 = arith.constant 0 : index
      %get3A_57 = arith.constant 0 : index
      %get3A_58 = vector.load %arg12[%get3A_56, %get3A_57] : memref<64x1xf32, #tpu.memory_space<vmem>>, vector<64x1xf32>
      %max3A_59 = arith.constant 1.000000e+00 : f32
      %max3A_60 = vector.broadcast %max3A_59 : f32 to vector<64x1xf32>
      %max3A_61 = arith.maximumf %get3A_58, %max3A_60 : vector<64x1xf32>
      %div3A = vector.broadcast %max3A_61 : vector<64x1xf32> to vector<64x128xf32>
      %div3A_62 = arith.divf %get3A_55, %div3A : vector<64x128xf32>
      %get3A_63 = arith.constant 0 : index
      %get3A_64 = arith.constant 0 : index
      %get3A_65 = vector.load %arg6[%get3A_63, %get3A_64] : memref<128x128xf32, #tpu.memory_space<vmem>>, vector<128x128xf32>
      %dot_general3A_66 = arith.constant dense<0.000000e+00> : vector<64x128xf32>
      %dot_general3A_67 = tpu.matmul %div3A_62, %get3A_65, %dot_general3A_66 {dimension_numbers = #tpu.dot_dimension_numbers<[1], [0], [0], [1], [0, 0, 1, 1], [], []>, transpose_lhs_hint = false} : vector<64x128xf32>, vector<128x128xf32>, vector<64x128xf32> -> vector<64x128xf32>
      %get3A_68 = arith.constant 0 : index
      %get3A_69 = arith.constant 0 : index
      %get3A_70 = vector.load %arg7[%get3A_68, %get3A_69] : memref<1x128xf32, #tpu.memory_space<vmem>>, vector<1x128xf32>
      %add3A_71 = vector.broadcast %get3A_70 : vector<1x128xf32> to vector<64x128xf32>
      %add3A_72 = arith.addf %dot_general3A_67, %add3A_71 : vector<64x128xf32>
      %max3A_73 = arith.constant 0.000000e+00 : f32
      %max3A_74 = vector.broadcast %max3A_73 : f32 to vector<64x128xf32>
      %max3A_75 = arith.maximumf %add3A_72, %max3A_74 : vector<64x128xf32>
      %get3A_76 = arith.constant 0 : index
      %get3A_77 = arith.constant 0 : index
      %get3A_78 = vector.load %arg8[%get3A_76, %get3A_77] : memref<128x32xf32, #tpu.memory_space<vmem>>, vector<128x32xf32>
      %dot_general3A_79 = arith.constant dense<0.000000e+00> : vector<64x32xf32>
      %dot_general3A_80 = tpu.matmul %max3A_75, %get3A_78, %dot_general3A_79 {dimension_numbers = #tpu.dot_dimension_numbers<[1], [0], [0], [1], [0, 0, 1, 1], [], []>, transpose_lhs_hint = false} : vector<64x128xf32>, vector<128x32xf32>, vector<64x32xf32> -> vector<64x32xf32>
      %get3A_81 = arith.constant 0 : index
      %get3A_82 = arith.constant 0 : index
      %get3A_83 = vector.load %arg9[%get3A_81, %get3A_82] : memref<1x32xf32, #tpu.memory_space<vmem>>, vector<1x32xf32>
      %add3A_84 = vector.broadcast %get3A_83 : vector<1x32xf32> to vector<64x32xf32>
      %add3A_85 = arith.addf %dot_general3A_80, %add3A_84 : vector<64x32xf32>
      %swap3A = arith.constant 0 : index
      %swap3A_86 = arith.constant 0 : index
      %swap3A_87 = vector.load %arg10[%swap3A, %swap3A_86] : memref<64x32xf32, #tpu.memory_space<vmem>>, vector<64x32xf32>
      tpu.vector_store %arg10[%swap3A, %swap3A_86], %add3A_85 {strides = array<i32>} : memref<64x32xf32, #tpu.memory_space<vmem>>, vector<64x32xf32>,
    } else {
    }
    return
  }
  func.func @transform_0(%arg0: i32) -> (i32, i32, i32) {
    %c0_i32 = arith.constant 0 : i32
    %c0_i32_0 = arith.constant 0 : i32
    %c0_i32_1 = arith.constant 0 : i32
    return %c0_i32, %arg0, %c0_i32_0 : i32, i32, i32
  }
  func.func @transform_1(%arg0: i32) -> (i32, i32, i32) {
    %c0_i32 = arith.constant 0 : i32
    %c0_i32_0 = arith.constant 0 : i32
    %c0_i32_1 = arith.constant 0 : i32
    return %c0_i32, %arg0, %c0_i32_0 : i32, i32, i32
  }
  func.func @transform_2(%arg0: i32) -> (i32, i32) {
    %c0_i32 = arith.constant 0 : i32
    %c0_i32_0 = arith.constant 0 : i32
    return %arg0, %c0_i32 : i32, i32
  }
  func.func @transform_3(%arg0: i32) -> (i32, i32) {
    %c0_i32 = arith.constant 0 : i32
    %c0_i32_0 = arith.constant 0 : i32
    %c0_i32_1 = arith.constant 0 : i32
    return %c0_i32, %c0_i32_0 : i32, i32
  }
  func.func @transform_4(%arg0: i32) -> (i32, i32, i32) {
    %c0_i32 = arith.constant 0 : i32
    %c0_i32_0 = arith.constant 0 : i32
    %c0_i32_1 = arith.constant 0 : i32
    return %arg0, %c0_i32, %c0_i32_0 : i32, i32, i32
  }
  func.func @transform_5(%arg0: i32) -> (i32, i32) {
    %c0_i32 = arith.constant 0 : i32
    %c0_i32_0 = arith.constant 0 : i32
    %c0_i32_1 = arith.constant 0 : i32
    return %c0_i32, %c0_i32_0 : i32, i32
  }
  func.func @transform_6(%arg0: i32) -> (i32, i32) {
    %c0_i32 = arith.constant 0 : i32
    %c0_i32_0 = arith.constant 0 : i32
    %c0_i32_1 = arith.constant 0 : i32
    return %c0_i32, %c0_i32_0 : i32, i32
  }
  func.func @transform_7(%arg0: i32) -> (i32, i32) {
    %c0_i32 = arith.constant 0 : i32
    %c0_i32_0 = arith.constant 0 : i32
    %c0_i32_1 = arith.constant 0 : i32
    return %c0_i32, %c0_i32_0 : i32, i32
  }
  func.func @transform_8(%arg0: i32) -> (i32, i32) {
    %c0_i32 = arith.constant 0 : i32
    %c0_i32_0 = arith.constant 0 : i32
    %c0_i32_1 = arith.constant 0 : i32
    return %c0_i32, %c0_i32_0 : i32, i32
  }
  func.func @transform_9(%arg0: i32) -> (i32, i32) {
    %c0_i32 = arith.constant 0 : i32
    %c0_i32_0 = arith.constant 0 : i32
    %c0_i32_1 = arith.constant 0 : i32
    return %c0_i32, %c0_i32_0 : i32, i32
  }
}

</mosaic_0001>

<sc_bundles>
// kernel: kernel.11.cloned.1.call-start
scs
__scs_entry_jumppad:
0x0: {  	(pc) =	sbr.rel $0x88, $3  }
0x1: {  	(tag) =	ssettag $0x0;
	lr =	simm.s32 $0x1  }
0x2: {  	[smem:$0x3F96] =	sst lr;
	_ =	strace $0xD0000000  }
0x3: {  	_ = 	snop  }
0x4: {  	_ = 	snop  }
0x5: {  	_ = 	snop  }
0x6: {  	_ = 	snop  }
0x7: {  	_ = 	snop  }
__scs_overlays_trampoline_lowered:
0x8: {  	[smem:$0x3FA5] =	sst s0  }
0x9: {  	[smem:$0x3FA6] =	sst s1  }
0xa: {  	[smem:$0x3FA7] =	sst s2  }
0xb: {  	[smem:$0x3FA8] =	sst s3  }
0xc: {  	[smem:$0x3FA9] =	sst s4  }
0xd: {  	[smem:$0x3FAA] =	sst s5  }
0xe: {  	[smem:$0x3FAB] =	sst s6  }
0xf: {  	[smem:$0x3FAC] =	sst s7  }
0x10: {  	[smem:$0x3FAD] =	sst s8  }
0x11: {  	[smem:$0x3FAE] =	sst s9;
	s0 =	simm.s32 @!p0 $0x0  }
0x12: {  	s1 =	sld [smem:$0x3F94];
	s0 =	simm.s32 @p0 $0x1  }
0x13: {  	[smem:$0x3FAF] =	sst s0;
	s0 =	simm.s32 @!p1 $0x0  }
0x14: {  	s2 =	sld [smem:$0x3F93];
	s0 =	simm.s32 @p1 $0x1  }
0x15: {  	[smem:$0x3FB0] =	sst s0;
	s0 =	simm.s32 @!p2 $0x0  }
0x16: {  	s3 =	sld [smem:$0x3FDB];
	s0 =	simm.s32 @p2 $0x1  }
0x17: {  	s4 =	simm.s32 $0x1BF5;
	[smem:$0x3FB2] =	sst s0  }
0x18: {  	s0 =	sld [smem:$0x3F95];
	_ =	swait.ge [sflag:s4], $0x0  }
0x19: {  	s7 =	sld [smem:$0x3F96]  }
0x1a: {  	s8 =	sadd.s32 $0xFFFFE003, lr  }
0x1b: {  	s9 =	sadd.s32 $0xFFFFFEF7, lr;
	s5 =	simm.s32 $0xFFFFFFFF;
	p2 =	slt.u32 s8, $0xFFFFF086  }
0x1c: {  	p1 =	slt.u32 s9, $0xF7A;
	s5 =	simm.s32 @!p2 $0x0  }
0x1d: {  	s5 =	simm.s32 @p1 $0x1;
	p0 =	seq.s32 s7, s2  }
0x1e: {  	s7 =	smul.u32 @!p0 $0xF7A, s2;
	p2 =	seq.s32 @!p0 s5, $0x0  }
0x1f: {  	s9 =	smul.u32 $0xF7A, s1;
	s8 =	simm.s32 @!p0 $0x1BF5;
	p2 =	por !p2, p0  }
0x20: {  	[sflag:s8] =	ssyncset.s32 @!p0 $0xFFFFF086;
	s6 =	sadd.s32 @!p0 s3, s7;
	s7 =	simm.s32 @!p0 $0x108  }
0x21: {  	s3 =	sadd.s32 s3, s9;
	s6 =	sadd.s32 @!p0 $0x88, s6;
	s7 =	simm.s32 @p2 $0x1082  }
0x22: {  	[simem:s7], [sflag:s8] =	dma.local @!p0 [hbm:s6], $0xF7A  }
0x23: {  	s9 =	sor.u32 $0xD0000000, s2;
	s6 =	simm.s32 $0x108;
	_ =	swait.ge @!p0 [sflag:s8], $0x0  }
0x24: {  	s3 =	sadd.s32 $0x88, s3;
	s6 =	simm.s32 @!p1 $0x1082;
	[sflag:s4] =	ssyncset.s32 $0xFFFFF086  }
0x25: {  	[simem:s6], [sflag:s4] =	dma.local [hbm:s3], $0xF7A  }
0x26: {  	[smem:$0x3F96] =	sst s1;
	(tag) =	ssettag s2;
	_ =	strace s9  }
0x27: {  	s1 =	sld [smem:$0x3FA6]  }
0x28: {  	s2 =	sld [smem:$0x3FA7]  }
0x29: {  	s4 =	sld [smem:$0x3FA9]  }
0x2a: {  	p0 =	seq.s32 s5, $0x0;
	s5 =	sld [smem:$0x3FAA]  }
0x2b: {  	s6 =	sld [smem:$0x3FAB]  }
0x2c: {  	s7 =	sld [smem:$0x3FAC]  }
0x2d: {  	s3 =	simm.s32 $0x108;
	s8 =	sld [smem:$0x3FAD]  }
0x2e: {  	s3 =	simm.s32 @!p0 $0x1082;
	s9 =	sld [smem:$0x3FAE]  }
0x2f: {  	lr =	sadd.s32 s0, s3;
	s0 =	sld [smem:$0x3FA5]  }
0x30: {  	s3 =	sld [smem:$0x3FA8]  }
0x31: {  	[smem:$0x3FB1] =	sst s10  }
0x32: {  	s10 =	sld [smem:$0x3FAF];
	_ =	sdelay $0x3  }
0x33: {  	p0 =	seq.s32 s10, $0x1;
	s10 =	sld [smem:$0x3FB1];
	_ =	sdelay $0x3  }
0x34: {  	[smem:$0x3FB1] =	sst s10  }
0x35: {  	s10 =	sld [smem:$0x3FB0];
	_ =	sdelay $0x3  }
0x36: {  	p1 =	seq.s32 s10, $0x1;
	s10 =	sld [smem:$0x3FB1];
	_ =	sdelay $0x3  }
0x37: {  	[smem:$0x3FB1] =	sst s10  }
0x38: {  	s10 =	sld [smem:$0x3FB2]  }
0x39: {  	_ = 	snop;
	(pc) =	sbr.ind lr, $3  }
0x3a: {  	_ = 	snop  }
0x3b: {  	_ = 	snop  }
0x3c: {  	p2 =	seq.s32 s10, $0x1;
	s10 =	sld [smem:$0x3FB1]  }
0x3d: {  	_ =	shalt  }
0x3e: {  	_ =	shalt  }
0x3f: {  	_ =	shalt  }
0x40: {  	_ =	shalt  }
0x41: {  	_ =	shalt  }
0x42: {  	_ =	shalt  }
0x43: {  	_ =	shalt  }
0x44: {  	_ =	shalt  }
0x45: {  	_ =	shalt  }
0x46: {  	_ =	shalt  }
0x47: {  	_ =	shalt  }
0x48: {  	_ =	shalt  }
0x49: {  	_ =	shalt  }
0x4a: {  	_ =	shalt  }
0x4b: {  	_ =	shalt  }
0x4c: {  	_ =	shalt  }
0x4d: {  	_ =	shalt  }
0x4e: {  	_ =	shalt  }
0x4f: {  	_ =	shalt  }
0x50: {  	_ =	shalt  }
0x51: {  	_ =	shalt  }
0x52: {  	_ =	shalt  }
0x53: {  	_ =	shalt  }
0x54: {  	_ =	shalt  }
0x55: {  	_ =	shalt  }
0x56: {  	_ =	shalt  }
0x57: {  	_ =	shalt  }
0x58: {  	_ =	shalt  }
0x59: {  	_ =	shalt  }
0x5a: {  	_ =	shalt  }
0x5b: {  	_ =	shalt  }
0x5c: {  	_ =	shalt  }
0x5d: {  	_ =	shalt  }
0x5e: {  	_ =	shalt  }
0x5f: {  	_ =	shalt  }
0x60: {  	_ =	shalt  }
0x61: {  	_ =	shalt  }
0x62: {  	_ =	shalt  }
0x63: {  	_ =	shalt  }
0x64: {  	_ =	shalt  }
0x65: {  	_ =	shalt  }
0x66: {  	_ =	shalt  }
0x67: {  	_ =	shalt  }
0x68: {  	_ =	shalt  }
0x69: {  	_ =	shalt  }
0x6a: {  	_ =	shalt  }
0x6b: {  	_ =	shalt  }
0x6c: {  	_ =	shalt  }
0x6d: {  	_ =	shalt  }
0x6e: {  	_ =	shalt  }
0x6f: {  	_ =	shalt  }
0x70: {  	_ =	shalt  }
0x71: {  	_ =	shalt  }
0x72: {  	_ =	shalt  }
0x73: {  	_ =	shalt  }
0x74: {  	_ =	shalt  }
0x75: {  	_ =	shalt  }
0x76: {  	_ =	shalt  }
0x77: {  	_ =	shalt  }
0x78: {  	_ =	shalt  }
0x79: {  	_ =	shalt  }
0x7a: {  	_ =	shalt  }
0x7b: {  	_ =	shalt  }
0x7c: {  	_ =	shalt  }
0x7d: {  	_ =	shalt  }
0x7e: {  	_ =	shalt  }
0x7f: {  	_ =	shalt  }
0x80: {  	_ =	shalt  }
0x81: {  	_ =	shalt  }
0x82: {  	_ =	shalt  }
0x83: {  	_ =	shalt  }
0x84: {  	_ =	shalt  }
0x85: {  	_ =	shalt  }
0x86: {  	_ =	shalt  }
0x87: {  	_ =	shalt  }
.Lfunc_end0:
.L_simem_size_0:
called_computation.1_lowered:
.L_overlay_start_0:
0x88: {  	s2 =	sld [smem:$0x3FD9]  }
0x89: {  	s3 =	sld [smem:$0x3FFE];
	_ =	sdelay $0x1  }
0x8a: {  	s1 =	srdreg.scid  }
0x8b: {  	s0 =	sand.u32 $0x1, s1  }
0x8c: {  	s16 =	sshll.u32 s0, $0xA;
	s2 =	sadd.s32 s3, s2  }
0x8d: {  	s2 =	sadd.s32 s2, s16  }
0x8e: {  	[smem:$0x3FBD] =	sst s2  }
0x8f: {  	_ = 	snop  }
0x90: {  	(tm) =	ssettm $0x1  }
0x91: {  	s17 =	sld [smem:$0x3FFB];
	_ =	sdelay $0x3  }
0x92: {  	_ =	strace s17  }
0x93: {  	s2 =	sld [smem:$0x3FFC];
	_ =	sdelay $0x3  }
0x94: {  	_ =	strace s2  }
0x95: {  	s2 =	sld [smem:$0x3FFD];
	_ =	sdelay $0x3  }
0x96: {  	_ =	strace s2  }
0x97: {  	_ =	strace $0x8FFFFFFF  }
0x98: {  	s18 =	sld [smem:$0x3FDB];
	_ =	sdelay $0x1  }
0x99: {  	s19 =	simm.s32 $_scs_section_size  }
0x9a: {  	s4 =	simm.s32 $_size__tile_overlayer_lowered;
	s5 =	simm.s32 $_tile_overlayer_lowered  }
0x9b: {  	s22 =	simm.s32 $0x1BFF;
	s21 =	sshll.u32 s5, $0x1;
	s2 =	sadd.s32 s19, s18  }
0x9c: {  	s6 =	simm.s32 $0x0;
	s20 =	sshll.u32 s4, $0x1;
	s4 =	sadd.s32 s21, s2  }
0x9d: {  	[timem:s6], [sflag:s22] =	dma.local [hbm:s4], s20  }
0x9e: {  	_ =	swait.ge [sflag:s22], s20  }
0x9f: {  	s3 =	ssub.s32 $0x0, s20;
	[sflag:s22] =	ssyncset.done $0x0  }
0xa0: {  	[sflag:s22] =	ssyncadd.s32 s3;
	_ =	sdelay $0x1  }
0xa1: {  	s23 =	simm.s32 $0x1B8B  }
0xa2: {  	_ =	swait.ge [sflag:s23], $0x1  }
0xa3: {  	[sflag:s23] =	ssyncset.done $0x0  }
0xa4: {  	s25 =	simm.s32 $0x1B8E;
	s24 =	sld [smem:$0x3FFE];
	[sflag:s23] =	ssyncadd.s32 $0xFFFFFFFF  }
0xa5: {  	s26 =	simm.s32 $execute0_lowered;
	[smem:$0x3FD2] =	sst s25  }
0xa6: {  	s4 =	sshll.u32 s26, $0x1;
	_ =	strace $0x80000049;
	[dreg:$0x1] =	wrdreg $0xFFFFFFFF  }
0xa7: {  	s28 =	simm.s32 $_size_execute0_lowered;
	s2 =	sadd.s32 s2, s4;
	[dreg:$0x0] =	wrdreg $0x0  }
0xa8: {  	s4 =	sshll.u32 s28, $0x1;
	[dreg:$0x2] =	wrdreg s2  }
0xa9: {  	[dreg:$0x3] =	wrdreg s4  }
0xaa: {  	[dreg:$0x4] =	wrdreg $0xC0  }
0xab: {  	_ =	task [dreg:s6], $0x5FFFF  }
0xac: {  	[dreg:$0x1] =	wrdreg $0xFFFFFFFF  }
0xad: {  	[dreg:$0x0] =	wrdreg $0x60  }
0xae: {  	[dreg:$0x2] =	wrdreg s24  }
0xaf: {  	[dreg:$0x3] =	wrdreg $0x11F800  }
0xb0: {  	[dreg:$0x4] =	wrdreg $0x9  }
0xb1: {  	_ =	task.clear_ibuf [dreg:s6], $0x5FFFF;
	_ =	strace $0x90000049  }
0xb2: {  	s29 =	simm.s32 $0x9;
	_ =	strace $0x8000004B  }
0xb3: {  	_ =	swait.ge [sflag:s29], $0x1  }
0xb4: {  	[sflag:s29] =	ssyncadd.s32 $0xFFFFFFFF  }
0xb5: {  	_ =	strace $0x9000004B  }
0xb6: {  	_ =	sfence  }
0xb7: {  	s30 =	sld [smem:$0x0];
	_ =	sdelay $0x2  }
0xb8: {  	s31 =	sshll.u32 s1, $0xD;
	s1 =	sshrl.u32 s1, $0x2  }
0xb9: {  	s3 =	sand.u32 $0x4000, s31;
	s1 =	sadd.s32 s1, s30  }
0xba: {  	s0 =	sor.u32 s3, s0;
	s1 =	sshll.u32 s1, $0x11  }
0xbb: {  	s0 =	sor.u32 s1, s0  }
0xbc: {  	s0 =	sadd.s32 $0x8F2B, s0  }
0xbd: {  	[sflag:s0] =	ssyncadd.remote.s32 $0x1  }
0xbe: {  	_ =	sfence.sel $0xFFFF  }
0xbf: {  	[dreg:$0x0] =	wrdreg $0xFFFFFFFF;
	(pc) =	sbr.abs _section_cstart, $3  }
0xc0: {  	[dreg:$0x1] =	wrdreg $0xFFFFFFFF  }
0xc1: {  	_ =	task.clear_ibuf [dreg:s6], $0x2FFFF;
	_ =	strace $0x9FFFFFFF  }
0xc2: {  	(tm) =	ssettm $0x7FFFFFFF  }
0xc3: {  	_ =	shalt  }
tec
execute0_lowered:
.L_overlay_start_1:
0x0: {  	(tag) =	ssettag $0x1  }
0x1: {  	s0 =	rddreg [dreg:$0x0]  }
0x2: {  	s1 =	rddreg [dreg:$0x1];
	s2 =	srdreg.scid  }
0x3: {  	s3 =	simm.s32 $0x0;
	s12 =	stileid.u32;
	s14 =	simm.s32 $0x6  }
0x4: {  	s16 =	simm.s32 $0x64;
	s17 =	simm.s32 $0xA280;
	s19 =	simm.s32 $0xBB80  }
0x5: {  	s21 =	simm.s32 $0xD480;
	s23 =	simm.s32 $0xED80;
	s28 =	simm.s32 $0x1  }
0x6: {  	s29 =	simm.s32 $0x2;
	s30 =	simm.s32 $0x3;
	s31 =	simm.s32 $0x4  }
0x7: {  	s20 =	simm.s32 $0xA1B0;
	s22 =	simm.s32 $0xA218;
	s4 =	smul.u32 $0xA28, s12  }
0x8: {  	s24 =	simm.s32 $0x0;
	s2 =	sand.u32 $0x1, s2;
	s8 =	smul.u32 $0x28000, s12  }
0x9: {  	[smem:$0x7FF] =	sst s3;
	s10 =	smul.u32 $0xA000, s12;
	p0 =	seq.s32 s12, $0xF  }
0xa: {  	s5 =	smul.u32 $0x9C400, s2;
	_ =	strace $0x8000004A;
	s2 =	ssub.s32 $0x2, s2  }
0xb: {  	s6 =	sadd.s32 s4, s0;
	s4 =	sadd.s32 $0x2400, s0;
	s11 =	sshrl.u32 s2, $0x1  }
0xc: {  	s8 =	sshrl.u32 s8, $0x2;
	s15 =	sadd.s32 s10, s1;
	s9 =	sshrl.u32 s5, $0x3  }
0xd: {  	s2 =	ssub.s32 s2, s11;
	s13 =	sadd.s32 s8, s1;
	s26 =	sadd.s32 s10, s5  }
0xe: {  	s11 =	sadd.s32 $0x96000, s1;
	s5 =	sadd.s32 $0x25400, s6;
	s6 =	sadd.s32 $0x1B000, s6  }
0xf: {  	s25 =	sshrl.u32 @!p0 s15, $0x3;
	s7 =	sadd.s32 s9, s0;
	s0 =	sadd.s32 $0xA4C00, s0  }
0x10: {  	s8 =	sshrl.u32 s26, $0x3;
	s10 =	smax.u32 s2, $0x1;
	s11 =	sshrl.u32 @p0 s11, $0x3  }
0x11: {  	s13 =	sshrl.u32 @!p0 s13, $0x3;
	s8 =	sadd.s32 s0, s8;
	s0 =	sadd.s32 s0, s9  }
0x12: {  	s26 =	simm.s32 $0x10680;
	s9 =	sadd.s32 $0x12C00, s0;
	s0 =	sshll.u32 @!p0 s12, $0x6  }
0x13: {  	s7 =	sadd.s32 $0x7DA00, s7;
	s12 =	sor.u32 @!p0 $0x1C06, s0;
	s0 =	simm.s32 $0x5  }
.LBB2_1:
0x14: {  	s2 =	simm.s32 @p0 $0x1FC6  }
0x15: {  	[spmem:s11], [sflag:s2] =	dma.local @p0 [hbm:s4], $0xC80  }
0x16: {  	s2 =	simm.s32 @p0 $0x6  }
0x17: {  	_ =	swait.ge @p0 [sflag:s2], $0xC80  }
0x18: {  	[sflag:s2] =	ssyncset.done @p0 $0x0  }
0x19: {  	[sflag:s2] =	ssyncadd.s32 @p0 $0xFFFFF380;
	s2 =	simm.s32 @!p0 $0x6  }
0x1a: {  	[spmem:s13], [sflag:s12] =	dma.local @!p0 [hbm:s4], $0x1400  }
0x1b: {  	_ =	swait.ge @!p0 [sflag:s2], $0x1400  }
0x1c: {  	[sflag:s2] =	ssyncset.done @!p0 $0x0  }
0x1d: {  	[sflag:s2] =	ssyncadd.s32 @!p0 $0xFFFFEC00  }
0x1e: {  	[tilespmem:s3], [sflag:$0x6] =	stream.linear.gather [hbm4b:s5+s3], $0x5140, $0x38;
	[tilespmem:$0x1BBE0] =	vst v63  }
0x1f: {  	_ =	swait.ge [sflag:s14], $0x5140  }
0x20: {  	[sflag:s14] =	ssyncset.done $0x0  }
0x21: {  	s15 =	simm.s32 $0x5140;
	[sflag:s14] =	ssyncadd.s32 $0xFFFFAEC0  }
0x22: {  	[tilespmem:s15], [sflag:$0x6] =	stream.linear.gather [hbm4b:s6+s3], $0x5140, $0x38;
	[tilespmem:$0x1BBE0] =	vst v63  }
0x23: {  	_ =	swait.ge [sflag:s14], $0x5140  }
0x24: {  	[sflag:s14] =	ssyncset.done $0x0  }
0x25: {  	[sflag:s14] =	ssyncadd.s32 $0xFFFFAEC0  }
0x26: {  	[bflag:$0x0] =	sbarrier.arrive $0xFFFF  }
0x27: {  	[tilespmem:s17], [sflag:$0x1] =	stream.indirect.gather [hbm4b:s7+s16], $0x40, s3, s16, $0xb8;
	[tilespmem:$0x1BBE0] =	vst v63  }
0x28: {  	s18 =	simm.s32 $0x68  }
0x29: {  	[tilespmem:s19], [sflag:$0x2] =	stream.indirect.gather [hbm4b:s7+s16], $0x40, s18, s16, $0xb8;
	[tilespmem:$0x1BBE0] =	vst v63  }
0x2a: {  	s15 =	simm.s32 $0xD0  }
0x2b: {  	[tilespmem:s21], [sflag:$0x3] =	stream.indirect.gather [hbm4b:s7+s16], $0x40, s15, s16, $0xb8;
	[tilespmem:$0x1BBE0] =	vst v63  }
0x2c: {  	s18 =	simm.s32 $0x138  }
0x2d: {  	[tilespmem:s23], [sflag:$0x4] =	stream.indirect.gather [hbm4b:s7+s16], $0x40, s18, s16, $0xb8;
	[tilespmem:$0x1BBE0] =	vst v63  }
0x2e: {  	s15 =	simm.s32 $0x1A0  }
0x2f: {  	[tilespmem:s26], [sflag:$0x5] =	stream.indirect.gather [hbm4b:s7+s16], $0x40, s15, s16, $0xb8;
	[tilespmem:$0x1BBE0] =	vst v63  }
0x30: {  	_ =	swait.ge [sflag:s28], $0x1900  }
0x31: {  	[sflag:s28] =	ssyncset.done $0x0  }
0x32: {  	s18 =	simm.s32 $0x5140;
	[sflag:s28] =	ssyncadd.s32 $0xFFFFE700  }
0x33: {  	[spmem:s1] =	stream.indirect.scatter.add.f32 [tilespmem:s17], [sflag:$0x6], $0x40, s18, s16, $0xb8;
	[tilespmem:$0x1BBE0] =	vst v63  }
0x34: {  	_ =	swait.ge [sflag:s14], $0x1900  }
0x35: {  	[sflag:s14] =	ssyncset.done $0x0  }
0x36: {  	s15 =	simm.s32 $0x208;
	[sflag:s14] =	ssyncadd.s32 $0xFFFFE700  }
0x37: {  	[tilespmem:s17], [sflag:$0x1] =	stream.indirect.gather [hbm4b:s7+s16], $0x40, s15, s16, $0xb8;
	[tilespmem:$0x1BBE0] =	vst v63  }
0x38: {  	_ =	swait.ge [sflag:s29], $0x1900  }
0x39: {  	[sflag:s29] =	ssyncset.done $0x0  }
0x3a: {  	s18 =	simm.s32 $0x51A8;
	[sflag:s29] =	ssyncadd.s32 $0xFFFFE700  }
0x3b: {  	[spmem:s1] =	stream.indirect.scatter.add.f32 [tilespmem:s19], [sflag:$0x6], $0x40, s18, s16, $0xb8;
	[tilespmem:$0x1BBE0] =	vst v63  }
0x3c: {  	_ =	swait.ge [sflag:s14], $0x1900  }
0x3d: {  	[sflag:s14] =	ssyncset.done $0x0  }
0x3e: {  	s15 =	simm.s32 $0x270;
	[sflag:s14] =	ssyncadd.s32 $0xFFFFE700  }
0x3f: {  	[tilespmem:s19], [sflag:$0x2] =	stream.indirect.gather [hbm4b:s7+s16], $0x40, s15, s16, $0xb8;
	[tilespmem:$0x1BBE0] =	vst v63  }
0x40: {  	_ =	swait.ge [sflag:s30], $0x1900  }
0x41: {  	[sflag:s30] =	ssyncset.done $0x0  }
0x42: {  	s18 =	simm.s32 $0x5210;
	[sflag:s30] =	ssyncadd.s32 $0xFFFFE700  }
0x43: {  	[spmem:s1] =	stream.indirect.scatter.add.f32 [tilespmem:s21], [sflag:$0x6], $0x40, s18, s16, $0xb8;
	[tilespmem:$0x1BBE0] =	vst v63  }
0x44: {  	_ =	swait.ge [sflag:s14], $0x1900  }
0x45: {  	[sflag:s14] =	ssyncset.done $0x0  }
0x46: {  	s15 =	simm.s32 $0x2D8;
	[sflag:s14] =	ssyncadd.s32 $0xFFFFE700  }
0x47: {  	[tilespmem:s21], [sflag:$0x3] =	stream.indirect.gather [hbm4b:s7+s16], $0x40, s15, s16, $0xb8;
	[tilespmem:$0x1BBE0] =	vst v63  }
0x48: {  	_ =	swait.ge [sflag:s31], $0x1900  }
0x49: {  	[sflag:s31] =	ssyncset.done $0x0  }
0x4a: {  	s18 =	simm.s32 $0x5278;
	[sflag:s31] =	ssyncadd.s32 $0xFFFFE700  }
0x4b: {  	[spmem:s1] =	stream.indirect.scatter.add.f32 [tilespmem:s23], [sflag:$0x6], $0x40, s18, s16, $0xb8;
	[tilespmem:$0x1BBE0] =	vst v63  }
0x4c: {  	_ =	swait.ge [sflag:s14], $0x1900  }
0x4d: {  	[sflag:s14] =	ssyncset.done $0x0  }
0x4e: {  	s15 =	simm.s32 $0x340;
	[sflag:s14] =	ssyncadd.s32 $0xFFFFE700  }
0x4f: {  	[tilespmem:s23], [sflag:$0x4] =	stream.indirect.gather [hbm4b:s7+s16], $0x40, s15, s16, $0xb8;
	[tilespmem:$0x1BBE0] =	vst v63  }
0x50: {  	_ =	swait.ge [sflag:s0], $0x1900  }
0x51: {  	[sflag:s0] =	ssyncset.done $0x0  }
0x52: {  	s18 =	simm.s32 $0x52E0;
	[sflag:s0] =	ssyncadd.s32 $0xFFFFE700  }
0x53: {  	[spmem:s1] =	stream.indirect.scatter.add.f32 [tilespmem:s26], [sflag:$0x6], $0x40, s18, s16, $0xb8;
	[tilespmem:$0x1BBE0] =	vst v63  }
0x54: {  	_ =	swait.ge [sflag:s14], $0x1900  }
0x55: {  	[sflag:s14] =	ssyncset.done $0x0  }
0x56: {  	s2 =	simm.s32 $0x820;
	s15 =	simm.s32 $0x3A8;
	[sflag:s14] =	ssyncadd.s32 $0xFFFFE700  }
.LBB2_2:
0x57: {  	[tilespmem:s26], [sflag:$0x5] =	stream.indirect.gather [hbm4b:s7+s16], $0x40, s15, s16, $0xb8;
	[tilespmem:$0x1BBE0] =	vst v63  }
0x58: {  	s15 =	smov.u32 s2  }
0x59: {  	p1 =	sne.s32 s2, $0x134C0;
	s2 =	sadd.s32 $0x820, s2;
	_ =	swait.ge [sflag:s28], $0x1900  }
0x5a: {  	s15 =	sshra.s32 s15, $0x2;
	[sflag:s28] =	ssyncset.done $0x0  }
0x5b: {  	s18 =	sadd.s32 $0x5140, s15;
	[sflag:s28] =	ssyncadd.s32 $0xFFFFE700  }
0x5c: {  	[spmem:s1] =	stream.indirect.scatter.add.f32 [tilespmem:s17], [sflag:$0x6], $0x40, s18, s16, $0xb8;
	[tilespmem:$0x1BBE0] =	vst v63  }
0x5d: {  	_ =	swait.ge [sflag:s14], $0x1900  }
0x5e: {  	[sflag:s14] =	ssyncset.done $0x0  }
0x5f: {  	s18 =	sadd.s32 $0x208, s15;
	[sflag:s14] =	ssyncadd.s32 $0xFFFFE700  }
0x60: {  	[tilespmem:s17], [sflag:$0x1] =	stream.indirect.gather [hbm4b:s7+s16], $0x40, s18, s16, $0xb8;
	[tilespmem:$0x1BBE0] =	vst v63  }
0x61: {  	_ =	swait.ge [sflag:s29], $0x1900  }
0x62: {  	[sflag:s29] =	ssyncset.done $0x0  }
0x63: {  	s18 =	sadd.s32 $0x51A8, s15;
	[sflag:s29] =	ssyncadd.s32 $0xFFFFE700  }
0x64: {  	[spmem:s1] =	stream.indirect.scatter.add.f32 [tilespmem:s19], [sflag:$0x6], $0x40, s18, s16, $0xb8;
	[tilespmem:$0x1BBE0] =	vst v63  }
0x65: {  	_ =	swait.ge [sflag:s14], $0x1900  }
0x66: {  	[sflag:s14] =	ssyncset.done $0x0  }
0x67: {  	s18 =	sadd.s32 $0x270, s15;
	[sflag:s14] =	ssyncadd.s32 $0xFFFFE700  }
0x68: {  	[tilespmem:s19], [sflag:$0x2] =	stream.indirect.gather [hbm4b:s7+s16], $0x40, s18, s16, $0xb8;
	[tilespmem:$0x1BBE0] =	vst v63  }
0x69: {  	_ =	swait.ge [sflag:s30], $0x1900  }
0x6a: {  	[sflag:s30] =	ssyncset.done $0x0  }
0x6b: {  	s18 =	sadd.s32 $0x5210, s15;
	[sflag:s30] =	ssyncadd.s32 $0xFFFFE700  }
0x6c: {  	[spmem:s1] =	stream.indirect.scatter.add.f32 [tilespmem:s21], [sflag:$0x6], $0x40, s18, s16, $0xb8;
	[tilespmem:$0x1BBE0] =	vst v63  }
0x6d: {  	_ =	swait.ge [sflag:s14], $0x1900  }
0x6e: {  	[sflag:s14] =	ssyncset.done $0x0  }
0x6f: {  	s18 =	sadd.s32 $0x2D8, s15;
	[sflag:s14] =	ssyncadd.s32 $0xFFFFE700  }
0x70: {  	[tilespmem:s21], [sflag:$0x3] =	stream.indirect.gather [hbm4b:s7+s16], $0x40, s18, s16, $0xb8;
	[tilespmem:$0x1BBE0] =	vst v63  }
0x71: {  	_ =	swait.ge [sflag:s31], $0x1900  }
0x72: {  	[sflag:s31] =	ssyncset.done $0x0  }
0x73: {  	s18 =	sadd.s32 $0x5278, s15;
	[sflag:s31] =	ssyncadd.s32 $0xFFFFE700  }
0x74: {  	[spmem:s1] =	stream.indirect.scatter.add.f32 [tilespmem:s23], [sflag:$0x6], $0x40, s18, s16, $0xb8;
	[tilespmem:$0x1BBE0] =	vst v63  }
0x75: {  	_ =	swait.ge [sflag:s14], $0x1900  }
0x76: {  	[sflag:s14] =	ssyncset.done $0x0  }
0x77: {  	s18 =	sadd.s32 $0x340, s15;
	[sflag:s14] =	ssyncadd.s32 $0xFFFFE700  }
0x78: {  	[tilespmem:s23], [sflag:$0x4] =	stream.indirect.gather [hbm4b:s7+s16], $0x40, s18, s16, $0xb8;
	[tilespmem:$0x1BBE0] =	vst v63  }
0x79: {  	_ =	swait.ge [sflag:s0], $0x1900  }
0x7a: {  	[sflag:s0] =	ssyncset.done $0x0  }
.Ltmp0:
0x7b: {  	s18 =	sadd.s32 $0x52E0, s15;
	[sflag:s0] =	ssyncadd.s32 $0xFFFFE700;
	(pc) =	sbr.rel @p1 .LBB2_2-.Ltmp0, $4  }
0x7c: {  	[spmem:s1] =	stream.indirect.scatter.add.f32 [tilespmem:s26], [sflag:$0x6], $0x40, s18, s16, $0xb8;
	[tilespmem:$0x1BBE0] =	vst v63  }
0x7d: {  	_ =	swait.ge [sflag:s14], $0x1900  }
0x7e: {  	[sflag:s14] =	ssyncset.done $0x0  }
0x7f: {  	s15 =	sadd.s32 $0x3A8, s15;
	[sflag:s14] =	ssyncadd.s32 $0xFFFFE700  }
0x80: {  	[tilespmem:s26], [sflag:$0x5] =	stream.indirect.gather [hbm4b:s7+s16], $0x40, s15, s16, $0xb8;
	[tilespmem:$0x1BBE0] =	vst v63  }
0x81: {  	_ =	swait.ge [sflag:s28], $0x1900  }
0x82: {  	[sflag:s28] =	ssyncset.done $0x0  }
0x83: {  	s2 =	simm.s32 $0xA078;
	[sflag:s28] =	ssyncadd.s32 $0xFFFFE700  }
0x84: {  	[spmem:s1] =	stream.indirect.scatter.add.f32 [tilespmem:s17], [sflag:$0x6], $0x40, s2, s16, $0xb8;
	[tilespmem:$0x1BBE0] =	vst v63  }
0x85: {  	_ =	swait.ge [sflag:s14], $0x1900  }
0x86: {  	[sflag:s14] =	ssyncset.done $0x0  }
0x87: {  	[sflag:s14] =	ssyncadd.s32 $0xFFFFE700  }
0x88: {  	_ =	swait.ge [sflag:s29], $0x1900  }
0x89: {  	[sflag:s29] =	ssyncset.done $0x0  }
0x8a: {  	s15 =	simm.s32 $0xA0E0;
	[sflag:s29] =	ssyncadd.s32 $0xFFFFE700  }
0x8b: {  	[spmem:s1] =	stream.indirect.scatter.add.f32 [tilespmem:s19], [sflag:$0x6], $0x40, s15, s16, $0xb8;
	[tilespmem:$0x1BBE0] =	vst v63  }
0x8c: {  	_ =	swait.ge [sflag:s14], $0x1900  }
0x8d: {  	[sflag:s14] =	ssyncset.done $0x0  }
0x8e: {  	[sflag:s14] =	ssyncadd.s32 $0xFFFFE700  }
0x8f: {  	_ =	swait.ge [sflag:s30], $0x1900  }
0x90: {  	[sflag:s30] =	ssyncset.done $0x0  }
0x91: {  	s18 =	simm.s32 $0xA148;
	[sflag:s30] =	ssyncadd.s32 $0xFFFFE700  }
0x92: {  	[spmem:s1] =	stream.indirect.scatter.add.f32 [tilespmem:s21], [sflag:$0x6], $0x40, s18, s16, $0xb8;
	[tilespmem:$0x1BBE0] =	vst v63  }
0x93: {  	_ =	swait.ge [sflag:s14], $0x1900  }
0x94: {  	[sflag:s14] =	ssyncset.done $0x0  }
0x95: {  	[sflag:s14] =	ssyncadd.s32 $0xFFFFE700  }
0x96: {  	_ =	swait.ge [sflag:s31], $0x1900  }
0x97: {  	[sflag:s31] =	ssyncset.done $0x0  }
0x98: {  	[sflag:s31] =	ssyncadd.s32 $0xFFFFE700  }
0x99: {  	[spmem:s1] =	stream.indirect.scatter.add.f32 [tilespmem:s23], [sflag:$0x6], $0x40, s20, s16, $0xb8;
	[tilespmem:$0x1BBE0] =	vst v63  }
0x9a: {  	_ =	swait.ge [sflag:s14], $0x1900  }
0x9b: {  	[sflag:s14] =	ssyncset.done $0x0  }
0x9c: {  	[sflag:s14] =	ssyncadd.s32 $0xFFFFE700  }
0x9d: {  	_ =	swait.ge [sflag:s0], $0x1900  }
0x9e: {  	[sflag:s0] =	ssyncset.done $0x0  }
0x9f: {  	[sflag:s0] =	ssyncadd.s32 $0xFFFFE700  }
0xa0: {  	[spmem:s1] =	stream.indirect.scatter.add.f32 [tilespmem:s26], [sflag:$0x6], $0x40, s22, s16, $0xb8;
	[tilespmem:$0x1BBE0] =	vst v63  }
0xa1: {  	_ =	swait.ge [sflag:s14], $0x1900  }
0xa2: {  	[sflag:s14] =	ssyncset.done $0x0  }
0xa3: {  	[sflag:s14] =	ssyncadd.s32 $0xFFFFE700  }
0xa4: {  	s2 =	simm.s32 @p0 $0x1FC6;
	[bflag:$0x0] =	sbarrier.arrive $0xFFFF  }
0xa5: {  	[hbm:s9], [sflag:s2] =	dma.local @p0 [spmem:s11], $0xC80  }
0xa6: {  	s2 =	simm.s32 @p0 $0x6  }
0xa7: {  	s24 =	sadd.s32 $0x1, s24;
	_ =	swait.ge @p0 [sflag:s2], $0xC80  }
0xa8: {  	p1 =	sne.s32 s24, s10;
	[sflag:s2] =	ssyncset.done @p0 $0x0  }
.Ltmp1:
0xa9: {  	[sflag:s2] =	ssyncadd.s32 @p0 $0xFFFFF380;
	s2 =	simm.s32 @!p0 $0x6;
	(pc) =	sbr.rel @p1 .LBB2_1-.Ltmp1, $4  }
0xaa: {  	[hbm:s8], [sflag:s12] =	dma.local @!p0 [spmem:s25], $0x1400  }
0xab: {  	_ =	swait.ge @!p0 [sflag:s2], $0x1400  }
0xac: {  	[sflag:s2] =	ssyncset.done @!p0 $0x0  }
0xad: {  	[sflag:s2] =	ssyncadd.s32 @!p0 $0xFFFFEC00  }
0xae: {  	_ =	sfence.sel $0x180000  }
0xaf: {  	[bflag:$0x0] =	sbarrier.arrive $0xFFFF  }
0xb0: {  	_ =	strace $0x9000004A  }
0xb1: {  	s0 =	stileid.u32;
	[bflag:$0x2] =	sbarrier.arrive $0xFFFF  }
0xb2: {  	p0 =	sne.s32 s0, $0x0;
	s0 =	rddreg [dreg:$0x2]  }
0xb3: {  	s0 =	sadd.s32 @!p0 $0x100000, s0  }
0xb4: {  	[sflag:s0] =	ssyncadd.tile.s32 @!p0 $0x1;
	_ =	shalt  }
.Lfunc_end2:
_tile_overlayer_lowered:
.L_overlay_start_2:
0xb5: {  	(tag) =	ssettag $0x2  }
0xb6: {  	s0 =	rddreg [dreg:$0x0];
	s2 =	stileid.u32  }
0xb7: {  	s1 =	rddreg [dreg:$0x1];
	p0 =	sne.s32 s2, $0x0  }
0xb8: {  	s3 =	rddreg [dreg:$0x2];
	[bflag:$0x3] =	sbarrier.arrive $0xFFFF;
	s2 =	simm.s32 @!p0 $0x1C06  }
0xb9: {  	[timem:s3], [sflag:s2] =	dma.local @!p0 [hbm:s0], s1  }
0xba: {  	s0 =	simm.s32 @!p0 $0x6  }
0xbb: {  	_ =	swait.ge @!p0 [sflag:s0], s1  }
0xbc: {  	s1 =	ssub.s32 @!p0 $0x0, s1;
	[sflag:s0] =	ssyncset.done @!p0 $0x0  }
0xbd: {  	[sflag:s0] =	ssyncadd.s32 @!p0 s1  }
0xbe: {  	[bflag:$0x3] =	sbarrier.arrive $0xFFFF  }
0xbf: {  	_ =	shalt  }

// kernel: kernel.14.cloned.1.call-start
scs
__scs_entry_jumppad:
0x0: {  	(pc) =	sbr.rel $0x88, $3  }
0x1: {  	(tag) =	ssettag $0x0;
	lr =	simm.s32 $0x1  }
0x2: {  	[smem:$0x3F96] =	sst lr;
	_ =	strace $0xD0000000  }
0x3: {  	_ = 	snop  }
0x4: {  	_ = 	snop  }
0x5: {  	_ = 	snop  }
0x6: {  	_ = 	snop  }
0x7: {  	_ = 	snop  }
__scs_overlays_trampoline_lowered:
0x8: {  	[smem:$0x3FA5] =	sst s0  }
0x9: {  	[smem:$0x3FA6] =	sst s1  }
0xa: {  	[smem:$0x3FA7] =	sst s2  }
0xb: {  	[smem:$0x3FA8] =	sst s3  }
0xc: {  	[smem:$0x3FA9] =	sst s4  }
0xd: {  	[smem:$0x3FAA] =	sst s5  }
0xe: {  	[smem:$0x3FAB] =	sst s6  }
0xf: {  	[smem:$0x3FAC] =	sst s7  }
0x10: {  	[smem:$0x3FAD] =	sst s8  }
0x11: {  	[smem:$0x3FAE] =	sst s9;
	s0 =	simm.s32 @!p0 $0x0  }
0x12: {  	s1 =	sld [smem:$0x3F94];
	s0 =	simm.s32 @p0 $0x1  }
0x13: {  	[smem:$0x3FAF] =	sst s0;
	s0 =	simm.s32 @!p1 $0x0  }
0x14: {  	s2 =	sld [smem:$0x3F93];
	s0 =	simm.s32 @p1 $0x1  }
0x15: {  	[smem:$0x3FB0] =	sst s0;
	s0 =	simm.s32 @!p2 $0x0  }
0x16: {  	s3 =	sld [smem:$0x3FDB];
	s0 =	simm.s32 @p2 $0x1  }
0x17: {  	s4 =	simm.s32 $0x1BF5;
	[smem:$0x3FB2] =	sst s0  }
0x18: {  	s0 =	sld [smem:$0x3F95];
	_ =	swait.ge [sflag:s4], $0x0  }
0x19: {  	s7 =	sld [smem:$0x3F96]  }
0x1a: {  	s8 =	sadd.s32 $0xFFFFE003, lr  }
0x1b: {  	s9 =	sadd.s32 $0xFFFFFEF7, lr;
	s5 =	simm.s32 $0xFFFFFFFF;
	p2 =	slt.u32 s8, $0xFFFFF086  }
0x1c: {  	p1 =	slt.u32 s9, $0xF7A;
	s5 =	simm.s32 @!p2 $0x0  }
0x1d: {  	s5 =	simm.s32 @p1 $0x1;
	p0 =	seq.s32 s7, s2  }
0x1e: {  	s7 =	smul.u32 @!p0 $0xF7A, s2;
	p2 =	seq.s32 @!p0 s5, $0x0  }
0x1f: {  	s9 =	smul.u32 $0xF7A, s1;
	s8 =	simm.s32 @!p0 $0x1BF5;
	p2 =	por !p2, p0  }
0x20: {  	[sflag:s8] =	ssyncset.s32 @!p0 $0xFFFFF086;
	s6 =	sadd.s32 @!p0 s3, s7;
	s7 =	simm.s32 @!p0 $0x108  }
0x21: {  	s3 =	sadd.s32 s3, s9;
	s6 =	sadd.s32 @!p0 $0x88, s6;
	s7 =	simm.s32 @p2 $0x1082  }
0x22: {  	[simem:s7], [sflag:s8] =	dma.local @!p0 [hbm:s6], $0xF7A  }
0x23: {  	s9 =	sor.u32 $0xD0000000, s2;
	s6 =	simm.s32 $0x108;
	_ =	swait.ge @!p0 [sflag:s8], $0x0  }
0x24: {  	s3 =	sadd.s32 $0x88, s3;
	s6 =	simm.s32 @!p1 $0x1082;
	[sflag:s4] =	ssyncset.s32 $0xFFFFF086  }
0x25: {  	[simem:s6], [sflag:s4] =	dma.local [hbm:s3], $0xF7A  }
0x26: {  	[smem:$0x3F96] =	sst s1;
	(tag) =	ssettag s2;
	_ =	strace s9  }
0x27: {  	s1 =	sld [smem:$0x3FA6]  }
0x28: {  	s2 =	sld [smem:$0x3FA7]  }
0x29: {  	s4 =	sld [smem:$0x3FA9]  }
0x2a: {  	p0 =	seq.s32 s5, $0x0;
	s5 =	sld [smem:$0x3FAA]  }
0x2b: {  	s6 =	sld [smem:$0x3FAB]  }
0x2c: {  	s7 =	sld [smem:$0x3FAC]  }
0x2d: {  	s3 =	simm.s32 $0x108;
	s8 =	sld [smem:$0x3FAD]  }
0x2e: {  	s3 =	simm.s32 @!p0 $0x1082;
	s9 =	sld [smem:$0x3FAE]  }
0x2f: {  	lr =	sadd.s32 s0, s3;
	s0 =	sld [smem:$0x3FA5]  }
0x30: {  	s3 =	sld [smem:$0x3FA8]  }
0x31: {  	[smem:$0x3FB1] =	sst s10  }
0x32: {  	s10 =	sld [smem:$0x3FAF];
	_ =	sdelay $0x3  }
0x33: {  	p0 =	seq.s32 s10, $0x1;
	s10 =	sld [smem:$0x3FB1];
	_ =	sdelay $0x3  }
0x34: {  	[smem:$0x3FB1] =	sst s10  }
0x35: {  	s10 =	sld [smem:$0x3FB0];
	_ =	sdelay $0x3  }
0x36: {  	p1 =	seq.s32 s10, $0x1;
	s10 =	sld [smem:$0x3FB1];
	_ =	sdelay $0x3  }
0x37: {  	[smem:$0x3FB1] =	sst s10  }
0x38: {  	s10 =	sld [smem:$0x3FB2]  }
0x39: {  	_ = 	snop;
	(pc) =	sbr.ind lr, $3  }
0x3a: {  	_ = 	snop  }
0x3b: {  	_ = 	snop  }
0x3c: {  	p2 =	seq.s32 s10, $0x1;
	s10 =	sld [smem:$0x3FB1]  }
0x3d: {  	_ =	shalt  }
0x3e: {  	_ =	shalt  }
0x3f: {  	_ =	shalt  }
0x40: {  	_ =	shalt  }
0x41: {  	_ =	shalt  }
0x42: {  	_ =	shalt  }
0x43: {  	_ =	shalt  }
0x44: {  	_ =	shalt  }
0x45: {  	_ =	shalt  }
0x46: {  	_ =	shalt  }
0x47: {  	_ =	shalt  }
0x48: {  	_ =	shalt  }
0x49: {  	_ =	shalt  }
0x4a: {  	_ =	shalt  }
0x4b: {  	_ =	shalt  }
0x4c: {  	_ =	shalt  }
0x4d: {  	_ =	shalt  }
0x4e: {  	_ =	shalt  }
0x4f: {  	_ =	shalt  }
0x50: {  	_ =	shalt  }
0x51: {  	_ =	shalt  }
0x52: {  	_ =	shalt  }
0x53: {  	_ =	shalt  }
0x54: {  	_ =	shalt  }
0x55: {  	_ =	shalt  }
0x56: {  	_ =	shalt  }
0x57: {  	_ =	shalt  }
0x58: {  	_ =	shalt  }
0x59: {  	_ =	shalt  }
0x5a: {  	_ =	shalt  }
0x5b: {  	_ =	shalt  }
0x5c: {  	_ =	shalt  }
0x5d: {  	_ =	shalt  }
0x5e: {  	_ =	shalt  }
0x5f: {  	_ =	shalt  }
0x60: {  	_ =	shalt  }
0x61: {  	_ =	shalt  }
0x62: {  	_ =	shalt  }
0x63: {  	_ =	shalt  }
0x64: {  	_ =	shalt  }
0x65: {  	_ =	shalt  }
0x66: {  	_ =	shalt  }
0x67: {  	_ =	shalt  }
0x68: {  	_ =	shalt  }
0x69: {  	_ =	shalt  }
0x6a: {  	_ =	shalt  }
0x6b: {  	_ =	shalt  }
0x6c: {  	_ =	shalt  }
0x6d: {  	_ =	shalt  }
0x6e: {  	_ =	shalt  }
0x6f: {  	_ =	shalt  }
0x70: {  	_ =	shalt  }
0x71: {  	_ =	shalt  }
0x72: {  	_ =	shalt  }
0x73: {  	_ =	shalt  }
0x74: {  	_ =	shalt  }
0x75: {  	_ =	shalt  }
0x76: {  	_ =	shalt  }
0x77: {  	_ =	shalt  }
0x78: {  	_ =	shalt  }
0x79: {  	_ =	shalt  }
0x7a: {  	_ =	shalt  }
0x7b: {  	_ =	shalt  }
0x7c: {  	_ =	shalt  }
0x7d: {  	_ =	shalt  }
0x7e: {  	_ =	shalt  }
0x7f: {  	_ =	shalt  }
0x80: {  	_ =	shalt  }
0x81: {  	_ =	shalt  }
0x82: {  	_ =	shalt  }
0x83: {  	_ =	shalt  }
0x84: {  	_ =	shalt  }
0x85: {  	_ =	shalt  }
0x86: {  	_ =	shalt  }
0x87: {  	_ =	shalt  }
.Lfunc_end0:
.L_simem_size_0:
called_computation.2_lowered:
.L_overlay_start_0:
0x88: {  	s2 =	sld [smem:$0x3FD9]  }
0x89: {  	s3 =	sld [smem:$0x3FFE];
	_ =	sdelay $0x1  }
0x8a: {  	s1 =	srdreg.scid  }
0x8b: {  	s0 =	sand.u32 $0x1, s1  }
0x8c: {  	s16 =	sshll.u32 s0, $0xA;
	s2 =	sadd.s32 s3, s2  }
0x8d: {  	s2 =	sadd.s32 s2, s16  }
0x8e: {  	[smem:$0x3FBD] =	sst s2  }
0x8f: {  	_ = 	snop  }
0x90: {  	(tm) =	ssettm $0x1  }
0x91: {  	s17 =	sld [smem:$0x3FFB];
	_ =	sdelay $0x3  }
0x92: {  	_ =	strace s17  }
0x93: {  	s2 =	sld [smem:$0x3FFC];
	_ =	sdelay $0x3  }
0x94: {  	_ =	strace s2  }
0x95: {  	s2 =	sld [smem:$0x3FFD];
	_ =	sdelay $0x3  }
0x96: {  	_ =	strace s2  }
0x97: {  	_ =	strace $0x8FFFFFFF  }
0x98: {  	s18 =	sld [smem:$0x3FDB];
	_ =	sdelay $0x1  }
0x99: {  	s19 =	simm.s32 $_scs_section_size  }
0x9a: {  	s4 =	simm.s32 $_size__tile_overlayer_lowered;
	s5 =	simm.s32 $_tile_overlayer_lowered  }
0x9b: {  	s22 =	simm.s32 $0x1BFF;
	s21 =	sshll.u32 s5, $0x1;
	s2 =	sadd.s32 s19, s18  }
0x9c: {  	s6 =	simm.s32 $0x0;
	s20 =	sshll.u32 s4, $0x1;
	s4 =	sadd.s32 s21, s2  }
0x9d: {  	[timem:s6], [sflag:s22] =	dma.local [hbm:s4], s20  }
0x9e: {  	_ =	swait.ge [sflag:s22], s20  }
0x9f: {  	s3 =	ssub.s32 $0x0, s20;
	[sflag:s22] =	ssyncset.done $0x0  }
0xa0: {  	[sflag:s22] =	ssyncadd.s32 s3;
	_ =	sdelay $0x1  }
0xa1: {  	s23 =	simm.s32 $0x1B8B  }
0xa2: {  	_ =	swait.ge [sflag:s23], $0x1  }
0xa3: {  	[sflag:s23] =	ssyncset.done $0x0  }
0xa4: {  	s25 =	simm.s32 $0x1B8E;
	s24 =	sld [smem:$0x3FFE];
	[sflag:s23] =	ssyncadd.s32 $0xFFFFFFFF  }
0xa5: {  	s26 =	simm.s32 $execute0_lowered;
	[smem:$0x3FD2] =	sst s25  }
0xa6: {  	s4 =	sshll.u32 s26, $0x1;
	_ =	strace $0x8000004C;
	[dreg:$0x1] =	wrdreg $0xFFFFFFFF  }
0xa7: {  	s28 =	simm.s32 $_size_execute0_lowered;
	s2 =	sadd.s32 s2, s4;
	[dreg:$0x0] =	wrdreg $0x0  }
0xa8: {  	s4 =	sshll.u32 s28, $0x1;
	[dreg:$0x2] =	wrdreg s2  }
0xa9: {  	[dreg:$0x3] =	wrdreg s4  }
0xaa: {  	[dreg:$0x4] =	wrdreg $0xC0  }
0xab: {  	_ =	task [dreg:s6], $0x5FFFF  }
0xac: {  	[dreg:$0x1] =	wrdreg $0xFFFFFFFF  }
0xad: {  	[dreg:$0x0] =	wrdreg $0x60  }
0xae: {  	[dreg:$0x2] =	wrdreg s24  }
0xaf: {  	[dreg:$0x3] =	wrdreg $0x11F800  }
0xb0: {  	[dreg:$0x4] =	wrdreg $0x9  }
0xb1: {  	_ =	task.clear_ibuf [dreg:s6], $0x5FFFF;
	_ =	strace $0x9000004C  }
0xb2: {  	s29 =	simm.s32 $0x9;
	_ =	strace $0x8000004E  }
0xb3: {  	_ =	swait.ge [sflag:s29], $0x1  }
0xb4: {  	[sflag:s29] =	ssyncadd.s32 $0xFFFFFFFF  }
0xb5: {  	_ =	strace $0x9000004E  }
0xb6: {  	_ =	sfence  }
0xb7: {  	s30 =	sld [smem:$0x0];
	_ =	sdelay $0x2  }
0xb8: {  	s31 =	sshll.u32 s1, $0xD;
	s1 =	sshrl.u32 s1, $0x2  }
0xb9: {  	s3 =	sand.u32 $0x4000, s31;
	s1 =	sadd.s32 s1, s30  }
0xba: {  	s0 =	sor.u32 s3, s0;
	s1 =	sshll.u32 s1, $0x11  }
0xbb: {  	s0 =	sor.u32 s1, s0  }
0xbc: {  	s0 =	sadd.s32 $0x8F2B, s0  }
0xbd: {  	[sflag:s0] =	ssyncadd.remote.s32 $0x1  }
0xbe: {  	_ =	sfence.sel $0xFFFF  }
0xbf: {  	[dreg:$0x0] =	wrdreg $0xFFFFFFFF;
	(pc) =	sbr.abs _section_cstart, $3  }
0xc0: {  	[dreg:$0x1] =	wrdreg $0xFFFFFFFF  }
0xc1: {  	_ =	task.clear_ibuf [dreg:s6], $0x2FFFF;
	_ =	strace $0x9FFFFFFF  }
0xc2: {  	(tm) =	ssettm $0x7FFFFFFF  }
0xc3: {  	_ =	shalt  }
tec
execute0_lowered:
.L_overlay_start_1:
0x0: {  	(tag) =	ssettag $0x1  }
0x1: {  	s0 =	rddreg [dreg:$0x0]  }
0x2: {  	s1 =	rddreg [dreg:$0x1];
	s2 =	srdreg.scid  }
0x3: {  	s3 =	simm.s32 $0x0;
	s12 =	stileid.u32;
	s14 =	simm.s32 $0x6  }
0x4: {  	s16 =	simm.s32 $0x64;
	s17 =	simm.s32 $0xA280;
	s19 =	simm.s32 $0xBB80  }
0x5: {  	s21 =	simm.s32 $0xD480;
	s23 =	simm.s32 $0xED80;
	s28 =	simm.s32 $0x1  }
0x6: {  	s29 =	simm.s32 $0x2;
	s30 =	simm.s32 $0x3;
	s31 =	simm.s32 $0x4  }
0x7: {  	s20 =	simm.s32 $0xA1B0;
	s22 =	simm.s32 $0xA218;
	s4 =	smul.u32 $0xA28, s12  }
0x8: {  	s24 =	simm.s32 $0x0;
	s2 =	sand.u32 $0x1, s2;
	s8 =	smul.u32 $0x28000, s12  }
0x9: {  	[smem:$0x7FF] =	sst s3;
	s10 =	smul.u32 $0xA000, s12;
	p0 =	seq.s32 s12, $0xF  }
0xa: {  	s5 =	smul.u32 $0x9C400, s2;
	_ =	strace $0x8000004D;
	s2 =	ssub.s32 $0x2, s2  }
0xb: {  	s6 =	sadd.s32 s4, s0;
	s4 =	sadd.s32 $0x2400, s0;
	s11 =	sshrl.u32 s2, $0x1  }
0xc: {  	s8 =	sshrl.u32 s8, $0x2;
	s15 =	sadd.s32 s10, s1;
	s9 =	sshrl.u32 s5, $0x3  }
0xd: {  	s2 =	ssub.s32 s2, s11;
	s13 =	sadd.s32 s8, s1;
	s26 =	sadd.s32 s10, s5  }
0xe: {  	s11 =	sadd.s32 $0x96000, s1;
	s5 =	sadd.s32 $0x25400, s6;
	s6 =	sadd.s32 $0x1B000, s6  }
0xf: {  	s25 =	sshrl.u32 @!p0 s15, $0x3;
	s7 =	sadd.s32 s9, s0;
	s0 =	sadd.s32 $0xA4C00, s0  }
0x10: {  	s8 =	sshrl.u32 s26, $0x3;
	s10 =	smax.u32 s2, $0x1;
	s11 =	sshrl.u32 @p0 s11, $0x3  }
0x11: {  	s13 =	sshrl.u32 @!p0 s13, $0x3;
	s8 =	sadd.s32 s0, s8;
	s0 =	sadd.s32 s0, s9  }
0x12: {  	s26 =	simm.s32 $0x10680;
	s9 =	sadd.s32 $0x12C00, s0;
	s0 =	sshll.u32 @!p0 s12, $0x6  }
0x13: {  	s7 =	sadd.s32 $0x7DA00, s7;
	s12 =	sor.u32 @!p0 $0x1C06, s0;
	s0 =	simm.s32 $0x5  }
.LBB2_1:
0x14: {  	s2 =	simm.s32 @p0 $0x1FC6  }
0x15: {  	[spmem:s11], [sflag:s2] =	dma.local @p0 [hbm:s4], $0xC80  }
0x16: {  	s2 =	simm.s32 @p0 $0x6  }
0x17: {  	_ =	swait.ge @p0 [sflag:s2], $0xC80  }
0x18: {  	[sflag:s2] =	ssyncset.done @p0 $0x0  }
0x19: {  	[sflag:s2] =	ssyncadd.s32 @p0 $0xFFFFF380;
	s2 =	simm.s32 @!p0 $0x6  }
0x1a: {  	[spmem:s13], [sflag:s12] =	dma.local @!p0 [hbm:s4], $0x1400  }
0x1b: {  	_ =	swait.ge @!p0 [sflag:s2], $0x1400  }
0x1c: {  	[sflag:s2] =	ssyncset.done @!p0 $0x0  }
0x1d: {  	[sflag:s2] =	ssyncadd.s32 @!p0 $0xFFFFEC00  }
0x1e: {  	[tilespmem:s3], [sflag:$0x6] =	stream.linear.gather [hbm4b:s5+s3], $0x5140, $0x38;
	[tilespmem:$0x1BBE0] =	vst v63  }
0x1f: {  	_ =	swait.ge [sflag:s14], $0x5140  }
0x20: {  	[sflag:s14] =	ssyncset.done $0x0  }
0x21: {  	s15 =	simm.s32 $0x5140;
	[sflag:s14] =	ssyncadd.s32 $0xFFFFAEC0  }
0x22: {  	[tilespmem:s15], [sflag:$0x6] =	stream.linear.gather [hbm4b:s6+s3], $0x5140, $0x38;
	[tilespmem:$0x1BBE0] =	vst v63  }
0x23: {  	_ =	swait.ge [sflag:s14], $0x5140  }
0x24: {  	[sflag:s14] =	ssyncset.done $0x0  }
0x25: {  	[sflag:s14] =	ssyncadd.s32 $0xFFFFAEC0  }
0x26: {  	[bflag:$0x0] =	sbarrier.arrive $0xFFFF  }
0x27: {  	[tilespmem:s17], [sflag:$0x1] =	stream.indirect.gather [hbm4b:s7+s16], $0x40, s3, s16, $0xb8;
	[tilespmem:$0x1BBE0] =	vst v63  }
0x28: {  	s18 =	simm.s32 $0x68  }
0x29: {  	[tilespmem:s19], [sflag:$0x2] =	stream.indirect.gather [hbm4b:s7+s16], $0x40, s18, s16, $0xb8;
	[tilespmem:$0x1BBE0] =	vst v63  }
0x2a: {  	s15 =	simm.s32 $0xD0  }
0x2b: {  	[tilespmem:s21], [sflag:$0x3] =	stream.indirect.gather [hbm4b:s7+s16], $0x40, s15, s16, $0xb8;
	[tilespmem:$0x1BBE0] =	vst v63  }
0x2c: {  	s18 =	simm.s32 $0x138  }
0x2d: {  	[tilespmem:s23], [sflag:$0x4] =	stream.indirect.gather [hbm4b:s7+s16], $0x40, s18, s16, $0xb8;
	[tilespmem:$0x1BBE0] =	vst v63  }
0x2e: {  	s15 =	simm.s32 $0x1A0  }
0x2f: {  	[tilespmem:s26], [sflag:$0x5] =	stream.indirect.gather [hbm4b:s7+s16], $0x40, s15, s16, $0xb8;
	[tilespmem:$0x1BBE0] =	vst v63  }
0x30: {  	_ =	swait.ge [sflag:s28], $0x1900  }
0x31: {  	[sflag:s28] =	ssyncset.done $0x0  }
0x32: {  	s18 =	simm.s32 $0x5140;
	[sflag:s28] =	ssyncadd.s32 $0xFFFFE700  }
0x33: {  	[spmem:s1] =	stream.indirect.scatter.add.f32 [tilespmem:s17], [sflag:$0x6], $0x40, s18, s16, $0xb8;
	[tilespmem:$0x1BBE0] =	vst v63  }
0x34: {  	_ =	swait.ge [sflag:s14], $0x1900  }
0x35: {  	[sflag:s14] =	ssyncset.done $0x0  }
0x36: {  	s15 =	simm.s32 $0x208;
	[sflag:s14] =	ssyncadd.s32 $0xFFFFE700  }
0x37: {  	[tilespmem:s17], [sflag:$0x1] =	stream.indirect.gather [hbm4b:s7+s16], $0x40, s15, s16, $0xb8;
	[tilespmem:$0x1BBE0] =	vst v63  }
0x38: {  	_ =	swait.ge [sflag:s29], $0x1900  }
0x39: {  	[sflag:s29] =	ssyncset.done $0x0  }
0x3a: {  	s18 =	simm.s32 $0x51A8;
	[sflag:s29] =	ssyncadd.s32 $0xFFFFE700  }
0x3b: {  	[spmem:s1] =	stream.indirect.scatter.add.f32 [tilespmem:s19], [sflag:$0x6], $0x40, s18, s16, $0xb8;
	[tilespmem:$0x1BBE0] =	vst v63  }
0x3c: {  	_ =	swait.ge [sflag:s14], $0x1900  }
0x3d: {  	[sflag:s14] =	ssyncset.done $0x0  }
0x3e: {  	s15 =	simm.s32 $0x270;
	[sflag:s14] =	ssyncadd.s32 $0xFFFFE700  }
0x3f: {  	[tilespmem:s19], [sflag:$0x2] =	stream.indirect.gather [hbm4b:s7+s16], $0x40, s15, s16, $0xb8;
	[tilespmem:$0x1BBE0] =	vst v63  }
0x40: {  	_ =	swait.ge [sflag:s30], $0x1900  }
0x41: {  	[sflag:s30] =	ssyncset.done $0x0  }
0x42: {  	s18 =	simm.s32 $0x5210;
	[sflag:s30] =	ssyncadd.s32 $0xFFFFE700  }
0x43: {  	[spmem:s1] =	stream.indirect.scatter.add.f32 [tilespmem:s21], [sflag:$0x6], $0x40, s18, s16, $0xb8;
	[tilespmem:$0x1BBE0] =	vst v63  }
0x44: {  	_ =	swait.ge [sflag:s14], $0x1900  }
0x45: {  	[sflag:s14] =	ssyncset.done $0x0  }
0x46: {  	s15 =	simm.s32 $0x2D8;
	[sflag:s14] =	ssyncadd.s32 $0xFFFFE700  }
0x47: {  	[tilespmem:s21], [sflag:$0x3] =	stream.indirect.gather [hbm4b:s7+s16], $0x40, s15, s16, $0xb8;
	[tilespmem:$0x1BBE0] =	vst v63  }
0x48: {  	_ =	swait.ge [sflag:s31], $0x1900  }
0x49: {  	[sflag:s31] =	ssyncset.done $0x0  }
0x4a: {  	s18 =	simm.s32 $0x5278;
	[sflag:s31] =	ssyncadd.s32 $0xFFFFE700  }
0x4b: {  	[spmem:s1] =	stream.indirect.scatter.add.f32 [tilespmem:s23], [sflag:$0x6], $0x40, s18, s16, $0xb8;
	[tilespmem:$0x1BBE0] =	vst v63  }
0x4c: {  	_ =	swait.ge [sflag:s14], $0x1900  }
0x4d: {  	[sflag:s14] =	ssyncset.done $0x0  }
0x4e: {  	s15 =	simm.s32 $0x340;
	[sflag:s14] =	ssyncadd.s32 $0xFFFFE700  }
0x4f: {  	[tilespmem:s23], [sflag:$0x4] =	stream.indirect.gather [hbm4b:s7+s16], $0x40, s15, s16, $0xb8;
	[tilespmem:$0x1BBE0] =	vst v63  }
0x50: {  	_ =	swait.ge [sflag:s0], $0x1900  }
0x51: {  	[sflag:s0] =	ssyncset.done $0x0  }
0x52: {  	s18 =	simm.s32 $0x52E0;
	[sflag:s0] =	ssyncadd.s32 $0xFFFFE700  }
0x53: {  	[spmem:s1] =	stream.indirect.scatter.add.f32 [tilespmem:s26], [sflag:$0x6], $0x40, s18, s16, $0xb8;
	[tilespmem:$0x1BBE0] =	vst v63  }
0x54: {  	_ =	swait.ge [sflag:s14], $0x1900  }
0x55: {  	[sflag:s14] =	ssyncset.done $0x0  }
0x56: {  	s2 =	simm.s32 $0x820;
	s15 =	simm.s32 $0x3A8;
	[sflag:s14] =	ssyncadd.s32 $0xFFFFE700  }
.LBB2_2:
0x57: {  	[tilespmem:s26], [sflag:$0x5] =	stream.indirect.gather [hbm4b:s7+s16], $0x40, s15, s16, $0xb8;
	[tilespmem:$0x1BBE0] =	vst v63  }
0x58: {  	s15 =	smov.u32 s2  }
0x59: {  	p1 =	sne.s32 s2, $0x134C0;
	s2 =	sadd.s32 $0x820, s2;
	_ =	swait.ge [sflag:s28], $0x1900  }
0x5a: {  	s15 =	sshra.s32 s15, $0x2;
	[sflag:s28] =	ssyncset.done $0x0  }
0x5b: {  	s18 =	sadd.s32 $0x5140, s15;
	[sflag:s28] =	ssyncadd.s32 $0xFFFFE700  }
0x5c: {  	[spmem:s1] =	stream.indirect.scatter.add.f32 [tilespmem:s17], [sflag:$0x6], $0x40, s18, s16, $0xb8;
	[tilespmem:$0x1BBE0] =	vst v63  }
0x5d: {  	_ =	swait.ge [sflag:s14], $0x1900  }
0x5e: {  	[sflag:s14] =	ssyncset.done $0x0  }
0x5f: {  	s18 =	sadd.s32 $0x208, s15;
	[sflag:s14] =	ssyncadd.s32 $0xFFFFE700  }
0x60: {  	[tilespmem:s17], [sflag:$0x1] =	stream.indirect.gather [hbm4b:s7+s16], $0x40, s18, s16, $0xb8;
	[tilespmem:$0x1BBE0] =	vst v63  }
0x61: {  	_ =	swait.ge [sflag:s29], $0x1900  }
0x62: {  	[sflag:s29] =	ssyncset.done $0x0  }
0x63: {  	s18 =	sadd.s32 $0x51A8, s15;
	[sflag:s29] =	ssyncadd.s32 $0xFFFFE700  }
0x64: {  	[spmem:s1] =	stream.indirect.scatter.add.f32 [tilespmem:s19], [sflag:$0x6], $0x40, s18, s16, $0xb8;
	[tilespmem:$0x1BBE0] =	vst v63  }
0x65: {  	_ =	swait.ge [sflag:s14], $0x1900  }
0x66: {  	[sflag:s14] =	ssyncset.done $0x0  }
0x67: {  	s18 =	sadd.s32 $0x270, s15;
	[sflag:s14] =	ssyncadd.s32 $0xFFFFE700  }
0x68: {  	[tilespmem:s19], [sflag:$0x2] =	stream.indirect.gather [hbm4b:s7+s16], $0x40, s18, s16, $0xb8;
	[tilespmem:$0x1BBE0] =	vst v63  }
0x69: {  	_ =	swait.ge [sflag:s30], $0x1900  }
0x6a: {  	[sflag:s30] =	ssyncset.done $0x0  }
0x6b: {  	s18 =	sadd.s32 $0x5210, s15;
	[sflag:s30] =	ssyncadd.s32 $0xFFFFE700  }
0x6c: {  	[spmem:s1] =	stream.indirect.scatter.add.f32 [tilespmem:s21], [sflag:$0x6], $0x40, s18, s16, $0xb8;
	[tilespmem:$0x1BBE0] =	vst v63  }
0x6d: {  	_ =	swait.ge [sflag:s14], $0x1900  }
0x6e: {  	[sflag:s14] =	ssyncset.done $0x0  }
0x6f: {  	s18 =	sadd.s32 $0x2D8, s15;
	[sflag:s14] =	ssyncadd.s32 $0xFFFFE700  }
0x70: {  	[tilespmem:s21], [sflag:$0x3] =	stream.indirect.gather [hbm4b:s7+s16], $0x40, s18, s16, $0xb8;
	[tilespmem:$0x1BBE0] =	vst v63  }
0x71: {  	_ =	swait.ge [sflag:s31], $0x1900  }
0x72: {  	[sflag:s31] =	ssyncset.done $0x0  }
0x73: {  	s18 =	sadd.s32 $0x5278, s15;
	[sflag:s31] =	ssyncadd.s32 $0xFFFFE700  }
0x74: {  	[spmem:s1] =	stream.indirect.scatter.add.f32 [tilespmem:s23], [sflag:$0x6], $0x40, s18, s16, $0xb8;
	[tilespmem:$0x1BBE0] =	vst v63  }
0x75: {  	_ =	swait.ge [sflag:s14], $0x1900  }
0x76: {  	[sflag:s14] =	ssyncset.done $0x0  }
0x77: {  	s18 =	sadd.s32 $0x340, s15;
	[sflag:s14] =	ssyncadd.s32 $0xFFFFE700  }
0x78: {  	[tilespmem:s23], [sflag:$0x4] =	stream.indirect.gather [hbm4b:s7+s16], $0x40, s18, s16, $0xb8;
	[tilespmem:$0x1BBE0] =	vst v63  }
0x79: {  	_ =	swait.ge [sflag:s0], $0x1900  }
0x7a: {  	[sflag:s0] =	ssyncset.done $0x0  }
.Ltmp0:
0x7b: {  	s18 =	sadd.s32 $0x52E0, s15;
	[sflag:s0] =	ssyncadd.s32 $0xFFFFE700;
	(pc) =	sbr.rel @p1 .LBB2_2-.Ltmp0, $4  }
0x7c: {  	[spmem:s1] =	stream.indirect.scatter.add.f32 [tilespmem:s26], [sflag:$0x6], $0x40, s18, s16, $0xb8;
	[tilespmem:$0x1BBE0] =	vst v63  }
0x7d: {  	_ =	swait.ge [sflag:s14], $0x1900  }
0x7e: {  	[sflag:s14] =	ssyncset.done $0x0  }
0x7f: {  	s15 =	sadd.s32 $0x3A8, s15;
	[sflag:s14] =	ssyncadd.s32 $0xFFFFE700  }
0x80: {  	[tilespmem:s26], [sflag:$0x5] =	stream.indirect.gather [hbm4b:s7+s16], $0x40, s15, s16, $0xb8;
	[tilespmem:$0x1BBE0] =	vst v63  }
0x81: {  	_ =	swait.ge [sflag:s28], $0x1900  }
0x82: {  	[sflag:s28] =	ssyncset.done $0x0  }
0x83: {  	s2 =	simm.s32 $0xA078;
	[sflag:s28] =	ssyncadd.s32 $0xFFFFE700  }
0x84: {  	[spmem:s1] =	stream.indirect.scatter.add.f32 [tilespmem:s17], [sflag:$0x6], $0x40, s2, s16, $0xb8;
	[tilespmem:$0x1BBE0] =	vst v63  }
0x85: {  	_ =	swait.ge [sflag:s14], $0x1900  }
0x86: {  	[sflag:s14] =	ssyncset.done $0x0  }
0x87: {  	[sflag:s14] =	ssyncadd.s32 $0xFFFFE700  }
0x88: {  	_ =	swait.ge [sflag:s29], $0x1900  }
0x89: {  	[sflag:s29] =	ssyncset.done $0x0  }
0x8a: {  	s15 =	simm.s32 $0xA0E0;
	[sflag:s29] =	ssyncadd.s32 $0xFFFFE700  }
0x8b: {  	[spmem:s1] =	stream.indirect.scatter.add.f32 [tilespmem:s19], [sflag:$0x6], $0x40, s15, s16, $0xb8;
	[tilespmem:$0x1BBE0] =	vst v63  }
0x8c: {  	_ =	swait.ge [sflag:s14], $0x1900  }
0x8d: {  	[sflag:s14] =	ssyncset.done $0x0  }
0x8e: {  	[sflag:s14] =	ssyncadd.s32 $0xFFFFE700  }
0x8f: {  	_ =	swait.ge [sflag:s30], $0x1900  }
0x90: {  	[sflag:s30] =	ssyncset.done $0x0  }
0x91: {  	s18 =	simm.s32 $0xA148;
	[sflag:s30] =	ssyncadd.s32 $0xFFFFE700  }
0x92: {  	[spmem:s1] =	stream.indirect.scatter.add.f32 [tilespmem:s21], [sflag:$0x6], $0x40, s18, s16, $0xb8;
	[tilespmem:$0x1BBE0] =	vst v63  }
0x93: {  	_ =	swait.ge [sflag:s14], $0x1900  }
0x94: {  	[sflag:s14] =	ssyncset.done $0x0  }
0x95: {  	[sflag:s14] =	ssyncadd.s32 $0xFFFFE700  }
0x96: {  	_ =	swait.ge [sflag:s31], $0x1900  }
0x97: {  	[sflag:s31] =	ssyncset.done $0x0  }
0x98: {  	[sflag:s31] =	ssyncadd.s32 $0xFFFFE700  }
0x99: {  	[spmem:s1] =	stream.indirect.scatter.add.f32 [tilespmem:s23], [sflag:$0x6], $0x40, s20, s16, $0xb8;
	[tilespmem:$0x1BBE0] =	vst v63  }
0x9a: {  	_ =	swait.ge [sflag:s14], $0x1900  }
0x9b: {  	[sflag:s14] =	ssyncset.done $0x0  }
0x9c: {  	[sflag:s14] =	ssyncadd.s32 $0xFFFFE700  }
0x9d: {  	_ =	swait.ge [sflag:s0], $0x1900  }
0x9e: {  	[sflag:s0] =	ssyncset.done $0x0  }
0x9f: {  	[sflag:s0] =	ssyncadd.s32 $0xFFFFE700  }
0xa0: {  	[spmem:s1] =	stream.indirect.scatter.add.f32 [tilespmem:s26], [sflag:$0x6], $0x40, s22, s16, $0xb8;
	[tilespmem:$0x1BBE0] =	vst v63  }
0xa1: {  	_ =	swait.ge [sflag:s14], $0x1900  }
0xa2: {  	[sflag:s14] =	ssyncset.done $0x0  }
0xa3: {  	[sflag:s14] =	ssyncadd.s32 $0xFFFFE700  }
0xa4: {  	s2 =	simm.s32 @p0 $0x1FC6;
	[bflag:$0x0] =	sbarrier.arrive $0xFFFF  }
0xa5: {  	[hbm:s9], [sflag:s2] =	dma.local @p0 [spmem:s11], $0xC80  }
0xa6: {  	s2 =	simm.s32 @p0 $0x6  }
0xa7: {  	s24 =	sadd.s32 $0x1, s24;
	_ =	swait.ge @p0 [sflag:s2], $0xC80  }
0xa8: {  	p1 =	sne.s32 s24, s10;
	[sflag:s2] =	ssyncset.done @p0 $0x0  }
.Ltmp1:
0xa9: {  	[sflag:s2] =	ssyncadd.s32 @p0 $0xFFFFF380;
	s2 =	simm.s32 @!p0 $0x6;
	(pc) =	sbr.rel @p1 .LBB2_1-.Ltmp1, $4  }
0xaa: {  	[hbm:s8], [sflag:s12] =	dma.local @!p0 [spmem:s25], $0x1400  }
0xab: {  	_ =	swait.ge @!p0 [sflag:s2], $0x1400  }
0xac: {  	[sflag:s2] =	ssyncset.done @!p0 $0x0  }
0xad: {  	[sflag:s2] =	ssyncadd.s32 @!p0 $0xFFFFEC00  }
0xae: {  	_ =	sfence.sel $0x180000  }
0xaf: {  	[bflag:$0x0] =	sbarrier.arrive $0xFFFF  }
0xb0: {  	_ =	strace $0x9000004D  }
0xb1: {  	s0 =	stileid.u32;
	[bflag:$0x2] =	sbarrier.arrive $0xFFFF  }
0xb2: {  	p0 =	sne.s32 s0, $0x0;
	s0 =	rddreg [dreg:$0x2]  }
0xb3: {  	s0 =	sadd.s32 @!p0 $0x100000, s0  }
0xb4: {  	[sflag:s0] =	ssyncadd.tile.s32 @!p0 $0x1;
	_ =	shalt  }
.Lfunc_end2:
_tile_overlayer_lowered:
.L_overlay_start_2:
0xb5: {  	(tag) =	ssettag $0x2  }
0xb6: {  	s0 =	rddreg [dreg:$0x0];
	s2 =	stileid.u32  }
0xb7: {  	s1 =	rddreg [dreg:$0x1];
	p0 =	sne.s32 s2, $0x0  }
0xb8: {  	s3 =	rddreg [dreg:$0x2];
	[bflag:$0x3] =	sbarrier.arrive $0xFFFF;
	s2 =	simm.s32 @!p0 $0x1C06  }
0xb9: {  	[timem:s3], [sflag:s2] =	dma.local @!p0 [hbm:s0], s1  }
0xba: {  	s0 =	simm.s32 @!p0 $0x6  }
0xbb: {  	_ =	swait.ge @!p0 [sflag:s0], s1  }
0xbc: {  	s1 =	ssub.s32 @!p0 $0x0, s1;
	[sflag:s0] =	ssyncset.done @!p0 $0x0  }
0xbd: {  	[sflag:s0] =	ssyncadd.s32 @!p0 s1  }
0xbe: {  	[bflag:$0x3] =	sbarrier.arrive $0xFFFF  }
0xbf: {  	_ =	shalt  }

// kernel: kernel.8.cloned.1.call-start
scs
__scs_entry_jumppad:
0x0: {  	(pc) =	sbr.rel $0x88, $3  }
0x1: {  	(tag) =	ssettag $0x0;
	lr =	simm.s32 $0x1  }
0x2: {  	[smem:$0x3F96] =	sst lr;
	_ =	strace $0xD0000000  }
0x3: {  	_ = 	snop  }
0x4: {  	_ = 	snop  }
0x5: {  	_ = 	snop  }
0x6: {  	_ = 	snop  }
0x7: {  	_ = 	snop  }
__scs_overlays_trampoline_lowered:
0x8: {  	[smem:$0x3FA5] =	sst s0  }
0x9: {  	[smem:$0x3FA6] =	sst s1  }
0xa: {  	[smem:$0x3FA7] =	sst s2  }
0xb: {  	[smem:$0x3FA8] =	sst s3  }
0xc: {  	[smem:$0x3FA9] =	sst s4  }
0xd: {  	[smem:$0x3FAA] =	sst s5  }
0xe: {  	[smem:$0x3FAB] =	sst s6  }
0xf: {  	[smem:$0x3FAC] =	sst s7  }
0x10: {  	[smem:$0x3FAD] =	sst s8  }
0x11: {  	[smem:$0x3FAE] =	sst s9;
	s0 =	simm.s32 @!p0 $0x0  }
0x12: {  	s1 =	sld [smem:$0x3F94];
	s0 =	simm.s32 @p0 $0x1  }
0x13: {  	[smem:$0x3FAF] =	sst s0;
	s0 =	simm.s32 @!p1 $0x0  }
0x14: {  	s2 =	sld [smem:$0x3F93];
	s0 =	simm.s32 @p1 $0x1  }
0x15: {  	[smem:$0x3FB0] =	sst s0;
	s0 =	simm.s32 @!p2 $0x0  }
0x16: {  	s3 =	sld [smem:$0x3FDB];
	s0 =	simm.s32 @p2 $0x1  }
0x17: {  	s4 =	simm.s32 $0x1BF5;
	[smem:$0x3FB2] =	sst s0  }
0x18: {  	s0 =	sld [smem:$0x3F95];
	_ =	swait.ge [sflag:s4], $0x0  }
0x19: {  	s7 =	sld [smem:$0x3F96]  }
0x1a: {  	s8 =	sadd.s32 $0xFFFFE003, lr  }
0x1b: {  	s9 =	sadd.s32 $0xFFFFFEF7, lr;
	s5 =	simm.s32 $0xFFFFFFFF;
	p2 =	slt.u32 s8, $0xFFFFF086  }
0x1c: {  	p1 =	slt.u32 s9, $0xF7A;
	s5 =	simm.s32 @!p2 $0x0  }
0x1d: {  	s5 =	simm.s32 @p1 $0x1;
	p0 =	seq.s32 s7, s2  }
0x1e: {  	s7 =	smul.u32 @!p0 $0xF7A, s2;
	p2 =	seq.s32 @!p0 s5, $0x0  }
0x1f: {  	s9 =	smul.u32 $0xF7A, s1;
	s8 =	simm.s32 @!p0 $0x1BF5;
	p2 =	por !p2, p0  }
0x20: {  	[sflag:s8] =	ssyncset.s32 @!p0 $0xFFFFF086;
	s6 =	sadd.s32 @!p0 s3, s7;
	s7 =	simm.s32 @!p0 $0x108  }
0x21: {  	s3 =	sadd.s32 s3, s9;
	s6 =	sadd.s32 @!p0 $0x88, s6;
	s7 =	simm.s32 @p2 $0x1082  }
0x22: {  	[simem:s7], [sflag:s8] =	dma.local @!p0 [hbm:s6], $0xF7A  }
0x23: {  	s9 =	sor.u32 $0xD0000000, s2;
	s6 =	simm.s32 $0x108;
	_ =	swait.ge @!p0 [sflag:s8], $0x0  }
0x24: {  	s3 =	sadd.s32 $0x88, s3;
	s6 =	simm.s32 @!p1 $0x1082;
	[sflag:s4] =	ssyncset.s32 $0xFFFFF086  }
0x25: {  	[simem:s6], [sflag:s4] =	dma.local [hbm:s3], $0xF7A  }
0x26: {  	[smem:$0x3F96] =	sst s1;
	(tag) =	ssettag s2;
	_ =	strace s9  }
0x27: {  	s1 =	sld [smem:$0x3FA6]  }
0x28: {  	s2 =	sld [smem:$0x3FA7]  }
0x29: {  	s4 =	sld [smem:$0x3FA9]  }
0x2a: {  	p0 =	seq.s32 s5, $0x0;
	s5 =	sld [smem:$0x3FAA]  }
0x2b: {  	s6 =	sld [smem:$0x3FAB]  }
0x2c: {  	s7 =	sld [smem:$0x3FAC]  }
0x2d: {  	s3 =	simm.s32 $0x108;
	s8 =	sld [smem:$0x3FAD]  }
0x2e: {  	s3 =	simm.s32 @!p0 $0x1082;
	s9 =	sld [smem:$0x3FAE]  }
0x2f: {  	lr =	sadd.s32 s0, s3;
	s0 =	sld [smem:$0x3FA5]  }
0x30: {  	s3 =	sld [smem:$0x3FA8]  }
0x31: {  	[smem:$0x3FB1] =	sst s10  }
0x32: {  	s10 =	sld [smem:$0x3FAF];
	_ =	sdelay $0x3  }
0x33: {  	p0 =	seq.s32 s10, $0x1;
	s10 =	sld [smem:$0x3FB1];
	_ =	sdelay $0x3  }
0x34: {  	[smem:$0x3FB1] =	sst s10  }
0x35: {  	s10 =	sld [smem:$0x3FB0];
	_ =	sdelay $0x3  }
0x36: {  	p1 =	seq.s32 s10, $0x1;
	s10 =	sld [smem:$0x3FB1];
	_ =	sdelay $0x3  }
0x37: {  	[smem:$0x3FB1] =	sst s10  }
0x38: {  	s10 =	sld [smem:$0x3FB2]  }
0x39: {  	_ = 	snop;
	(pc) =	sbr.ind lr, $3  }
0x3a: {  	_ = 	snop  }
0x3b: {  	_ = 	snop  }
0x3c: {  	p2 =	seq.s32 s10, $0x1;
	s10 =	sld [smem:$0x3FB1]  }
0x3d: {  	_ =	shalt  }
0x3e: {  	_ =	shalt  }
0x3f: {  	_ =	shalt  }
0x40: {  	_ =	shalt  }
0x41: {  	_ =	shalt  }
0x42: {  	_ =	shalt  }
0x43: {  	_ =	shalt  }
0x44: {  	_ =	shalt  }
0x45: {  	_ =	shalt  }
0x46: {  	_ =	shalt  }
0x47: {  	_ =	shalt  }
0x48: {  	_ =	shalt  }
0x49: {  	_ =	shalt  }
0x4a: {  	_ =	shalt  }
0x4b: {  	_ =	shalt  }
0x4c: {  	_ =	shalt  }
0x4d: {  	_ =	shalt  }
0x4e: {  	_ =	shalt  }
0x4f: {  	_ =	shalt  }
0x50: {  	_ =	shalt  }
0x51: {  	_ =	shalt  }
0x52: {  	_ =	shalt  }
0x53: {  	_ =	shalt  }
0x54: {  	_ =	shalt  }
0x55: {  	_ =	shalt  }
0x56: {  	_ =	shalt  }
0x57: {  	_ =	shalt  }
0x58: {  	_ =	shalt  }
0x59: {  	_ =	shalt  }
0x5a: {  	_ =	shalt  }
0x5b: {  	_ =	shalt  }
0x5c: {  	_ =	shalt  }
0x5d: {  	_ =	shalt  }
0x5e: {  	_ =	shalt  }
0x5f: {  	_ =	shalt  }
0x60: {  	_ =	shalt  }
0x61: {  	_ =	shalt  }
0x62: {  	_ =	shalt  }
0x63: {  	_ =	shalt  }
0x64: {  	_ =	shalt  }
0x65: {  	_ =	shalt  }
0x66: {  	_ =	shalt  }
0x67: {  	_ =	shalt  }
0x68: {  	_ =	shalt  }
0x69: {  	_ =	shalt  }
0x6a: {  	_ =	shalt  }
0x6b: {  	_ =	shalt  }
0x6c: {  	_ =	shalt  }
0x6d: {  	_ =	shalt  }
0x6e: {  	_ =	shalt  }
0x6f: {  	_ =	shalt  }
0x70: {  	_ =	shalt  }
0x71: {  	_ =	shalt  }
0x72: {  	_ =	shalt  }
0x73: {  	_ =	shalt  }
0x74: {  	_ =	shalt  }
0x75: {  	_ =	shalt  }
0x76: {  	_ =	shalt  }
0x77: {  	_ =	shalt  }
0x78: {  	_ =	shalt  }
0x79: {  	_ =	shalt  }
0x7a: {  	_ =	shalt  }
0x7b: {  	_ =	shalt  }
0x7c: {  	_ =	shalt  }
0x7d: {  	_ =	shalt  }
0x7e: {  	_ =	shalt  }
0x7f: {  	_ =	shalt  }
0x80: {  	_ =	shalt  }
0x81: {  	_ =	shalt  }
0x82: {  	_ =	shalt  }
0x83: {  	_ =	shalt  }
0x84: {  	_ =	shalt  }
0x85: {  	_ =	shalt  }
0x86: {  	_ =	shalt  }
0x87: {  	_ =	shalt  }
.Lfunc_end0:
.L_simem_size_0:
called_computation_lowered:
.L_overlay_start_0:
0x88: {  	s2 =	sld [smem:$0x3FD9]  }
0x89: {  	s3 =	sld [smem:$0x3FFE];
	_ =	sdelay $0x1  }
0x8a: {  	s1 =	srdreg.scid  }
0x8b: {  	s0 =	sand.u32 $0x1, s1  }
0x8c: {  	s17 =	sshll.u32 s0, $0xA;
	s2 =	sadd.s32 s3, s2  }
0x8d: {  	s2 =	sadd.s32 s2, s17  }
0x8e: {  	[smem:$0x3FBD] =	sst s2  }
0x8f: {  	_ = 	snop  }
0x90: {  	s2 =	sld [smem:$0x3FD0];
	(tm) =	ssettm $0x1  }
0x91: {  	s18 =	sld [smem:$0x3FFB];
	_ =	sdelay $0x3  }
0x92: {  	_ =	strace s18  }
0x93: {  	s3 =	sld [smem:$0x3FFC];
	_ =	sdelay $0x3  }
0x94: {  	_ =	strace s3  }
0x95: {  	s3 =	sld [smem:$0x3FFD];
	_ =	sdelay $0x3  }
0x96: {  	_ =	strace s3  }
0x97: {  	_ =	strace $0x8FFFFFFF  }
0x98: {  	s19 =	sld [smem:$0x3FDB];
	_ =	sdelay $0x1  }
0x99: {  	s4 =	simm.s32 $_scs_section_size  }
0x9a: {  	s5 =	simm.s32 $_size__tile_overlayer_lowered;
	s6 =	simm.s32 $_tile_overlayer_lowered  }
0x9b: {  	s22 =	simm.s32 $0x1BFF;
	s21 =	sshll.u32 s6, $0x1;
	s3 =	sadd.s32 s4, s19  }
0x9c: {  	s7 =	simm.s32 $0x0;
	s20 =	sshll.u32 s5, $0x1;
	s5 =	sadd.s32 s21, s3  }
0x9d: {  	[timem:s7], [sflag:s22] =	dma.local [hbm:s5], s20  }
0x9e: {  	_ =	swait.ge [sflag:s22], s20  }
0x9f: {  	s4 =	ssub.s32 $0x0, s20;
	[sflag:s22] =	ssyncset.done $0x0  }
0xa0: {  	[sflag:s22] =	ssyncadd.s32 s4;
	_ =	sdelay $0x1  }
0xa1: {  	s23 =	simm.s32 $0x1B8B  }
0xa2: {  	_ =	swait.ge [sflag:s23], $0x1  }
0xa3: {  	[sflag:s23] =	ssyncset.done $0x0  }
0xa4: {  	s25 =	simm.s32 $0x1B8E;
	s24 =	sld [smem:$0x3FFE];
	[sflag:s23] =	ssyncadd.s32 $0xFFFFFFFF  }
0xa5: {  	s26 =	simm.s32 $execute0_lowered;
	[smem:$0x3FD2] =	sst s25  }
0xa6: {  	s5 =	sshll.u32 s26, $0x1;
	_ =	strace $0x80000046;
	[dreg:$0x1] =	wrdreg $0xFFFFFFFF  }
0xa7: {  	s28 =	simm.s32 $_size_execute0_lowered;
	s3 =	sadd.s32 s3, s5;
	[dreg:$0x0] =	wrdreg $0x0  }
0xa8: {  	s5 =	sshll.u32 s28, $0x1;
	[dreg:$0x2] =	wrdreg s3  }
0xa9: {  	[dreg:$0x3] =	wrdreg s5  }
0xaa: {  	[dreg:$0x4] =	wrdreg $0xC0  }
0xab: {  	_ =	task [dreg:s7], $0x5FFFF  }
0xac: {  	[dreg:$0x1] =	wrdreg $0xFFFFFFFF  }
0xad: {  	[dreg:$0x0] =	wrdreg $0x60  }
0xae: {  	[dreg:$0x2] =	wrdreg s24  }
0xaf: {  	[dreg:$0x3] =	wrdreg s2  }
0xb0: {  	[dreg:$0x4] =	wrdreg $0x2F800  }
0xb1: {  	[dreg:$0x5] =	wrdreg $0x9  }
0xb2: {  	_ =	task.clear_ibuf [dreg:s7], $0x6FFFF;
	_ =	strace $0x90000046  }
0xb3: {  	s29 =	simm.s32 $0x9;
	_ =	strace $0x80000048  }
0xb4: {  	_ =	swait.ge [sflag:s29], $0x1  }
0xb5: {  	[sflag:s29] =	ssyncadd.s32 $0xFFFFFFFF  }
0xb6: {  	_ =	strace $0x90000048  }
0xb7: {  	_ =	sfence  }
0xb8: {  	s30 =	sld [smem:$0x0];
	_ =	sdelay $0x2  }
0xb9: {  	s31 =	sshll.u32 s1, $0xD;
	s1 =	sshrl.u32 s1, $0x2  }
0xba: {  	s3 =	sand.u32 $0x4000, s31;
	s1 =	sadd.s32 s1, s30  }
0xbb: {  	s0 =	sor.u32 s3, s0;
	s1 =	sshll.u32 s1, $0x11  }
0xbc: {  	s0 =	sor.u32 s1, s0  }
0xbd: {  	s0 =	sadd.s32 $0x8F2B, s0  }
0xbe: {  	[sflag:s0] =	ssyncadd.remote.s32 $0x1  }
0xbf: {  	_ =	sfence.sel $0xFFFF  }
0xc0: {  	[dreg:$0x0] =	wrdreg $0xFFFFFFFF;
	(pc) =	sbr.abs _section_cstart, $3  }
0xc1: {  	[dreg:$0x1] =	wrdreg $0xFFFFFFFF  }
0xc2: {  	_ =	task.clear_ibuf [dreg:s7], $0x2FFFF;
	_ =	strace $0x9FFFFFFF  }
0xc3: {  	(tm) =	ssettm $0x7FFFFFFF  }
tec
execute0_lowered:
.L_overlay_start_1:
0x0: {  	(tag) =	ssettag $0x1  }
0x1: {  	s5 =	rddreg [dreg:$0x0]  }
0x2: {  	s0 =	srdreg.scid;
	s1 =	rddreg [dreg:$0x1]  }
0x3: {  	s7 =	stileid.u32;
	s2 =	rddreg [dreg:$0x2]  }
0x4: {  	s3 =	simm.s32 $0x0;
	s11 =	simm.s32 $0x80;
	s12 =	simm.s32 $0x1  }
0x5: {  	s13 =	simm.s32 $0x2;
	s14 =	simm.s32 $0x2700;
	s15 =	simm.s32 $0x0  }
0x6: {  	s4 =	sand.u32 $0x1, s0;
	[smem:$0x7FF] =	sst s3;
	p0 =	sne.s32 s7, $0x0  }
0x7: {  	s0 =	sshll.u32 s4, $0x4;
	s8 =	smul.u32 $0x4E20, s4;
	s9 =	ssub.s32 $0x2, s4  }
0x8: {  	s4 =	sadd.s32 $0xC200, s5;
	s6 =	sor.u32 s7, s0;
	s0 =	rddreg [dreg:$0x3]  }
0x9: {  	_ =	strace $0x80000047;
	s10 =	sshrl.u32 s9, $0x1;
	s6 =	smul.u32 $0x4F0, s6  }
0xa: {  	s8 =	sadd.s32 s8, s5;
	s9 =	ssub.s32 s9, s10;
	s10 =	simm.s32 $0x2780  }
0xb: {  	s7 =	smax.u32 s9, $0x1;
	s9 =	simm.s32 $0x3;
	s6 =	sadd.s32 s6, s5  }
0xc: {  	s5 =	sadd.s32 $0x2400, s6;
	s6 =	sadd.s32 $0x11200, s8;
	s8 =	sshrl.u32 @!p0 s2, $0x3  }
.LBB2_1:
0xd: {  	s16 =	simm.s32 @!p0 $0x1C03  }
0xe: {  	[spmem:s8], [sflag:s16] =	dma.local @!p0 [hbm:s4], $0x4E20  }
0xf: {  	s16 =	simm.s32 @!p0 $0x3  }
0x10: {  	_ =	swait.ge @!p0 [sflag:s16], $0x4E20  }
0x11: {  	[sflag:s16] =	ssyncset.done @!p0 $0x0  }
0x12: {  	[sflag:s16] =	ssyncadd.s32 @!p0 $0xFFFFB1E0  }
0x13: {  	[tilespmem:s3], [sflag:$0x3] =	stream.linear.gather [hbm4b:s5+s3], $0x2780, $0x38;
	[tilespmem:$0x5698] =	vst v63  }
0x14: {  	_ =	swait.ge [sflag:s9], $0x2780  }
0x15: {  	[sflag:s9] =	ssyncset.done $0x0  }
0x16: {  	[sflag:s9] =	ssyncadd.s32 $0xFFFFD880  }
0x17: {  	[tilespmem:s10], [sflag:$0x3] =	stream.linear.gather [hbm4b:s1+s3], $0x800, $0x38;
	[tilespmem:$0x5698] =	vst v63  }
0x18: {  	_ =	swait.ge [sflag:s9], $0x800  }
0x19: {  	[sflag:s9] =	ssyncset.done $0x0  }
0x1a: {  	[sflag:s9] =	ssyncadd.s32 $0xFFFFF800  }
0x1b: {  	[bflag:$0x0] =	sbarrier.arrive $0xFFFF  }
0x1c: {  	[spmem:s2] =	stream.indirect.scatter.add.f32 [tilespmem:s10], [sflag:$0x1], $0x10, s3, s11, $0xb8;
	[tilespmem:$0x5698] =	vst v63  }
0x1d: {  	_ = 	snop  }
0x1e: {  	[spmem:s2] =	stream.indirect.scatter.add.f32 [tilespmem:s10], [sflag:$0x2], $0x10, s11, s11, $0xb8;
	[tilespmem:$0x5698] =	vst v63  }
0x1f: {  	_ =	swait.ge [sflag:s12], $0x800  }
0x20: {  	[sflag:s12] =	ssyncset.done $0x0  }
0x21: {  	s31 =	simm.s32 $0x100;
	[sflag:s12] =	ssyncadd.s32 $0xFFFFF800  }
0x22: {  	[spmem:s2] =	stream.indirect.scatter.add.f32 [tilespmem:s10], [sflag:$0x1], $0x10, s31, s11, $0xb8;
	[tilespmem:$0x5698] =	vst v63  }
0x23: {  	_ =	swait.ge [sflag:s13], $0x800  }
0x24: {  	[sflag:s13] =	ssyncset.done $0x0  }
0x25: {  	s17 =	simm.s32 $0x180;
	s16 =	simm.s32 $0xFFFF6C00;
	[sflag:s13] =	ssyncadd.s32 $0xFFFFF800  }
.LBB2_2:
0x26: {  	[spmem:s2] =	stream.indirect.scatter.add.f32 [tilespmem:s10], [sflag:$0x2], $0x10, s17, s11, $0xb8;
	[tilespmem:$0x5698] =	vst v63  }
0x27: {  	s17 =	smov.u32 s16  }
0x28: {  	p1 =	sne.s32 s16, $0xFFFFFC00;
	s16 =	sadd.s32 $0x400, s16;
	_ =	swait.ge [sflag:s12], $0x800  }
0x29: {  	s17 =	sshra.s32 s17, $0x2;
	[sflag:s12] =	ssyncset.done $0x0  }
.Ltmp0:
0x2a: {  	s18 =	sadd.s32 $0x2700, s17;
	[sflag:s12] =	ssyncadd.s32 $0xFFFFF800;
	(pc) =	sbr.rel @p1 .LBB2_2-.Ltmp0, $4  }
0x2b: {  	[spmem:s2] =	stream.indirect.scatter.add.f32 [tilespmem:s10], [sflag:$0x1], $0x10, s18, s11, $0xb8;
	[tilespmem:$0x5698] =	vst v63  }
0x2c: {  	_ =	swait.ge [sflag:s13], $0x800  }
0x2d: {  	[sflag:s13] =	ssyncset.done $0x0  }
0x2e: {  	s17 =	sadd.s32 $0x2780, s17;
	[sflag:s13] =	ssyncadd.s32 $0xFFFFF800  }
0x2f: {  	[spmem:s2] =	stream.indirect.scatter.add.f32 [tilespmem:s10], [sflag:$0x2], $0x10, s17, s11, $0xb8;
	[tilespmem:$0x5698] =	vst v63  }
0x30: {  	_ =	swait.ge [sflag:s12], $0x800  }
0x31: {  	[sflag:s12] =	ssyncset.done $0x0  }
0x32: {  	[sflag:s12] =	ssyncadd.s32 $0xFFFFF800  }
0x33: {  	[spmem:s2] =	stream.indirect.scatter.add.f32 [tilespmem:s10], [sflag:$0x1], $0x10, s14, s11, $0xb8;
	[tilespmem:$0x5698] =	vst v63  }
0x34: {  	_ =	swait.ge [sflag:s12], $0x800  }
0x35: {  	[sflag:s12] =	ssyncset.done $0x0  }
0x36: {  	[sflag:s12] =	ssyncadd.s32 $0xFFFFF800  }
0x37: {  	_ =	swait.ge [sflag:s13], $0x800  }
0x38: {  	[sflag:s13] =	ssyncset.done $0x0  }
0x39: {  	s15 =	sadd.s32 $0x1, s15;
	[sflag:s13] =	ssyncadd.s32 $0xFFFFF800  }
0x3a: {  	s16 =	simm.s32 @!p0 $0x1C03;
	p1 =	sne.s32 s15, s7;
	[bflag:$0x0] =	sbarrier.arrive $0xFFFF  }
0x3b: {  	[hbm:s6], [sflag:s16] =	dma.local @!p0 [spmem:s8], $0x4E20  }
.Ltmp1:
0x3c: {  	_ = 	snop;
	(pc) =	sbr.rel @p1 .LBB2_1-.Ltmp1, $4  }
0x3d: {  	s16 =	simm.s32 @!p0 $0x3  }
0x3e: {  	_ =	swait.ge @!p0 [sflag:s16], $0x4E20  }
0x3f: {  	[sflag:s16] =	ssyncset.done @!p0 $0x0  }
0x40: {  	[sflag:s16] =	ssyncadd.s32 @!p0 $0xFFFFB1E0  }
0x41: {  	_ =	sfence.sel $0x180000  }
0x42: {  	[bflag:$0x0] =	sbarrier.arrive $0xFFFF  }
0x43: {  	_ =	strace $0x90000047  }
0x44: {  	s0 =	sadd.s32 @!p0 $0x100000, s0;
	[bflag:$0x2] =	sbarrier.arrive $0xFFFF  }
0x45: {  	[sflag:s0] =	ssyncadd.tile.s32 @!p0 $0x1;
	_ =	shalt  }
.Lfunc_end2:
_tile_overlayer_lowered:
.L_overlay_start_2:
0x46: {  	(tag) =	ssettag $0x2  }
0x47: {  	s0 =	rddreg [dreg:$0x0];
	s2 =	stileid.u32  }
0x48: {  	s1 =	rddreg [dreg:$0x1];
	p0 =	sne.s32 s2, $0x0  }
0x49: {  	s3 =	rddreg [dreg:$0x2];
	[bflag:$0x3] =	sbarrier.arrive $0xFFFF;
	s2 =	simm.s32 @!p0 $0x1C03  }
0x4a: {  	[timem:s3], [sflag:s2] =	dma.local @!p0 [hbm:s0], s1  }
0x4b: {  	s0 =	simm.s32 @!p0 $0x3  }
0x4c: {  	_ =	swait.ge @!p0 [sflag:s0], s1  }
0x4d: {  	s1 =	ssub.s32 @!p0 $0x0, s1;
	[sflag:s0] =	ssyncset.done @!p0 $0x0  }
0x4e: {  	[sflag:s0] =	ssyncadd.s32 @!p0 s1  }
0x4f: {  	[bflag:$0x3] =	sbarrier.arrive $0xFFFF  }
0x50: {  	_ =	shalt  }

</sc_bundles>
